<compile_context>
chip_gen: v7x
topology: tpu7x:2x2x1
jax: 0.10.2.dev20260603
libtpu: 0.0.44.dev20260713+nightly
codegen_flags: <defaults>
</compile_context>

<pallas_src>
import jax
import jax.numpy as jnp
from jax import lax
from jax.experimental import pallas as pl
from jax.experimental.pallas import tpu as pltpu
from jax.experimental.pallas import tpu_sc as plsc

N = 100000
E = 1600000
B = 512
DF = 128
DE = 16
DU = 64
HID = 256
DOUT = 64

NC = 2
NS = 16
NW = NC * NS
L = 16

EBLK = 3200
ENCH = E // EBLK
EOUTER = (ENCH + NW - 1) // NW
ESUB = EBLK // 128
EGRP = EBLK // L

NCHUNK = 160
NNCH = N // NCHUNK
NOUTER = (NNCH + NW - 1) // NW
NSUB = 2
NHALF = NCHUNK // NSUB

FROWS = EBLK * DE // 128
FSUB = 10
FBLK = EBLK * FSUB
FGRID = E // FBLK


def _mesh():
    return plsc.VectorSubcoreMesh(
        core_axis_name="c", subcore_axis_name="s", num_cores=NC, num_subcores=NS
    )


def _sc_params():
    return pltpu.CompilerParams(
        needs_layout_passes=False, use_tc_tiling_on_sc=False
    )


def _fmt_body(a_ref, ei_ref, o_ref, row_ref):
    for sb in range(FSUB):
        b = a_ref[:, EBLK * sb:EBLK * (sb + 1)].T
        o_ref[pl.ds(FROWS * sb, FROWS), :] = jnp.concatenate(
            [b[FROWS * k:FROWS * (k + 1), :] for k in range(8)], axis=1
        )
    i = pl.program_id(0)
    row_ref[pl.ds(i * FBLK, FBLK)] = ei_ref[0, :]


def _node_body(x_hbm, batch_hbm, zn_hbm, nsum_hbm, ncnt_hbm,
               nacc_sh, bat_v, seg2_v, x_v, cnt_n_v):
    c = lax.axis_index("c")
    s = lax.axis_index("s")
    wid = s * NC + c
    iota = lax.iota(jnp.int32, L)
    ones = jnp.ones((L,), jnp.float32)
    zf = jnp.zeros((L,), jnp.float32)

    srow = s * (B // NS)
    pltpu.sync_copy(zn_hbm.at[pl.ds(srow, B // NS)],
                    nacc_sh.at[pl.ds(srow, B // NS)])

    def _zero(i, carry):
        cnt_n_v[i] = zf
        return carry

    lax.fori_loop(0, B, _zero, 0)
    plsc.subcore_barrier()

    def _nchunk(i, carry):
        k = wid + i * NW

        @pl.when(k < NNCH)
        def _():
            off = k * NCHUNK
            pltpu.sync_copy(batch_hbm.at[pl.ds(off, NCHUNK)], bat_v)
            pltpu.sync_copy(x_hbm.at[pl.ds(off, NCHUNK)], x_v)
            for h in range(NSUB):
                for t in range(NHALF // L):
                    seg2_v[h, pl.ds(t * L, L)] = bat_v[pl.ds(h * NHALF + t * L, L)]
            for h in range(NSUB):
                pltpu.sync_copy(
                    x_v.at[pl.ds(h * NHALF, NHALF)],
                    nacc_sh.at[seg2_v.at[h]],
                    add=True,
                )
            for g in range(NCHUNK // L):
                seg16 = bat_v[pl.ds(g * L, L)]
                plsc.addupdate_scatter(cnt_n_v, [seg16, iota], ones)

        return carry

    lax.fori_loop(0, NOUTER, _nchunk, 0)
    plsc.subcore_barrier()

    pltpu.sync_copy(nacc_sh.at[pl.ds(srow, B // NS)],
                    nsum_hbm.at[c, pl.ds(srow, B // NS)])
    pltpu.sync_copy(cnt_n_v, ncnt_hbm.at[wid])


def _edge_body(row_hbm, attr_hbm, batch_hbm, ze_hbm, esum_hbm, ecnt_hbm,
               batch_sh, eacc_sh, rows_v, seg_e_v, seg_p_v, attr_v, cnt_e_v,
               sem_g, sem_a):
    c = lax.axis_index("c")
    s = lax.axis_index("s")
    wid = s * NC + c
    iota = lax.iota(jnp.int32, L)
    ones = jnp.ones((L,), jnp.float32)
    zf = jnp.zeros((L,), jnp.float32)
    pattern = FROWS * (iota % 8) + iota // 8

    @pl.when(s == 0)
    def _():
        pltpu.sync_copy(batch_hbm, batch_sh)

    srow = s * (B // NS)
    pltpu.sync_copy(ze_hbm.at[pl.ds(srow, B // NS)],
                    eacc_sh.at[pl.ds(srow, B // NS)])

    def _zero(i, carry):
        cnt_e_v[i] = zf
        return carry

    lax.fori_loop(0, B, _zero, 0)
    plsc.subcore_barrier()

    def _echunk(i, carry):
        kc = wid + i * NW

        @pl.when(kc < ENCH)
        def _():
            off = kc * EBLK
            pltpu.sync_copy(row_hbm.at[pl.ds(off, EBLK)], rows_v)
            gds = [
                pltpu.async_copy(
                    batch_sh.at[rows_v.at[pl.ds(t * 128, 128)]],
                    seg_e_v.at[pl.ds(t * 128, 128)],
                    sem_g,
                )
                for t in range(ESUB)
            ]
            da = pltpu.async_copy(attr_hbm.at[pl.ds(off, EBLK)], attr_v, sem_a)
            for gd in gds:
                gd.wait()

            def _grp(g, c2):
                seg16 = seg_e_v[pl.ds(g * L, L)]
                plsc.addupdate_scatter(cnt_e_v, [seg16, iota], ones)
                segp = plsc.load_gather(seg_e_v, [pattern + 2 * g])
                seg_p_v[g // 8, pl.ds((g % 8) * L, L)] = segp
                return c2

            lax.fori_loop(0, EGRP, _grp, 0)
            da.wait()
            for t in range(ESUB):
                pltpu.sync_copy(
                    attr_v.at[pl.ds(t * 128, 128)],
                    eacc_sh.at[seg_p_v.at[t]],
                    add=True,
                )

        return carry

    lax.fori_loop(0, EOUTER, _echunk, 0)
    plsc.subcore_barrier()

    pltpu.sync_copy(eacc_sh.at[pl.ds(srow, B // NS)],
                    esum_hbm.at[c, pl.ds(srow, B // NS)])
    pltpu.sync_copy(cnt_e_v, ecnt_hbm.at[wid])


def _finish_body(u_ref, npart, ncnt, epart, ecnt, w1, b1, w2, b2, o_ref):
    nsum = jnp.sum(npart[...], axis=0)
    ncount = jnp.sum(ncnt[...], axis=(0, 2))[:, None]
    esum = jnp.sum(epart[...], axis=0)
    ecount = jnp.sum(ecnt[...], axis=(0, 2))[:, None]
    ninfo = nsum / jnp.maximum(ncount, 1.0)
    einfo = esum / jnp.maximum(ecount, 1.0)
    cat = jnp.concatenate([u_ref[...], ninfo, einfo], axis=1)
    h = jnp.maximum(
        jnp.dot(cat, w1[...], preferred_element_type=jnp.float32) + b1[...], 0.0
    )
    o_ref[...] = jnp.dot(h, w2[...], preferred_element_type=jnp.float32) + b2[...]


def kernel(x, edge_index, edge_attr, u, batch, W1, b1, W2, b2):
    ze = jnp.zeros((B, DE), jnp.float32)
    zn = jnp.zeros((B, DF), jnp.float32)

    ea_lin, row = pl.pallas_call(
        _fmt_body,
        grid=(FGRID,),
        in_specs=[
            pl.BlockSpec((DE, FBLK), lambda i: (0, i)),
            pl.BlockSpec((2, FBLK), lambda i: (0, i)),
        ],
        out_specs=[
            pl.BlockSpec((FSUB * FROWS, 128), lambda i: (i, 0)),
            pl.BlockSpec((E,), lambda i: (0,)),
        ],
        out_shape=[
            jax.ShapeDtypeStruct((E * DE // 128, 128), jnp.float32),
            jax.ShapeDtypeStruct((E,), jnp.int32),
        ],
    )(edge_attr.T, edge_index)
    ea_2d = jnp.reshape(ea_lin, (E, DE))

    node_fn = pl.kernel(
        _node_body,
        out_type=(
            jax.ShapeDtypeStruct((NC, B, DF), jnp.float32),
            jax.ShapeDtypeStruct((NW, B, L), jnp.float32),
        ),
        mesh=_mesh(),
        compiler_params=_sc_params(),
        scratch_types=[
            pltpu.VMEM_SHARED((B, DF), jnp.float32),
            pltpu.VMEM((NCHUNK,), jnp.int32),
            pltpu.VMEM((NSUB, NHALF), jnp.int32),
            pltpu.VMEM((NCHUNK, DF), jnp.float32),
            pltpu.VMEM((B, L), jnp.float32),
        ],
    )
    nsum, ncnt = node_fn(x, batch, zn)

    edge_fn = pl.kernel(
        _edge_body,
        out_type=(
            jax.ShapeDtypeStruct((NC, B, DE), jnp.float32),
            jax.ShapeDtypeStruct((NW, B, L), jnp.float32),
        ),
        mesh=_mesh(),
        compiler_params=_sc_params(),
        scratch_types=[
            pltpu.VMEM_SHARED((N,), jnp.int32),
            pltpu.VMEM_SHARED((B, DE), jnp.float32),
            pltpu.VMEM((EBLK,), jnp.int32),
            pltpu.VMEM((EBLK,), jnp.int32),
            pltpu.VMEM((ESUB, 128), jnp.int32),
            pltpu.VMEM((EBLK, DE), jnp.float32),
            pltpu.VMEM((B, L), jnp.float32),
            pltpu.SemaphoreType.DMA,
            pltpu.SemaphoreType.DMA,
        ],
    )
    ze_dep = ze + ncnt[0, :, :DE] * 0.0
    esum, ecnt = edge_fn(row, ea_2d, batch, ze_dep)

    out = pl.pallas_call(
        _finish_body,
        out_shape=jax.ShapeDtypeStruct((B, DOUT), jnp.float32),
    )(u, nsum, ncnt, esum, ecnt, W1, b1.reshape(1, HID), W2, b2.reshape(1, DOUT))
    return out

# --- scband reference (transcript-rebuilt; emitter-appended) ---
"""Pipeline reference for scband-global-model-ml3-31284541784581 (READ-ONLY COPY).

The authoritative reference and input builder live on the scoring server;
editing this copy changes nothing except your own understanding.
"""

import jax, jax.numpy as jnp
import numpy as np

N = 100000
E = 1600000
B = 512
D_FEAT = 128
D_EDGE = 16
D_U = 64
IN_DIM = D_U + D_FEAT + D_EDGE  # 208
HID = 256
OUT = 64


def setup_inputs(seed: int = 0) -> dict:
    key = jax.random.key(seed)
    ks = jax.random.split(key, 10)
    x = jax.random.normal(ks[0], (N, D_FEAT), dtype=jnp.float32)
    edge_index = jax.random.randint(ks[1], (2, E), 0, N, dtype=jnp.int32)
    edge_attr = jax.random.normal(ks[2], (E, D_EDGE), dtype=jnp.float32)
    u = jax.random.normal(ks[3], (B, D_U), dtype=jnp.float32)
    batch = jnp.sort(jax.random.randint(ks[4], (N,), 0, B, dtype=jnp.int32))
    W1 = jax.random.normal(ks[5], (IN_DIM, HID), dtype=jnp.float32) * (1.0 / np.sqrt(IN_DIM))
    b1 = jnp.zeros((HID,), dtype=jnp.float32)
    W2 = jax.random.normal(ks[6], (HID, OUT), dtype=jnp.float32) * (1.0 / np.sqrt(HID))
    b2 = jnp.zeros((OUT,), dtype=jnp.float32)
    return {"x": x, "edge_index": edge_index, "edge_attr": edge_attr, "u": u,
            "batch": batch, "W1": W1, "b1": b1, "W2": W2, "b2": b2}


def _scatter_mean(data, idx, num_segments):
    s = jax.ops.segment_sum(data, idx, num_segments=num_segments)
    cnt = jax.ops.segment_sum(jnp.ones((data.shape[0], 1), dtype=data.dtype), idx,
                              num_segments=num_segments)
    return s / jnp.maximum(cnt, 1.0)


def reference(x, edge_index, edge_attr, u, batch, W1, b1, W2, b2):
    row = edge_index[0]
    # edge info pooled per-graph: scatter_mean(edge_attr, batch[row])
    edge_seg = jnp.take(batch, row, axis=0)
    edge_info = _scatter_mean(edge_attr, edge_seg, u.shape[0])
    # node info pooled per-graph
    node_info = _scatter_mean(x, batch, u.shape[0])
    out = jnp.concatenate([u, node_info, edge_info], axis=1)
    # MLP (eval mode: dropout is identity)
    h = jax.nn.relu(out @ W1 + b1)
    return h @ W2 + b2

if __name__ == "__main__":
    import jax
    _d = setup_inputs()
    print(jax.jit(kernel)(*tuple(_d.values())))

</pallas_src>

<mosaic_0001>
#map = affine_map<(d0, d1) -> (0, 0)>
#map1 = affine_map<(d0, d1) -> (0)>
#map2 = affine_map<(d0, d1) -> (0, 0, 0)>
module attributes {stable_mosaic.version = 14 : i64} {
  func.func @_node_body(%arg0: i32, %arg1: i32, %arg2: memref<100000x128xf32, #tpu.memory_space<hbm>>, %arg3: memref<100000xi32, #tpu.memory_space<hbm>>, %arg4: memref<512x128xf32, #tpu.memory_space<hbm>>, %arg5: memref<2x512x128xf32, #tpu.memory_space<hbm>>, %arg6: memref<32x512x16xf32, #tpu.memory_space<hbm>>, %arg7: memref<512x128xf32, #tpu.memory_space<vmem_shared>>, %arg8: memref<160xi32, #tpu.memory_space<vmem>>, %arg9: memref<2x80xi32, #tpu.memory_space<vmem>>, %arg10: memref<160x128xf32, #tpu.memory_space<vmem>>, %arg11: memref<512x16xf32, #tpu.memory_space<vmem>>) attributes {dimension_semantics = [#tpu.dimension_semantics<core_parallel>, #tpu.dimension_semantics<subcore_parallel>], iteration_bounds = array<i64: 2, 16>, scalar_prefetch = 0 : i64, scratch_operands = 5 : i64, tpu.core_type = #tpu.core_type<sc_vector_subcore>, window_params = [{transform_indices = #map}, {transform_indices = #map1}, {transform_indices = #map}, {transform_indices = #map2}, {transform_indices = #map2}]} {
    %mul3A = arith.constant 2 : i32
    %mul3A_0 = arith.muli %arg1, %mul3A : i32
    %add3A = arith.addi %mul3A_0, %arg0 : i32
    %iota3A = tpu.iota {dimensions = array<i32: 0>} : vector<16xi32>
    %broadcast_in_dim3A = arith.constant 1.000000e+00 : f32
    %broadcast_in_dim3A_1 = vector.broadcast %broadcast_in_dim3A : f32 to vector<16xf32>
    %broadcast_in_dim3A_2 = arith.constant 0.000000e+00 : f32
    %broadcast_in_dim3A_3 = vector.broadcast %broadcast_in_dim3A_2 : f32 to vector<16xf32>
    %mul3A_4 = arith.constant 32 : i32
    %mul3A_5 = arith.muli %arg1, %mul3A_4 : i32
    "tpu.region"() ({
      %run_scoped3A = tpu.sem_alloc : memref<!tpu.dma_semaphore, #tpu.memory_space<semaphore_mem>>
      %dma_start3A = arith.constant 0 : i32
      %dma_start3A_18 = tpu.memref_slice %arg7[%mul3A_5, %dma_start3A] : memref<512x128xf32, #tpu.memory_space<vmem_shared>> -> memref<32x128xf32, #tpu.memory_space<vmem_shared>>
      %dma_start3A_19 = arith.constant 0 : i32
      %dma_start3A_20 = tpu.memref_slice %arg4[%mul3A_5, %dma_start3A_19] : memref<512x128xf32, #tpu.memory_space<hbm>> -> memref<32x128xf32, #tpu.memory_space<hbm>>
      tpu.enqueue_dma source(%dma_start3A_20 : memref<32x128xf32, #tpu.memory_space<hbm>>) target(%dma_start3A_18 : memref<32x128xf32, #tpu.memory_space<vmem_shared>>) target_semaphore(%run_scoped3A : memref<!tpu.dma_semaphore, #tpu.memory_space<semaphore_mem>>)
      %dma_wait3A = arith.constant 0 : i32
      %dma_wait3A_21 = tpu.memref_slice %arg7[%mul3A_5, %dma_wait3A] : memref<512x128xf32, #tpu.memory_space<vmem_shared>> -> memref<32x128xf32, #tpu.memory_space<vmem_shared>>
      %dma_wait3A_22 = arith.constant 0 : i32
      %dma_wait3A_23 = tpu.memref_slice %arg4[%mul3A_5, %dma_wait3A_22] : memref<512x128xf32, #tpu.memory_space<hbm>> -> memref<32x128xf32, #tpu.memory_space<hbm>>
      tpu.wait_dma2 semaphore(%run_scoped3A : memref<!tpu.dma_semaphore, #tpu.memory_space<semaphore_mem>>) src(%dma_wait3A_23 : memref<32x128xf32, #tpu.memory_space<hbm>>) dst(%dma_wait3A_21 : memref<32x128xf32, #tpu.memory_space<vmem_shared>>)
      tpu.yield
    }) : () -> ()
    %scan3A = arith.constant 0 : i32
    %scan3A_6 = arith.constant 0 : i32
    %scan3A_7 = arith.constant 512 : i32
    %scan3A_8 = arith.addi %scan3A_6, %scan3A_7 : i32
    %scan3A_9 = arith.constant 1 : i32
    scf.for %scan3A_18 = %scan3A_6 to %scan3A_8 step %scan3A_9  : i32 {
      %swap3A = arith.index_cast %scan3A_18 : i32 to index
      %swap3A_19 = arith.constant 0 : index
      %swap3A_20 = tpu.vector_load %arg11[%swap3A, %swap3A_19] {strides = array<i32>} : memref<512x16xf32, #tpu.memory_space<vmem>>, vector<16xf32>,
      tpu.vector_store %arg11[%swap3A, %swap3A_19], %broadcast_in_dim3A_3 {strides = array<i32>} : memref<512x16xf32, #tpu.memory_space<vmem>>, vector<16xf32>,
    }
    %scan3A_10 = arith.constant 512 : i32
    %barrier3A = arith.constant 0 : index
    tpu.barrier barrier_id(%barrier3A)
    %scan3A_11 = arith.constant 0 : i32
    %scan3A_12 = arith.constant 0 : i32
    %scan3A_13 = arith.constant 20 : i32
    %scan3A_14 = arith.addi %scan3A_12, %scan3A_13 : i32
    %scan3A_15 = arith.constant 1 : i32
    scf.for %scan3A_18 = %scan3A_12 to %scan3A_14 step %scan3A_15  : i32 {
      %mul3A_19 = arith.constant 32 : i32
      %mul3A_20 = arith.muli %scan3A_18, %mul3A_19 : i32
      %add3A_21 = arith.addi %add3A, %mul3A_20 : i32
      %lt3A = arith.constant 625 : i32
      %lt3A_22 = arith.cmpi slt, %add3A_21, %lt3A : i32
      %convert_element_type3A = arith.extui %lt3A_22 : i1 to i32
      %cond3A = arith.constant 0 : i32
      %cond3A_23 = arith.cmpi ne, %convert_element_type3A, %cond3A : i32
      scf.if %cond3A_23 {
        %mul3A_24 = arith.constant 160 : i32
        %mul3A_25 = arith.muli %add3A_21, %mul3A_24 : i32
        "tpu.region"() ({
          %run_scoped3A_105 = tpu.sem_alloc : memref<!tpu.dma_semaphore, #tpu.memory_space<semaphore_mem>>
          %dma_start3A = tpu.memref_slice %arg3[%mul3A_25] : memref<100000xi32, #tpu.memory_space<hbm>> -> memref<160xi32, #tpu.memory_space<hbm>>
          %dma_start3A_106 = tpu.memref_slice %arg3[%mul3A_25] : memref<100000xi32, #tpu.memory_space<hbm>> -> memref<160xi32, #tpu.memory_space<hbm>>
          tpu.enqueue_dma source(%dma_start3A_106 : memref<160xi32, #tpu.memory_space<hbm>>) target(%arg8 : memref<160xi32, #tpu.memory_space<vmem>>) target_semaphore(%run_scoped3A_105 : memref<!tpu.dma_semaphore, #tpu.memory_space<semaphore_mem>>)
          %dma_wait3A = tpu.memref_slice %arg3[%mul3A_25] : memref<100000xi32, #tpu.memory_space<hbm>> -> memref<160xi32, #tpu.memory_space<hbm>>
          %dma_wait3A_107 = tpu.memref_slice %arg3[%mul3A_25] : memref<100000xi32, #tpu.memory_space<hbm>> -> memref<160xi32, #tpu.memory_space<hbm>>
          tpu.wait_dma2 semaphore(%run_scoped3A_105 : memref<!tpu.dma_semaphore, #tpu.memory_space<semaphore_mem>>) src(%dma_wait3A_107 : memref<160xi32, #tpu.memory_space<hbm>>) dst(%arg8 : memref<160xi32, #tpu.memory_space<vmem>>)
          tpu.yield
        }) : () -> ()
        "tpu.region"() ({
          %run_scoped3A_105 = tpu.sem_alloc : memref<!tpu.dma_semaphore, #tpu.memory_space<semaphore_mem>>
          %dma_start3A = arith.constant 0 : i32
          %dma_start3A_106 = tpu.memref_slice %arg2[%mul3A_25, %dma_start3A] : memref<100000x128xf32, #tpu.memory_space<hbm>> -> memref<160x128xf32, #tpu.memory_space<hbm>>
          %dma_start3A_107 = arith.constant 0 : i32
          %dma_start3A_108 = tpu.memref_slice %arg2[%mul3A_25, %dma_start3A_107] : memref<100000x128xf32, #tpu.memory_space<hbm>> -> memref<160x128xf32, #tpu.memory_space<hbm>>
          tpu.enqueue_dma source(%dma_start3A_108 : memref<160x128xf32, #tpu.memory_space<hbm>>) target(%arg10 : memref<160x128xf32, #tpu.memory_space<vmem>>) target_semaphore(%run_scoped3A_105 : memref<!tpu.dma_semaphore, #tpu.memory_space<semaphore_mem>>)
          %dma_wait3A = arith.constant 0 : i32
          %dma_wait3A_109 = tpu.memref_slice %arg2[%mul3A_25, %dma_wait3A] : memref<100000x128xf32, #tpu.memory_space<hbm>> -> memref<160x128xf32, #tpu.memory_space<hbm>>
          %dma_wait3A_110 = arith.constant 0 : i32
          %dma_wait3A_111 = tpu.memref_slice %arg2[%mul3A_25, %dma_wait3A_110] : memref<100000x128xf32, #tpu.memory_space<hbm>> -> memref<160x128xf32, #tpu.memory_space<hbm>>
          tpu.wait_dma2 semaphore(%run_scoped3A_105 : memref<!tpu.dma_semaphore, #tpu.memory_space<semaphore_mem>>) src(%dma_wait3A_111 : memref<160x128xf32, #tpu.memory_space<hbm>>) dst(%arg10 : memref<160x128xf32, #tpu.memory_space<vmem>>)
          tpu.yield
        }) : () -> ()
        %get3A = arith.constant 0 : index
        %get3A_26 = tpu.vector_load %arg8[%get3A] {strides = array<i32>} : memref<160xi32, #tpu.memory_space<vmem>>, vector<16xi32>,
        %swap3A = arith.constant 0 : i32
        %swap3A_27 = arith.index_cast %swap3A : i32 to index
        %swap3A_28 = arith.constant 0 : index
        %swap3A_29 = tpu.vector_load %arg9[%swap3A_27, %swap3A_28] {strides = array<i32>} : memref<2x80xi32, #tpu.memory_space<vmem>>, vector<16xi32>,
        tpu.vector_store %arg9[%swap3A_27, %swap3A_28], %get3A_26 {strides = array<i32>} : memref<2x80xi32, #tpu.memory_space<vmem>>, vector<16xi32>,
        %get3A_30 = arith.constant 16 : index
        %get3A_31 = tpu.vector_load %arg8[%get3A_30] {strides = array<i32>} : memref<160xi32, #tpu.memory_space<vmem>>, vector<16xi32>,
        %swap3A_32 = arith.constant 0 : i32
        %swap3A_33 = arith.index_cast %swap3A_32 : i32 to index
        %swap3A_34 = arith.constant 16 : index
        %swap3A_35 = tpu.vector_load %arg9[%swap3A_33, %swap3A_34] {strides = array<i32>} : memref<2x80xi32, #tpu.memory_space<vmem>>, vector<16xi32>,
        tpu.vector_store %arg9[%swap3A_33, %swap3A_34], %get3A_31 {strides = array<i32>} : memref<2x80xi32, #tpu.memory_space<vmem>>, vector<16xi32>,
        %get3A_36 = arith.constant 32 : index
        %get3A_37 = tpu.vector_load %arg8[%get3A_36] {strides = array<i32>} : memref<160xi32, #tpu.memory_space<vmem>>, vector<16xi32>,
        %swap3A_38 = arith.constant 0 : i32
        %swap3A_39 = arith.index_cast %swap3A_38 : i32 to index
        %swap3A_40 = arith.constant 32 : index
        %swap3A_41 = tpu.vector_load %arg9[%swap3A_39, %swap3A_40] {strides = array<i32>} : memref<2x80xi32, #tpu.memory_space<vmem>>, vector<16xi32>,
        tpu.vector_store %arg9[%swap3A_39, %swap3A_40], %get3A_37 {strides = array<i32>} : memref<2x80xi32, #tpu.memory_space<vmem>>, vector<16xi32>,
        %get3A_42 = arith.constant 48 : index
        %get3A_43 = tpu.vector_load %arg8[%get3A_42] {strides = array<i32>} : memref<160xi32, #tpu.memory_space<vmem>>, vector<16xi32>,
        %swap3A_44 = arith.constant 0 : i32
        %swap3A_45 = arith.index_cast %swap3A_44 : i32 to index
        %swap3A_46 = arith.constant 48 : index
        %swap3A_47 = tpu.vector_load %arg9[%swap3A_45, %swap3A_46] {strides = array<i32>} : memref<2x80xi32, #tpu.memory_space<vmem>>, vector<16xi32>,
        tpu.vector_store %arg9[%swap3A_45, %swap3A_46], %get3A_43 {strides = array<i32>} : memref<2x80xi32, #tpu.memory_space<vmem>>, vector<16xi32>,
        %get3A_48 = arith.constant 64 : index
        %get3A_49 = tpu.vector_load %arg8[%get3A_48] {strides = array<i32>} : memref<160xi32, #tpu.memory_space<vmem>>, vector<16xi32>,
        %swap3A_50 = arith.constant 0 : i32
        %swap3A_51 = arith.index_cast %swap3A_50 : i32 to index
        %swap3A_52 = arith.constant 64 : index
        %swap3A_53 = tpu.vector_load %arg9[%swap3A_51, %swap3A_52] {strides = array<i32>} : memref<2x80xi32, #tpu.memory_space<vmem>>, vector<16xi32>,
        tpu.vector_store %arg9[%swap3A_51, %swap3A_52], %get3A_49 {strides = array<i32>} : memref<2x80xi32, #tpu.memory_space<vmem>>, vector<16xi32>,
        %get3A_54 = arith.constant 80 : index
        %get3A_55 = tpu.vector_load %arg8[%get3A_54] {strides = array<i32>} : memref<160xi32, #tpu.memory_space<vmem>>, vector<16xi32>,
        %swap3A_56 = arith.constant 1 : i32
        %swap3A_57 = arith.index_cast %swap3A_56 : i32 to index
        %swap3A_58 = arith.constant 0 : index
        %swap3A_59 = tpu.vector_load %arg9[%swap3A_57, %swap3A_58] {strides = array<i32>} : memref<2x80xi32, #tpu.memory_space<vmem>>, vector<16xi32>,
        tpu.vector_store %arg9[%swap3A_57, %swap3A_58], %get3A_55 {strides = array<i32>} : memref<2x80xi32, #tpu.memory_space<vmem>>, vector<16xi32>,
        %get3A_60 = arith.constant 96 : index
        %get3A_61 = tpu.vector_load %arg8[%get3A_60] {strides = array<i32>} : memref<160xi32, #tpu.memory_space<vmem>>, vector<16xi32>,
        %swap3A_62 = arith.constant 1 : i32
        %swap3A_63 = arith.index_cast %swap3A_62 : i32 to index
        %swap3A_64 = arith.constant 16 : index
        %swap3A_65 = tpu.vector_load %arg9[%swap3A_63, %swap3A_64] {strides = array<i32>} : memref<2x80xi32, #tpu.memory_space<vmem>>, vector<16xi32>,
        tpu.vector_store %arg9[%swap3A_63, %swap3A_64], %get3A_61 {strides = array<i32>} : memref<2x80xi32, #tpu.memory_space<vmem>>, vector<16xi32>,
        %get3A_66 = arith.constant 112 : index
        %get3A_67 = tpu.vector_load %arg8[%get3A_66] {strides = array<i32>} : memref<160xi32, #tpu.memory_space<vmem>>, vector<16xi32>,
        %swap3A_68 = arith.constant 1 : i32
        %swap3A_69 = arith.index_cast %swap3A_68 : i32 to index
        %swap3A_70 = arith.constant 32 : index
        %swap3A_71 = tpu.vector_load %arg9[%swap3A_69, %swap3A_70] {strides = array<i32>} : memref<2x80xi32, #tpu.memory_space<vmem>>, vector<16xi32>,
        tpu.vector_store %arg9[%swap3A_69, %swap3A_70], %get3A_67 {strides = array<i32>} : memref<2x80xi32, #tpu.memory_space<vmem>>, vector<16xi32>,
        %get3A_72 = arith.constant 128 : index
        %get3A_73 = tpu.vector_load %arg8[%get3A_72] {strides = array<i32>} : memref<160xi32, #tpu.memory_space<vmem>>, vector<16xi32>,
        %swap3A_74 = arith.constant 1 : i32
        %swap3A_75 = arith.index_cast %swap3A_74 : i32 to index
        %swap3A_76 = arith.constant 48 : index
        %swap3A_77 = tpu.vector_load %arg9[%swap3A_75, %swap3A_76] {strides = array<i32>} : memref<2x80xi32, #tpu.memory_space<vmem>>, vector<16xi32>,
        tpu.vector_store %arg9[%swap3A_75, %swap3A_76], %get3A_73 {strides = array<i32>} : memref<2x80xi32, #tpu.memory_space<vmem>>, vector<16xi32>,
        %get3A_78 = arith.constant 144 : index
        %get3A_79 = tpu.vector_load %arg8[%get3A_78] {strides = array<i32>} : memref<160xi32, #tpu.memory_space<vmem>>, vector<16xi32>,
        %swap3A_80 = arith.constant 1 : i32
        %swap3A_81 = arith.index_cast %swap3A_80 : i32 to index
        %swap3A_82 = arith.constant 64 : index
        %swap3A_83 = tpu.vector_load %arg9[%swap3A_81, %swap3A_82] {strides = array<i32>} : memref<2x80xi32, #tpu.memory_space<vmem>>, vector<16xi32>,
        tpu.vector_store %arg9[%swap3A_81, %swap3A_82], %get3A_79 {strides = array<i32>} : memref<2x80xi32, #tpu.memory_space<vmem>>, vector<16xi32>,
        %run_scoped3A = arith.constant 0 : i32
        "tpu.region"() ({
          %run_scoped3A_105 = tpu.sem_alloc : memref<!tpu.dma_semaphore, #tpu.memory_space<semaphore_mem>>
          %dma_start3A = arith.constant 0 : i32
          %dma_start3A_106 = arith.constant 0 : i32
          %dma_start3A_107 = tpu.memref_slice %arg10[%dma_start3A, %dma_start3A_106] : memref<160x128xf32, #tpu.memory_space<vmem>> -> memref<80x128xf32, #tpu.memory_space<vmem>>
          %dma_start3A_108 = arith.constant 0 : i32
          %dma_start3A_109 = tpu.memref_slice %arg9[%run_scoped3A, %dma_start3A_108] : memref<2x80xi32, #tpu.memory_space<vmem>> -> memref<1x80xi32, #tpu.memory_space<vmem>>
          %dma_start3A_110 = tpu.memref_squeeze %dma_start3A_109 : memref<1x80xi32, #tpu.memory_space<vmem>> -> memref<80xi32, #tpu.memory_space<vmem>>
          %dma_start3A_111 = arith.constant 0 : i32
          %dma_start3A_112 = arith.constant 0 : i32
          %dma_start3A_113 = tpu.memref_slice %arg7[%dma_start3A_111, %dma_start3A_112] : memref<512x128xf32, #tpu.memory_space<vmem_shared>> -> memref<512x128xf32, #tpu.memory_space<vmem_shared>>
          tpu.enqueue_indirect_dma source(%dma_start3A_107 : memref<80x128xf32, #tpu.memory_space<vmem>>) target(%dma_start3A_113 : memref<512x128xf32, #tpu.memory_space<vmem_shared>>) offsets(%dma_start3A_110 : memref<80xi32, #tpu.memory_space<vmem>>) semaphore(%run_scoped3A_105 : memref<!tpu.dma_semaphore, #tpu.memory_space<semaphore_mem>>) {add = true}
          %dma_wait3A = arith.constant 0 : i32
          %dma_wait3A_114 = arith.constant 0 : i32
          %dma_wait3A_115 = tpu.memref_slice %arg10[%dma_wait3A, %dma_wait3A_114] : memref<160x128xf32, #tpu.memory_space<vmem>> -> memref<80x128xf32, #tpu.memory_space<vmem>>
          %dma_wait3A_116 = arith.constant 0 : i32
          %dma_wait3A_117 = tpu.memref_slice %arg9[%run_scoped3A, %dma_wait3A_116] : memref<2x80xi32, #tpu.memory_space<vmem>> -> memref<1x80xi32, #tpu.memory_space<vmem>>
          %dma_wait3A_118 = tpu.memref_squeeze %dma_wait3A_117 : memref<1x80xi32, #tpu.memory_space<vmem>> -> memref<80xi32, #tpu.memory_space<vmem>>
          %dma_wait3A_119 = arith.constant 0 : i32
          %dma_wait3A_120 = arith.constant 0 : i32
          %dma_wait3A_121 = tpu.memref_slice %arg7[%dma_wait3A_119, %dma_wait3A_120] : memref<512x128xf32, #tpu.memory_space<vmem_shared>> -> memref<512x128xf32, #tpu.memory_space<vmem_shared>>
          tpu.wait_indirect_dma semaphore(%run_scoped3A_105 : memref<!tpu.dma_semaphore, #tpu.memory_space<semaphore_mem>>) src(%dma_wait3A_115 : memref<80x128xf32, #tpu.memory_space<vmem>>) dst(%dma_wait3A_121 : memref<512x128xf32, #tpu.memory_space<vmem_shared>>)
          tpu.yield
        }) : () -> ()
        %run_scoped3A_84 = arith.constant 1 : i32
        "tpu.region"() ({
          %run_scoped3A_105 = tpu.sem_alloc : memref<!tpu.dma_semaphore, #tpu.memory_space<semaphore_mem>>
          %dma_start3A = arith.constant 80 : i32
          %dma_start3A_106 = arith.constant 0 : i32
          %dma_start3A_107 = tpu.memref_slice %arg10[%dma_start3A, %dma_start3A_106] : memref<160x128xf32, #tpu.memory_space<vmem>> -> memref<80x128xf32, #tpu.memory_space<vmem>>
          %dma_start3A_108 = arith.constant 0 : i32
          %dma_start3A_109 = tpu.memref_slice %arg9[%run_scoped3A_84, %dma_start3A_108] : memref<2x80xi32, #tpu.memory_space<vmem>> -> memref<1x80xi32, #tpu.memory_space<vmem>>
          %dma_start3A_110 = tpu.memref_squeeze %dma_start3A_109 : memref<1x80xi32, #tpu.memory_space<vmem>> -> memref<80xi32, #tpu.memory_space<vmem>>
          %dma_start3A_111 = arith.constant 0 : i32
          %dma_start3A_112 = arith.constant 0 : i32
          %dma_start3A_113 = tpu.memref_slice %arg7[%dma_start3A_111, %dma_start3A_112] : memref<512x128xf32, #tpu.memory_space<vmem_shared>> -> memref<512x128xf32, #tpu.memory_space<vmem_shared>>
          tpu.enqueue_indirect_dma source(%dma_start3A_107 : memref<80x128xf32, #tpu.memory_space<vmem>>) target(%dma_start3A_113 : memref<512x128xf32, #tpu.memory_space<vmem_shared>>) offsets(%dma_start3A_110 : memref<80xi32, #tpu.memory_space<vmem>>) semaphore(%run_scoped3A_105 : memref<!tpu.dma_semaphore, #tpu.memory_space<semaphore_mem>>) {add = true}
          %dma_wait3A = arith.constant 80 : i32
          %dma_wait3A_114 = arith.constant 0 : i32
          %dma_wait3A_115 = tpu.memref_slice %arg10[%dma_wait3A, %dma_wait3A_114] : memref<160x128xf32, #tpu.memory_space<vmem>> -> memref<80x128xf32, #tpu.memory_space<vmem>>
          %dma_wait3A_116 = arith.constant 0 : i32
          %dma_wait3A_117 = tpu.memref_slice %arg9[%run_scoped3A_84, %dma_wait3A_116] : memref<2x80xi32, #tpu.memory_space<vmem>> -> memref<1x80xi32, #tpu.memory_space<vmem>>
          %dma_wait3A_118 = tpu.memref_squeeze %dma_wait3A_117 : memref<1x80xi32, #tpu.memory_space<vmem>> -> memref<80xi32, #tpu.memory_space<vmem>>
          %dma_wait3A_119 = arith.constant 0 : i32
          %dma_wait3A_120 = arith.constant 0 : i32
          %dma_wait3A_121 = tpu.memref_slice %arg7[%dma_wait3A_119, %dma_wait3A_120] : memref<512x128xf32, #tpu.memory_space<vmem_shared>> -> memref<512x128xf32, #tpu.memory_space<vmem_shared>>
          tpu.wait_indirect_dma semaphore(%run_scoped3A_105 : memref<!tpu.dma_semaphore, #tpu.memory_space<semaphore_mem>>) src(%dma_wait3A_115 : memref<80x128xf32, #tpu.memory_space<vmem>>) dst(%dma_wait3A_121 : memref<512x128xf32, #tpu.memory_space<vmem_shared>>)
          tpu.yield
        }) : () -> ()
        %get3A_85 = arith.constant 0 : index
        %get3A_86 = tpu.vector_load %arg8[%get3A_85] {strides = array<i32>} : memref<160xi32, #tpu.memory_space<vmem>>, vector<16xi32>,
        tpu.vector_store_idx %arg11[%get3A_86, %iota3A], %broadcast_in_dim3A_1 {add = true} : memref<512x16xf32, #tpu.memory_space<vmem>>[vector<16xi32>, vector<16xi32>], vector<16xf32>,
        %get3A_87 = arith.constant 16 : index
        %get3A_88 = tpu.vector_load %arg8[%get3A_87] {strides = array<i32>} : memref<160xi32, #tpu.memory_space<vmem>>, vector<16xi32>,
        tpu.vector_store_idx %arg11[%get3A_88, %iota3A], %broadcast_in_dim3A_1 {add = true} : memref<512x16xf32, #tpu.memory_space<vmem>>[vector<16xi32>, vector<16xi32>], vector<16xf32>,
        %get3A_89 = arith.constant 32 : index
        %get3A_90 = tpu.vector_load %arg8[%get3A_89] {strides = array<i32>} : memref<160xi32, #tpu.memory_space<vmem>>, vector<16xi32>,
        tpu.vector_store_idx %arg11[%get3A_90, %iota3A], %broadcast_in_dim3A_1 {add = true} : memref<512x16xf32, #tpu.memory_space<vmem>>[vector<16xi32>, vector<16xi32>], vector<16xf32>,
        %get3A_91 = arith.constant 48 : index
        %get3A_92 = tpu.vector_load %arg8[%get3A_91] {strides = array<i32>} : memref<160xi32, #tpu.memory_space<vmem>>, vector<16xi32>,
        tpu.vector_store_idx %arg11[%get3A_92, %iota3A], %broadcast_in_dim3A_1 {add = true} : memref<512x16xf32, #tpu.memory_space<vmem>>[vector<16xi32>, vector<16xi32>], vector<16xf32>,
        %get3A_93 = arith.constant 64 : index
        %get3A_94 = tpu.vector_load %arg8[%get3A_93] {strides = array<i32>} : memref<160xi32, #tpu.memory_space<vmem>>, vector<16xi32>,
        tpu.vector_store_idx %arg11[%get3A_94, %iota3A], %broadcast_in_dim3A_1 {add = true} : memref<512x16xf32, #tpu.memory_space<vmem>>[vector<16xi32>, vector<16xi32>], vector<16xf32>,
        %get3A_95 = arith.constant 80 : index
        %get3A_96 = tpu.vector_load %arg8[%get3A_95] {strides = array<i32>} : memref<160xi32, #tpu.memory_space<vmem>>, vector<16xi32>,
        tpu.vector_store_idx %arg11[%get3A_96, %iota3A], %broadcast_in_dim3A_1 {add = true} : memref<512x16xf32, #tpu.memory_space<vmem>>[vector<16xi32>, vector<16xi32>], vector<16xf32>,
        %get3A_97 = arith.constant 96 : index
        %get3A_98 = tpu.vector_load %arg8[%get3A_97] {strides = array<i32>} : memref<160xi32, #tpu.memory_space<vmem>>, vector<16xi32>,
        tpu.vector_store_idx %arg11[%get3A_98, %iota3A], %broadcast_in_dim3A_1 {add = true} : memref<512x16xf32, #tpu.memory_space<vmem>>[vector<16xi32>, vector<16xi32>], vector<16xf32>,
        %get3A_99 = arith.constant 112 : index
        %get3A_100 = tpu.vector_load %arg8[%get3A_99] {strides = array<i32>} : memref<160xi32, #tpu.memory_space<vmem>>, vector<16xi32>,
        tpu.vector_store_idx %arg11[%get3A_100, %iota3A], %broadcast_in_dim3A_1 {add = true} : memref<512x16xf32, #tpu.memory_space<vmem>>[vector<16xi32>, vector<16xi32>], vector<16xf32>,
        %get3A_101 = arith.constant 128 : index
        %get3A_102 = tpu.vector_load %arg8[%get3A_101] {strides = array<i32>} : memref<160xi32, #tpu.memory_space<vmem>>, vector<16xi32>,
        tpu.vector_store_idx %arg11[%get3A_102, %iota3A], %broadcast_in_dim3A_1 {add = true} : memref<512x16xf32, #tpu.memory_space<vmem>>[vector<16xi32>, vector<16xi32>], vector<16xf32>,
        %get3A_103 = arith.constant 144 : index
        %get3A_104 = tpu.vector_load %arg8[%get3A_103] {strides = array<i32>} : memref<160xi32, #tpu.memory_space<vmem>>, vector<16xi32>,
        tpu.vector_store_idx %arg11[%get3A_104, %iota3A], %broadcast_in_dim3A_1 {add = true} : memref<512x16xf32, #tpu.memory_space<vmem>>[vector<16xi32>, vector<16xi32>], vector<16xf32>,
      } else {
      }
    }
    %scan3A_16 = arith.constant 20 : i32
    %barrier3A_17 = arith.constant 0 : index
    tpu.barrier barrier_id(%barrier3A_17)
    "tpu.region"() ({
      %run_scoped3A = tpu.sem_alloc : memref<!tpu.dma_semaphore, #tpu.memory_space<semaphore_mem>>
      %dma_start3A = arith.constant 0 : i32
      %dma_start3A_18 = tpu.memref_slice %arg5[%arg0, %mul3A_5, %dma_start3A] : memref<2x512x128xf32, #tpu.memory_space<hbm>> -> memref<1x32x128xf32, #tpu.memory_space<hbm>>
      %dma_start3A_19 = tpu.memref_squeeze %dma_start3A_18 : memref<1x32x128xf32, #tpu.memory_space<hbm>> -> memref<32x128xf32, #tpu.memory_space<hbm>>
      %dma_start3A_20 = arith.constant 0 : i32
      %dma_start3A_21 = tpu.memref_slice %arg7[%mul3A_5, %dma_start3A_20] : memref<512x128xf32, #tpu.memory_space<vmem_shared>> -> memref<32x128xf32, #tpu.memory_space<vmem_shared>>
      tpu.enqueue_dma source(%dma_start3A_21 : memref<32x128xf32, #tpu.memory_space<vmem_shared>>) target(%dma_start3A_19 : memref<32x128xf32, #tpu.memory_space<hbm>>) target_semaphore(%run_scoped3A : memref<!tpu.dma_semaphore, #tpu.memory_space<semaphore_mem>>)
      %dma_wait3A = arith.constant 0 : i32
      %dma_wait3A_22 = tpu.memref_slice %arg5[%arg0, %mul3A_5, %dma_wait3A] : memref<2x512x128xf32, #tpu.memory_space<hbm>> -> memref<1x32x128xf32, #tpu.memory_space<hbm>>
      %dma_wait3A_23 = tpu.memref_squeeze %dma_wait3A_22 : memref<1x32x128xf32, #tpu.memory_space<hbm>> -> memref<32x128xf32, #tpu.memory_space<hbm>>
      %dma_wait3A_24 = arith.constant 0 : i32
      %dma_wait3A_25 = tpu.memref_slice %arg7[%mul3A_5, %dma_wait3A_24] : memref<512x128xf32, #tpu.memory_space<vmem_shared>> -> memref<32x128xf32, #tpu.memory_space<vmem_shared>>
      tpu.wait_dma2 semaphore(%run_scoped3A : memref<!tpu.dma_semaphore, #tpu.memory_space<semaphore_mem>>) src(%dma_wait3A_25 : memref<32x128xf32, #tpu.memory_space<vmem_shared>>) dst(%dma_wait3A_23 : memref<32x128xf32, #tpu.memory_space<hbm>>)
      tpu.yield
    }) : () -> ()
    "tpu.region"() ({
      %run_scoped3A = tpu.sem_alloc : memref<!tpu.dma_semaphore, #tpu.memory_space<semaphore_mem>>
      %dma_start3A = arith.constant 0 : i32
      %dma_start3A_18 = arith.constant 0 : i32
      %dma_start3A_19 = tpu.memref_slice %arg6[%add3A, %dma_start3A, %dma_start3A_18] : memref<32x512x16xf32, #tpu.memory_space<hbm>> -> memref<1x512x16xf32, #tpu.memory_space<hbm>>
      %dma_start3A_20 = tpu.memref_squeeze %dma_start3A_19 : memref<1x512x16xf32, #tpu.memory_space<hbm>> -> memref<512x16xf32, #tpu.memory_space<hbm>>
      %dma_start3A_21 = arith.constant 0 : i32
      %dma_start3A_22 = arith.constant 0 : i32
      %dma_start3A_23 = tpu.memref_slice %arg6[%add3A, %dma_start3A_21, %dma_start3A_22] : memref<32x512x16xf32, #tpu.memory_space<hbm>> -> memref<1x512x16xf32, #tpu.memory_space<hbm>>
      %dma_start3A_24 = tpu.memref_squeeze %dma_start3A_23 : memref<1x512x16xf32, #tpu.memory_space<hbm>> -> memref<512x16xf32, #tpu.memory_space<hbm>>
      tpu.enqueue_dma source(%arg11 : memref<512x16xf32, #tpu.memory_space<vmem>>) target(%dma_start3A_24 : memref<512x16xf32, #tpu.memory_space<hbm>>) target_semaphore(%run_scoped3A : memref<!tpu.dma_semaphore, #tpu.memory_space<semaphore_mem>>)
      %dma_wait3A = arith.constant 0 : i32
      %dma_wait3A_25 = arith.constant 0 : i32
      %dma_wait3A_26 = tpu.memref_slice %arg6[%add3A, %dma_wait3A, %dma_wait3A_25] : memref<32x512x16xf32, #tpu.memory_space<hbm>> -> memref<1x512x16xf32, #tpu.memory_space<hbm>>
      %dma_wait3A_27 = tpu.memref_squeeze %dma_wait3A_26 : memref<1x512x16xf32, #tpu.memory_space<hbm>> -> memref<512x16xf32, #tpu.memory_space<hbm>>
      %dma_wait3A_28 = arith.constant 0 : i32
      %dma_wait3A_29 = arith.constant 0 : i32
      %dma_wait3A_30 = tpu.memref_slice %arg6[%add3A, %dma_wait3A_28, %dma_wait3A_29] : memref<32x512x16xf32, #tpu.memory_space<hbm>> -> memref<1x512x16xf32, #tpu.memory_space<hbm>>
      %dma_wait3A_31 = tpu.memref_squeeze %dma_wait3A_30 : memref<1x512x16xf32, #tpu.memory_space<hbm>> -> memref<512x16xf32, #tpu.memory_space<hbm>>
      tpu.wait_dma2 semaphore(%run_scoped3A : memref<!tpu.dma_semaphore, #tpu.memory_space<semaphore_mem>>) src(%arg11 : memref<512x16xf32, #tpu.memory_space<vmem>>) dst(%dma_wait3A_31 : memref<512x16xf32, #tpu.memory_space<hbm>>)
      tpu.yield
    }) : () -> ()
    return
  }
}

#map = affine_map<(d0, d1) -> (0)>
#map1 = affine_map<(d0, d1) -> (0, 0)>
#map2 = affine_map<(d0, d1) -> (0, 0, 0)>
module attributes {stable_mosaic.version = 14 : i64} {
  func.func @_edge_body(%arg0: i32, %arg1: i32, %arg2: memref<1600000xi32, #tpu.memory_space<hbm>>, %arg3: memref<1600000x16xf32, #tpu.memory_space<hbm>>, %arg4: memref<100000xi32, #tpu.memory_space<hbm>>, %arg5: memref<512x16xf32, #tpu.memory_space<hbm>>, %arg6: memref<2x512x16xf32, #tpu.memory_space<hbm>>, %arg7: memref<32x512x16xf32, #tpu.memory_space<hbm>>, %arg8: memref<100000xi32, #tpu.memory_space<vmem_shared>>, %arg9: memref<512x16xf32, #tpu.memory_space<vmem_shared>>, %arg10: memref<3200xi32, #tpu.memory_space<vmem>>, %arg11: memref<3200xi32, #tpu.memory_space<vmem>>, %arg12: memref<25x128xi32, #tpu.memory_space<vmem>>, %arg13: memref<3200x16xf32, #tpu.memory_space<vmem>>, %arg14: memref<512x16xf32, #tpu.memory_space<vmem>>, %arg15: memref<!tpu.dma_semaphore, #tpu.memory_space<semaphore_mem>>, %arg16: memref<!tpu.dma_semaphore, #tpu.memory_space<semaphore_mem>>) attributes {dimension_semantics = [#tpu.dimension_semantics<core_parallel>, #tpu.dimension_semantics<subcore_parallel>], iteration_bounds = array<i64: 2, 16>, scalar_prefetch = 0 : i64, scratch_operands = 9 : i64, tpu.core_type = #tpu.core_type<sc_vector_subcore>, window_params = [{transform_indices = #map}, {transform_indices = #map1}, {transform_indices = #map}, {transform_indices = #map1}, {transform_indices = #map2}, {transform_indices = #map2}]} {
    %mul3A = arith.constant 2 : i32
    %mul3A_0 = arith.muli %arg1, %mul3A : i32
    %add3A = arith.addi %mul3A_0, %arg0 : i32
    %iota3A = tpu.iota {dimensions = array<i32: 0>} : vector<16xi32>
    %broadcast_in_dim3A = arith.constant 1.000000e+00 : f32
    %broadcast_in_dim3A_1 = vector.broadcast %broadcast_in_dim3A : f32 to vector<16xf32>
    %broadcast_in_dim3A_2 = arith.constant 0.000000e+00 : f32
    %broadcast_in_dim3A_3 = vector.broadcast %broadcast_in_dim3A_2 : f32 to vector<16xf32>
    %jit3A = arith.constant 8 : i32
    %eq3A = arith.constant 0 : i32
    %eq3A_4 = arith.cmpi eq, %jit3A, %eq3A : i32
    %jit3A_5 = arith.constant 1 : i32
    %select_n3A = arith.select %eq3A_4, %jit3A_5, %jit3A : i32
    %rem3A = vector.broadcast %select_n3A : i32 to vector<16xi32>
    %rem3A_6 = arith.remsi %iota3A, %rem3A : vector<16xi32>
    %ne3A = arith.constant 0 : i32
    %ne3A_7 = vector.broadcast %ne3A : i32 to vector<16xi32>
    %ne3A_8 = arith.cmpi ne, %rem3A_6, %ne3A_7 : vector<16xi32>
    %lt3A = arith.constant 0 : i32
    %lt3A_9 = vector.broadcast %lt3A : i32 to vector<16xi32>
    %lt3A_10 = arith.cmpi slt, %rem3A_6, %lt3A_9 : vector<16xi32>
    %lt3A_11 = arith.constant 0 : i32
    %lt3A_12 = arith.cmpi slt, %select_n3A, %lt3A_11 : i32
    %ne3A_13 = vector.broadcast %lt3A_12 : i1 to vector<16xi1>
    %ne3A_14 = vector.broadcast %ne3A_13 : vector<16xi1> to vector<16xi1>
    %ne3A_15 = arith.xori %lt3A_10, %ne3A_14 : vector<16xi1>
    %and3A = arith.andi %ne3A_15, %ne3A_8 : vector<16xi1>
    %add3A_16 = vector.broadcast %select_n3A : i32 to vector<16xi32>
    %add3A_17 = arith.addi %rem3A_6, %add3A_16 : vector<16xi32>
    %select_n3A_18 = arith.select %and3A, %add3A_17, %rem3A_6 : vector<16xi1>, vector<16xi32>
    %mul3A_19 = arith.constant 400 : i32
    %mul3A_20 = vector.broadcast %mul3A_19 : i32 to vector<16xi32>
    %mul3A_21 = arith.muli %mul3A_20, %select_n3A_18 : vector<16xi32>
    %jit3A_22 = arith.constant 8 : i32
    %div3A = vector.broadcast %jit3A_22 : i32 to vector<16xi32>
    %div3A_23 = arith.divsi %iota3A, %div3A : vector<16xi32>
    %sign3A = arith.constant 0 : i32
    %sign3A_24 = vector.broadcast %sign3A : i32 to vector<16xi32>
    %sign3A_25 = arith.cmpi sgt, %iota3A, %sign3A_24 : vector<16xi32>
    %sign3A_26 = arith.extui %sign3A_25 : vector<16xi1> to vector<16xi32>
    %sign3A_27 = arith.constant 0 : i32
    %sign3A_28 = vector.broadcast %sign3A_27 : i32 to vector<16xi32>
    %sign3A_29 = arith.cmpi slt, %iota3A, %sign3A_28 : vector<16xi32>
    %sign3A_30 = arith.extui %sign3A_29 : vector<16xi1> to vector<16xi32>
    %sign3A_31 = arith.subi %sign3A_26, %sign3A_30 : vector<16xi32>
    %sign3A_32 = arith.constant 0 : i32
    %sign3A_33 = arith.cmpi sgt, %jit3A_22, %sign3A_32 : i32
    %sign3A_34 = arith.extui %sign3A_33 : i1 to i32
    %sign3A_35 = arith.constant 0 : i32
    %sign3A_36 = arith.cmpi slt, %jit3A_22, %sign3A_35 : i32
    %sign3A_37 = arith.extui %sign3A_36 : i1 to i32
    %sign3A_38 = arith.subi %sign3A_34, %sign3A_37 : i32
    %ne3A_39 = vector.broadcast %sign3A_38 : i32 to vector<16xi32>
    %ne3A_40 = arith.cmpi ne, %sign3A_31, %ne3A_39 : vector<16xi32>
    %rem3A_41 = vector.broadcast %jit3A_22 : i32 to vector<16xi32>
    %rem3A_42 = arith.remsi %iota3A, %rem3A_41 : vector<16xi32>
    %ne3A_43 = arith.constant 0 : i32
    %ne3A_44 = vector.broadcast %ne3A_43 : i32 to vector<16xi32>
    %ne3A_45 = arith.cmpi ne, %rem3A_42, %ne3A_44 : vector<16xi32>
    %and3A_46 = arith.andi %ne3A_40, %ne3A_45 : vector<16xi1>
    %sub3A = arith.constant 1 : i32
    %sub3A_47 = vector.broadcast %sub3A : i32 to vector<16xi32>
    %sub3A_48 = arith.subi %div3A_23, %sub3A_47 : vector<16xi32>
    %select_n3A_49 = arith.select %and3A_46, %sub3A_48, %div3A_23 : vector<16xi1>, vector<16xi32>
    %add3A_50 = arith.addi %mul3A_21, %select_n3A_49 : vector<16xi32>
    %eq3A_51 = arith.constant 0 : i32
    %eq3A_52 = arith.cmpi eq, %arg1, %eq3A_51 : i32
    %convert_element_type3A = arith.extui %eq3A_52 : i1 to i32
    %cond3A = arith.constant 0 : i32
    %cond3A_53 = arith.cmpi ne, %convert_element_type3A, %cond3A : i32
    scf.if %cond3A_53 {
      "tpu.region"() ({
        %run_scoped3A = tpu.sem_alloc : memref<!tpu.dma_semaphore, #tpu.memory_space<semaphore_mem>>
        tpu.enqueue_dma source(%arg4 : memref<100000xi32, #tpu.memory_space<hbm>>) target(%arg8 : memref<100000xi32, #tpu.memory_space<vmem_shared>>) target_semaphore(%run_scoped3A : memref<!tpu.dma_semaphore, #tpu.memory_space<semaphore_mem>>)
        tpu.wait_dma2 semaphore(%run_scoped3A : memref<!tpu.dma_semaphore, #tpu.memory_space<semaphore_mem>>) src(%arg4 : memref<100000xi32, #tpu.memory_space<hbm>>) dst(%arg8 : memref<100000xi32, #tpu.memory_space<vmem_shared>>)
        tpu.yield
      }) : () -> ()
    } else {
    }
    %mul3A_54 = arith.constant 32 : i32
    %mul3A_55 = arith.muli %arg1, %mul3A_54 : i32
    "tpu.region"() ({
      %run_scoped3A = tpu.sem_alloc : memref<!tpu.dma_semaphore, #tpu.memory_space<semaphore_mem>>
      %dma_start3A = arith.constant 0 : i32
      %dma_start3A_68 = tpu.memref_slice %arg9[%mul3A_55, %dma_start3A] : memref<512x16xf32, #tpu.memory_space<vmem_shared>> -> memref<32x16xf32, #tpu.memory_space<vmem_shared>>
      %dma_start3A_69 = arith.constant 0 : i32
      %dma_start3A_70 = tpu.memref_slice %arg5[%mul3A_55, %dma_start3A_69] : memref<512x16xf32, #tpu.memory_space<hbm>> -> memref<32x16xf32, #tpu.memory_space<hbm>>
      tpu.enqueue_dma source(%dma_start3A_70 : memref<32x16xf32, #tpu.memory_space<hbm>>) target(%dma_start3A_68 : memref<32x16xf32, #tpu.memory_space<vmem_shared>>) target_semaphore(%run_scoped3A : memref<!tpu.dma_semaphore, #tpu.memory_space<semaphore_mem>>)
      %dma_wait3A = arith.constant 0 : i32
      %dma_wait3A_71 = tpu.memref_slice %arg9[%mul3A_55, %dma_wait3A] : memref<512x16xf32, #tpu.memory_space<vmem_shared>> -> memref<32x16xf32, #tpu.memory_space<vmem_shared>>
      %dma_wait3A_72 = arith.constant 0 : i32
      %dma_wait3A_73 = tpu.memref_slice %arg5[%mul3A_55, %dma_wait3A_72] : memref<512x16xf32, #tpu.memory_space<hbm>> -> memref<32x16xf32, #tpu.memory_space<hbm>>
      tpu.wait_dma2 semaphore(%run_scoped3A : memref<!tpu.dma_semaphore, #tpu.memory_space<semaphore_mem>>) src(%dma_wait3A_73 : memref<32x16xf32, #tpu.memory_space<hbm>>) dst(%dma_wait3A_71 : memref<32x16xf32, #tpu.memory_space<vmem_shared>>)
      tpu.yield
    }) : () -> ()
    %scan3A = arith.constant 0 : i32
    %scan3A_56 = arith.constant 0 : i32
    %scan3A_57 = arith.constant 512 : i32
    %scan3A_58 = arith.addi %scan3A_56, %scan3A_57 : i32
    %scan3A_59 = arith.constant 1 : i32
    scf.for %scan3A_68 = %scan3A_56 to %scan3A_58 step %scan3A_59  : i32 {
      %swap3A = arith.index_cast %scan3A_68 : i32 to index
      %swap3A_69 = arith.constant 0 : index
      %swap3A_70 = tpu.vector_load %arg14[%swap3A, %swap3A_69] {strides = array<i32>} : memref<512x16xf32, #tpu.memory_space<vmem>>, vector<16xf32>,
      tpu.vector_store %arg14[%swap3A, %swap3A_69], %broadcast_in_dim3A_3 {strides = array<i32>} : memref<512x16xf32, #tpu.memory_space<vmem>>, vector<16xf32>,
    }
    %scan3A_60 = arith.constant 512 : i32
    %barrier3A = arith.constant 0 : index
    tpu.barrier barrier_id(%barrier3A)
    %scan3A_61 = arith.constant 0 : i32
    %scan3A_62 = arith.constant 0 : i32
    %scan3A_63 = arith.constant 16 : i32
    %scan3A_64 = arith.addi %scan3A_62, %scan3A_63 : i32
    %scan3A_65 = arith.constant 1 : i32
    scf.for %scan3A_68 = %scan3A_62 to %scan3A_64 step %scan3A_65  : i32 {
      %mul3A_69 = arith.constant 32 : i32
      %mul3A_70 = arith.muli %scan3A_68, %mul3A_69 : i32
      %add3A_71 = arith.addi %add3A, %mul3A_70 : i32
      %lt3A_72 = arith.constant 500 : i32
      %lt3A_73 = arith.cmpi slt, %add3A_71, %lt3A_72 : i32
      %convert_element_type3A_74 = arith.extui %lt3A_73 : i1 to i32
      %cond3A_75 = arith.constant 0 : i32
      %cond3A_76 = arith.cmpi ne, %convert_element_type3A_74, %cond3A_75 : i32
      scf.if %cond3A_76 {
        %mul3A_77 = arith.constant 3200 : i32
        %mul3A_78 = arith.muli %add3A_71, %mul3A_77 : i32
        "tpu.region"() ({
          %run_scoped3A_415 = tpu.sem_alloc : memref<!tpu.dma_semaphore, #tpu.memory_space<semaphore_mem>>
          %dma_start3A_416 = tpu.memref_slice %arg2[%mul3A_78] : memref<1600000xi32, #tpu.memory_space<hbm>> -> memref<3200xi32, #tpu.memory_space<hbm>>
          %dma_start3A_417 = tpu.memref_slice %arg2[%mul3A_78] : memref<1600000xi32, #tpu.memory_space<hbm>> -> memref<3200xi32, #tpu.memory_space<hbm>>
          tpu.enqueue_dma source(%dma_start3A_417 : memref<3200xi32, #tpu.memory_space<hbm>>) target(%arg10 : memref<3200xi32, #tpu.memory_space<vmem>>) target_semaphore(%run_scoped3A_415 : memref<!tpu.dma_semaphore, #tpu.memory_space<semaphore_mem>>)
          %dma_wait3A_418 = tpu.memref_slice %arg2[%mul3A_78] : memref<1600000xi32, #tpu.memory_space<hbm>> -> memref<3200xi32, #tpu.memory_space<hbm>>
          %dma_wait3A_419 = tpu.memref_slice %arg2[%mul3A_78] : memref<1600000xi32, #tpu.memory_space<hbm>> -> memref<3200xi32, #tpu.memory_space<hbm>>
          tpu.wait_dma2 semaphore(%run_scoped3A_415 : memref<!tpu.dma_semaphore, #tpu.memory_space<semaphore_mem>>) src(%dma_wait3A_419 : memref<3200xi32, #tpu.memory_space<hbm>>) dst(%arg10 : memref<3200xi32, #tpu.memory_space<vmem>>)
          tpu.yield
        }) : () -> ()
        %dma_start3A = arith.constant 0 : i32
        %dma_start3A_79 = tpu.memref_slice %arg11[%dma_start3A] : memref<3200xi32, #tpu.memory_space<vmem>> -> memref<128xi32, #tpu.memory_space<vmem>>
        %dma_start3A_80 = arith.constant 0 : i32
        %dma_start3A_81 = tpu.memref_slice %arg10[%dma_start3A_80] : memref<3200xi32, #tpu.memory_space<vmem>> -> memref<128xi32, #tpu.memory_space<vmem>>
        %dma_start3A_82 = arith.constant 0 : i32
        %dma_start3A_83 = tpu.memref_slice %arg8[%dma_start3A_82] : memref<100000xi32, #tpu.memory_space<vmem_shared>> -> memref<100000xi32, #tpu.memory_space<vmem_shared>>
        tpu.enqueue_indirect_dma source(%dma_start3A_83 : memref<100000xi32, #tpu.memory_space<vmem_shared>>) target(%dma_start3A_79 : memref<128xi32, #tpu.memory_space<vmem>>) offsets(%dma_start3A_81 : memref<128xi32, #tpu.memory_space<vmem>>) semaphore(%arg15 : memref<!tpu.dma_semaphore, #tpu.memory_space<semaphore_mem>>)
        %dma_start3A_84 = arith.constant 128 : i32
        %dma_start3A_85 = tpu.memref_slice %arg11[%dma_start3A_84] : memref<3200xi32, #tpu.memory_space<vmem>> -> memref<128xi32, #tpu.memory_space<vmem>>
        %dma_start3A_86 = arith.constant 128 : i32
        %dma_start3A_87 = tpu.memref_slice %arg10[%dma_start3A_86] : memref<3200xi32, #tpu.memory_space<vmem>> -> memref<128xi32, #tpu.memory_space<vmem>>
        %dma_start3A_88 = arith.constant 0 : i32
        %dma_start3A_89 = tpu.memref_slice %arg8[%dma_start3A_88] : memref<100000xi32, #tpu.memory_space<vmem_shared>> -> memref<100000xi32, #tpu.memory_space<vmem_shared>>
        tpu.enqueue_indirect_dma source(%dma_start3A_89 : memref<100000xi32, #tpu.memory_space<vmem_shared>>) target(%dma_start3A_85 : memref<128xi32, #tpu.memory_space<vmem>>) offsets(%dma_start3A_87 : memref<128xi32, #tpu.memory_space<vmem>>) semaphore(%arg15 : memref<!tpu.dma_semaphore, #tpu.memory_space<semaphore_mem>>)
        %dma_start3A_90 = arith.constant 256 : i32
        %dma_start3A_91 = tpu.memref_slice %arg11[%dma_start3A_90] : memref<3200xi32, #tpu.memory_space<vmem>> -> memref<128xi32, #tpu.memory_space<vmem>>
        %dma_start3A_92 = arith.constant 256 : i32
        %dma_start3A_93 = tpu.memref_slice %arg10[%dma_start3A_92] : memref<3200xi32, #tpu.memory_space<vmem>> -> memref<128xi32, #tpu.memory_space<vmem>>
        %dma_start3A_94 = arith.constant 0 : i32
        %dma_start3A_95 = tpu.memref_slice %arg8[%dma_start3A_94] : memref<100000xi32, #tpu.memory_space<vmem_shared>> -> memref<100000xi32, #tpu.memory_space<vmem_shared>>
        tpu.enqueue_indirect_dma source(%dma_start3A_95 : memref<100000xi32, #tpu.memory_space<vmem_shared>>) target(%dma_start3A_91 : memref<128xi32, #tpu.memory_space<vmem>>) offsets(%dma_start3A_93 : memref<128xi32, #tpu.memory_space<vmem>>) semaphore(%arg15 : memref<!tpu.dma_semaphore, #tpu.memory_space<semaphore_mem>>)
        %dma_start3A_96 = arith.constant 384 : i32
        %dma_start3A_97 = tpu.memref_slice %arg11[%dma_start3A_96] : memref<3200xi32, #tpu.memory_space<vmem>> -> memref<128xi32, #tpu.memory_space<vmem>>
        %dma_start3A_98 = arith.constant 384 : i32
        %dma_start3A_99 = tpu.memref_slice %arg10[%dma_start3A_98] : memref<3200xi32, #tpu.memory_space<vmem>> -> memref<128xi32, #tpu.memory_space<vmem>>
        %dma_start3A_100 = arith.constant 0 : i32
        %dma_start3A_101 = tpu.memref_slice %arg8[%dma_start3A_100] : memref<100000xi32, #tpu.memory_space<vmem_shared>> -> memref<100000xi32, #tpu.memory_space<vmem_shared>>
        tpu.enqueue_indirect_dma source(%dma_start3A_101 : memref<100000xi32, #tpu.memory_space<vmem_shared>>) target(%dma_start3A_97 : memref<128xi32, #tpu.memory_space<vmem>>) offsets(%dma_start3A_99 : memref<128xi32, #tpu.memory_space<vmem>>) semaphore(%arg15 : memref<!tpu.dma_semaphore, #tpu.memory_space<semaphore_mem>>)
        %dma_start3A_102 = arith.constant 512 : i32
        %dma_start3A_103 = tpu.memref_slice %arg11[%dma_start3A_102] : memref<3200xi32, #tpu.memory_space<vmem>> -> memref<128xi32, #tpu.memory_space<vmem>>
        %dma_start3A_104 = arith.constant 512 : i32
        %dma_start3A_105 = tpu.memref_slice %arg10[%dma_start3A_104] : memref<3200xi32, #tpu.memory_space<vmem>> -> memref<128xi32, #tpu.memory_space<vmem>>
        %dma_start3A_106 = arith.constant 0 : i32
        %dma_start3A_107 = tpu.memref_slice %arg8[%dma_start3A_106] : memref<100000xi32, #tpu.memory_space<vmem_shared>> -> memref<100000xi32, #tpu.memory_space<vmem_shared>>
        tpu.enqueue_indirect_dma source(%dma_start3A_107 : memref<100000xi32, #tpu.memory_space<vmem_shared>>) target(%dma_start3A_103 : memref<128xi32, #tpu.memory_space<vmem>>) offsets(%dma_start3A_105 : memref<128xi32, #tpu.memory_space<vmem>>) semaphore(%arg15 : memref<!tpu.dma_semaphore, #tpu.memory_space<semaphore_mem>>)
        %dma_start3A_108 = arith.constant 640 : i32
        %dma_start3A_109 = tpu.memref_slice %arg11[%dma_start3A_108] : memref<3200xi32, #tpu.memory_space<vmem>> -> memref<128xi32, #tpu.memory_space<vmem>>
        %dma_start3A_110 = arith.constant 640 : i32
        %dma_start3A_111 = tpu.memref_slice %arg10[%dma_start3A_110] : memref<3200xi32, #tpu.memory_space<vmem>> -> memref<128xi32, #tpu.memory_space<vmem>>
        %dma_start3A_112 = arith.constant 0 : i32
        %dma_start3A_113 = tpu.memref_slice %arg8[%dma_start3A_112] : memref<100000xi32, #tpu.memory_space<vmem_shared>> -> memref<100000xi32, #tpu.memory_space<vmem_shared>>
        tpu.enqueue_indirect_dma source(%dma_start3A_113 : memref<100000xi32, #tpu.memory_space<vmem_shared>>) target(%dma_start3A_109 : memref<128xi32, #tpu.memory_space<vmem>>) offsets(%dma_start3A_111 : memref<128xi32, #tpu.memory_space<vmem>>) semaphore(%arg15 : memref<!tpu.dma_semaphore, #tpu.memory_space<semaphore_mem>>)
        %dma_start3A_114 = arith.constant 768 : i32
        %dma_start3A_115 = tpu.memref_slice %arg11[%dma_start3A_114] : memref<3200xi32, #tpu.memory_space<vmem>> -> memref<128xi32, #tpu.memory_space<vmem>>
        %dma_start3A_116 = arith.constant 768 : i32
        %dma_start3A_117 = tpu.memref_slice %arg10[%dma_start3A_116] : memref<3200xi32, #tpu.memory_space<vmem>> -> memref<128xi32, #tpu.memory_space<vmem>>
        %dma_start3A_118 = arith.constant 0 : i32
        %dma_start3A_119 = tpu.memref_slice %arg8[%dma_start3A_118] : memref<100000xi32, #tpu.memory_space<vmem_shared>> -> memref<100000xi32, #tpu.memory_space<vmem_shared>>
        tpu.enqueue_indirect_dma source(%dma_start3A_119 : memref<100000xi32, #tpu.memory_space<vmem_shared>>) target(%dma_start3A_115 : memref<128xi32, #tpu.memory_space<vmem>>) offsets(%dma_start3A_117 : memref<128xi32, #tpu.memory_space<vmem>>) semaphore(%arg15 : memref<!tpu.dma_semaphore, #tpu.memory_space<semaphore_mem>>)
        %dma_start3A_120 = arith.constant 896 : i32
        %dma_start3A_121 = tpu.memref_slice %arg11[%dma_start3A_120] : memref<3200xi32, #tpu.memory_space<vmem>> -> memref<128xi32, #tpu.memory_space<vmem>>
        %dma_start3A_122 = arith.constant 896 : i32
        %dma_start3A_123 = tpu.memref_slice %arg10[%dma_start3A_122] : memref<3200xi32, #tpu.memory_space<vmem>> -> memref<128xi32, #tpu.memory_space<vmem>>
        %dma_start3A_124 = arith.constant 0 : i32
        %dma_start3A_125 = tpu.memref_slice %arg8[%dma_start3A_124] : memref<100000xi32, #tpu.memory_space<vmem_shared>> -> memref<100000xi32, #tpu.memory_space<vmem_shared>>
        tpu.enqueue_indirect_dma source(%dma_start3A_125 : memref<100000xi32, #tpu.memory_space<vmem_shared>>) target(%dma_start3A_121 : memref<128xi32, #tpu.memory_space<vmem>>) offsets(%dma_start3A_123 : memref<128xi32, #tpu.memory_space<vmem>>) semaphore(%arg15 : memref<!tpu.dma_semaphore, #tpu.memory_space<semaphore_mem>>)
        %dma_start3A_126 = arith.constant 1024 : i32
        %dma_start3A_127 = tpu.memref_slice %arg11[%dma_start3A_126] : memref<3200xi32, #tpu.memory_space<vmem>> -> memref<128xi32, #tpu.memory_space<vmem>>
        %dma_start3A_128 = arith.constant 1024 : i32
        %dma_start3A_129 = tpu.memref_slice %arg10[%dma_start3A_128] : memref<3200xi32, #tpu.memory_space<vmem>> -> memref<128xi32, #tpu.memory_space<vmem>>
        %dma_start3A_130 = arith.constant 0 : i32
        %dma_start3A_131 = tpu.memref_slice %arg8[%dma_start3A_130] : memref<100000xi32, #tpu.memory_space<vmem_shared>> -> memref<100000xi32, #tpu.memory_space<vmem_shared>>
        tpu.enqueue_indirect_dma source(%dma_start3A_131 : memref<100000xi32, #tpu.memory_space<vmem_shared>>) target(%dma_start3A_127 : memref<128xi32, #tpu.memory_space<vmem>>) offsets(%dma_start3A_129 : memref<128xi32, #tpu.memory_space<vmem>>) semaphore(%arg15 : memref<!tpu.dma_semaphore, #tpu.memory_space<semaphore_mem>>)
        %dma_start3A_132 = arith.constant 1152 : i32
        %dma_start3A_133 = tpu.memref_slice %arg11[%dma_start3A_132] : memref<3200xi32, #tpu.memory_space<vmem>> -> memref<128xi32, #tpu.memory_space<vmem>>
        %dma_start3A_134 = arith.constant 1152 : i32
        %dma_start3A_135 = tpu.memref_slice %arg10[%dma_start3A_134] : memref<3200xi32, #tpu.memory_space<vmem>> -> memref<128xi32, #tpu.memory_space<vmem>>
        %dma_start3A_136 = arith.constant 0 : i32
        %dma_start3A_137 = tpu.memref_slice %arg8[%dma_start3A_136] : memref<100000xi32, #tpu.memory_space<vmem_shared>> -> memref<100000xi32, #tpu.memory_space<vmem_shared>>
        tpu.enqueue_indirect_dma source(%dma_start3A_137 : memref<100000xi32, #tpu.memory_space<vmem_shared>>) target(%dma_start3A_133 : memref<128xi32, #tpu.memory_space<vmem>>) offsets(%dma_start3A_135 : memref<128xi32, #tpu.memory_space<vmem>>) semaphore(%arg15 : memref<!tpu.dma_semaphore, #tpu.memory_space<semaphore_mem>>)
        %dma_start3A_138 = arith.constant 1280 : i32
        %dma_start3A_139 = tpu.memref_slice %arg11[%dma_start3A_138] : memref<3200xi32, #tpu.memory_space<vmem>> -> memref<128xi32, #tpu.memory_space<vmem>>
        %dma_start3A_140 = arith.constant 1280 : i32
        %dma_start3A_141 = tpu.memref_slice %arg10[%dma_start3A_140] : memref<3200xi32, #tpu.memory_space<vmem>> -> memref<128xi32, #tpu.memory_space<vmem>>
        %dma_start3A_142 = arith.constant 0 : i32
        %dma_start3A_143 = tpu.memref_slice %arg8[%dma_start3A_142] : memref<100000xi32, #tpu.memory_space<vmem_shared>> -> memref<100000xi32, #tpu.memory_space<vmem_shared>>
        tpu.enqueue_indirect_dma source(%dma_start3A_143 : memref<100000xi32, #tpu.memory_space<vmem_shared>>) target(%dma_start3A_139 : memref<128xi32, #tpu.memory_space<vmem>>) offsets(%dma_start3A_141 : memref<128xi32, #tpu.memory_space<vmem>>) semaphore(%arg15 : memref<!tpu.dma_semaphore, #tpu.memory_space<semaphore_mem>>)
        %dma_start3A_144 = arith.constant 1408 : i32
        %dma_start3A_145 = tpu.memref_slice %arg11[%dma_start3A_144] : memref<3200xi32, #tpu.memory_space<vmem>> -> memref<128xi32, #tpu.memory_space<vmem>>
        %dma_start3A_146 = arith.constant 1408 : i32
        %dma_start3A_147 = tpu.memref_slice %arg10[%dma_start3A_146] : memref<3200xi32, #tpu.memory_space<vmem>> -> memref<128xi32, #tpu.memory_space<vmem>>
        %dma_start3A_148 = arith.constant 0 : i32
        %dma_start3A_149 = tpu.memref_slice %arg8[%dma_start3A_148] : memref<100000xi32, #tpu.memory_space<vmem_shared>> -> memref<100000xi32, #tpu.memory_space<vmem_shared>>
        tpu.enqueue_indirect_dma source(%dma_start3A_149 : memref<100000xi32, #tpu.memory_space<vmem_shared>>) target(%dma_start3A_145 : memref<128xi32, #tpu.memory_space<vmem>>) offsets(%dma_start3A_147 : memref<128xi32, #tpu.memory_space<vmem>>) semaphore(%arg15 : memref<!tpu.dma_semaphore, #tpu.memory_space<semaphore_mem>>)
        %dma_start3A_150 = arith.constant 1536 : i32
        %dma_start3A_151 = tpu.memref_slice %arg11[%dma_start3A_150] : memref<3200xi32, #tpu.memory_space<vmem>> -> memref<128xi32, #tpu.memory_space<vmem>>
        %dma_start3A_152 = arith.constant 1536 : i32
        %dma_start3A_153 = tpu.memref_slice %arg10[%dma_start3A_152] : memref<3200xi32, #tpu.memory_space<vmem>> -> memref<128xi32, #tpu.memory_space<vmem>>
        %dma_start3A_154 = arith.constant 0 : i32
        %dma_start3A_155 = tpu.memref_slice %arg8[%dma_start3A_154] : memref<100000xi32, #tpu.memory_space<vmem_shared>> -> memref<100000xi32, #tpu.memory_space<vmem_shared>>
        tpu.enqueue_indirect_dma source(%dma_start3A_155 : memref<100000xi32, #tpu.memory_space<vmem_shared>>) target(%dma_start3A_151 : memref<128xi32, #tpu.memory_space<vmem>>) offsets(%dma_start3A_153 : memref<128xi32, #tpu.memory_space<vmem>>) semaphore(%arg15 : memref<!tpu.dma_semaphore, #tpu.memory_space<semaphore_mem>>)
        %dma_start3A_156 = arith.constant 1664 : i32
        %dma_start3A_157 = tpu.memref_slice %arg11[%dma_start3A_156] : memref<3200xi32, #tpu.memory_space<vmem>> -> memref<128xi32, #tpu.memory_space<vmem>>
        %dma_start3A_158 = arith.constant 1664 : i32
        %dma_start3A_159 = tpu.memref_slice %arg10[%dma_start3A_158] : memref<3200xi32, #tpu.memory_space<vmem>> -> memref<128xi32, #tpu.memory_space<vmem>>
        %dma_start3A_160 = arith.constant 0 : i32
        %dma_start3A_161 = tpu.memref_slice %arg8[%dma_start3A_160] : memref<100000xi32, #tpu.memory_space<vmem_shared>> -> memref<100000xi32, #tpu.memory_space<vmem_shared>>
        tpu.enqueue_indirect_dma source(%dma_start3A_161 : memref<100000xi32, #tpu.memory_space<vmem_shared>>) target(%dma_start3A_157 : memref<128xi32, #tpu.memory_space<vmem>>) offsets(%dma_start3A_159 : memref<128xi32, #tpu.memory_space<vmem>>) semaphore(%arg15 : memref<!tpu.dma_semaphore, #tpu.memory_space<semaphore_mem>>)
        %dma_start3A_162 = arith.constant 1792 : i32
        %dma_start3A_163 = tpu.memref_slice %arg11[%dma_start3A_162] : memref<3200xi32, #tpu.memory_space<vmem>> -> memref<128xi32, #tpu.memory_space<vmem>>
        %dma_start3A_164 = arith.constant 1792 : i32
        %dma_start3A_165 = tpu.memref_slice %arg10[%dma_start3A_164] : memref<3200xi32, #tpu.memory_space<vmem>> -> memref<128xi32, #tpu.memory_space<vmem>>
        %dma_start3A_166 = arith.constant 0 : i32
        %dma_start3A_167 = tpu.memref_slice %arg8[%dma_start3A_166] : memref<100000xi32, #tpu.memory_space<vmem_shared>> -> memref<100000xi32, #tpu.memory_space<vmem_shared>>
        tpu.enqueue_indirect_dma source(%dma_start3A_167 : memref<100000xi32, #tpu.memory_space<vmem_shared>>) target(%dma_start3A_163 : memref<128xi32, #tpu.memory_space<vmem>>) offsets(%dma_start3A_165 : memref<128xi32, #tpu.memory_space<vmem>>) semaphore(%arg15 : memref<!tpu.dma_semaphore, #tpu.memory_space<semaphore_mem>>)
        %dma_start3A_168 = arith.constant 1920 : i32
        %dma_start3A_169 = tpu.memref_slice %arg11[%dma_start3A_168] : memref<3200xi32, #tpu.memory_space<vmem>> -> memref<128xi32, #tpu.memory_space<vmem>>
        %dma_start3A_170 = arith.constant 1920 : i32
        %dma_start3A_171 = tpu.memref_slice %arg10[%dma_start3A_170] : memref<3200xi32, #tpu.memory_space<vmem>> -> memref<128xi32, #tpu.memory_space<vmem>>
        %dma_start3A_172 = arith.constant 0 : i32
        %dma_start3A_173 = tpu.memref_slice %arg8[%dma_start3A_172] : memref<100000xi32, #tpu.memory_space<vmem_shared>> -> memref<100000xi32, #tpu.memory_space<vmem_shared>>
        tpu.enqueue_indirect_dma source(%dma_start3A_173 : memref<100000xi32, #tpu.memory_space<vmem_shared>>) target(%dma_start3A_169 : memref<128xi32, #tpu.memory_space<vmem>>) offsets(%dma_start3A_171 : memref<128xi32, #tpu.memory_space<vmem>>) semaphore(%arg15 : memref<!tpu.dma_semaphore, #tpu.memory_space<semaphore_mem>>)
        %dma_start3A_174 = arith.constant 2048 : i32
        %dma_start3A_175 = tpu.memref_slice %arg11[%dma_start3A_174] : memref<3200xi32, #tpu.memory_space<vmem>> -> memref<128xi32, #tpu.memory_space<vmem>>
        %dma_start3A_176 = arith.constant 2048 : i32
        %dma_start3A_177 = tpu.memref_slice %arg10[%dma_start3A_176] : memref<3200xi32, #tpu.memory_space<vmem>> -> memref<128xi32, #tpu.memory_space<vmem>>
        %dma_start3A_178 = arith.constant 0 : i32
        %dma_start3A_179 = tpu.memref_slice %arg8[%dma_start3A_178] : memref<100000xi32, #tpu.memory_space<vmem_shared>> -> memref<100000xi32, #tpu.memory_space<vmem_shared>>
        tpu.enqueue_indirect_dma source(%dma_start3A_179 : memref<100000xi32, #tpu.memory_space<vmem_shared>>) target(%dma_start3A_175 : memref<128xi32, #tpu.memory_space<vmem>>) offsets(%dma_start3A_177 : memref<128xi32, #tpu.memory_space<vmem>>) semaphore(%arg15 : memref<!tpu.dma_semaphore, #tpu.memory_space<semaphore_mem>>)
        %dma_start3A_180 = arith.constant 2176 : i32
        %dma_start3A_181 = tpu.memref_slice %arg11[%dma_start3A_180] : memref<3200xi32, #tpu.memory_space<vmem>> -> memref<128xi32, #tpu.memory_space<vmem>>
        %dma_start3A_182 = arith.constant 2176 : i32
        %dma_start3A_183 = tpu.memref_slice %arg10[%dma_start3A_182] : memref<3200xi32, #tpu.memory_space<vmem>> -> memref<128xi32, #tpu.memory_space<vmem>>
        %dma_start3A_184 = arith.constant 0 : i32
        %dma_start3A_185 = tpu.memref_slice %arg8[%dma_start3A_184] : memref<100000xi32, #tpu.memory_space<vmem_shared>> -> memref<100000xi32, #tpu.memory_space<vmem_shared>>
        tpu.enqueue_indirect_dma source(%dma_start3A_185 : memref<100000xi32, #tpu.memory_space<vmem_shared>>) target(%dma_start3A_181 : memref<128xi32, #tpu.memory_space<vmem>>) offsets(%dma_start3A_183 : memref<128xi32, #tpu.memory_space<vmem>>) semaphore(%arg15 : memref<!tpu.dma_semaphore, #tpu.memory_space<semaphore_mem>>)
        %dma_start3A_186 = arith.constant 2304 : i32
        %dma_start3A_187 = tpu.memref_slice %arg11[%dma_start3A_186] : memref<3200xi32, #tpu.memory_space<vmem>> -> memref<128xi32, #tpu.memory_space<vmem>>
        %dma_start3A_188 = arith.constant 2304 : i32
        %dma_start3A_189 = tpu.memref_slice %arg10[%dma_start3A_188] : memref<3200xi32, #tpu.memory_space<vmem>> -> memref<128xi32, #tpu.memory_space<vmem>>
        %dma_start3A_190 = arith.constant 0 : i32
        %dma_start3A_191 = tpu.memref_slice %arg8[%dma_start3A_190] : memref<100000xi32, #tpu.memory_space<vmem_shared>> -> memref<100000xi32, #tpu.memory_space<vmem_shared>>
        tpu.enqueue_indirect_dma source(%dma_start3A_191 : memref<100000xi32, #tpu.memory_space<vmem_shared>>) target(%dma_start3A_187 : memref<128xi32, #tpu.memory_space<vmem>>) offsets(%dma_start3A_189 : memref<128xi32, #tpu.memory_space<vmem>>) semaphore(%arg15 : memref<!tpu.dma_semaphore, #tpu.memory_space<semaphore_mem>>)
        %dma_start3A_192 = arith.constant 2432 : i32
        %dma_start3A_193 = tpu.memref_slice %arg11[%dma_start3A_192] : memref<3200xi32, #tpu.memory_space<vmem>> -> memref<128xi32, #tpu.memory_space<vmem>>
        %dma_start3A_194 = arith.constant 2432 : i32
        %dma_start3A_195 = tpu.memref_slice %arg10[%dma_start3A_194] : memref<3200xi32, #tpu.memory_space<vmem>> -> memref<128xi32, #tpu.memory_space<vmem>>
        %dma_start3A_196 = arith.constant 0 : i32
        %dma_start3A_197 = tpu.memref_slice %arg8[%dma_start3A_196] : memref<100000xi32, #tpu.memory_space<vmem_shared>> -> memref<100000xi32, #tpu.memory_space<vmem_shared>>
        tpu.enqueue_indirect_dma source(%dma_start3A_197 : memref<100000xi32, #tpu.memory_space<vmem_shared>>) target(%dma_start3A_193 : memref<128xi32, #tpu.memory_space<vmem>>) offsets(%dma_start3A_195 : memref<128xi32, #tpu.memory_space<vmem>>) semaphore(%arg15 : memref<!tpu.dma_semaphore, #tpu.memory_space<semaphore_mem>>)
        %dma_start3A_198 = arith.constant 2560 : i32
        %dma_start3A_199 = tpu.memref_slice %arg11[%dma_start3A_198] : memref<3200xi32, #tpu.memory_space<vmem>> -> memref<128xi32, #tpu.memory_space<vmem>>
        %dma_start3A_200 = arith.constant 2560 : i32
        %dma_start3A_201 = tpu.memref_slice %arg10[%dma_start3A_200] : memref<3200xi32, #tpu.memory_space<vmem>> -> memref<128xi32, #tpu.memory_space<vmem>>
        %dma_start3A_202 = arith.constant 0 : i32
        %dma_start3A_203 = tpu.memref_slice %arg8[%dma_start3A_202] : memref<100000xi32, #tpu.memory_space<vmem_shared>> -> memref<100000xi32, #tpu.memory_space<vmem_shared>>
        tpu.enqueue_indirect_dma source(%dma_start3A_203 : memref<100000xi32, #tpu.memory_space<vmem_shared>>) target(%dma_start3A_199 : memref<128xi32, #tpu.memory_space<vmem>>) offsets(%dma_start3A_201 : memref<128xi32, #tpu.memory_space<vmem>>) semaphore(%arg15 : memref<!tpu.dma_semaphore, #tpu.memory_space<semaphore_mem>>)
        %dma_start3A_204 = arith.constant 2688 : i32
        %dma_start3A_205 = tpu.memref_slice %arg11[%dma_start3A_204] : memref<3200xi32, #tpu.memory_space<vmem>> -> memref<128xi32, #tpu.memory_space<vmem>>
        %dma_start3A_206 = arith.constant 2688 : i32
        %dma_start3A_207 = tpu.memref_slice %arg10[%dma_start3A_206] : memref<3200xi32, #tpu.memory_space<vmem>> -> memref<128xi32, #tpu.memory_space<vmem>>
        %dma_start3A_208 = arith.constant 0 : i32
        %dma_start3A_209 = tpu.memref_slice %arg8[%dma_start3A_208] : memref<100000xi32, #tpu.memory_space<vmem_shared>> -> memref<100000xi32, #tpu.memory_space<vmem_shared>>
        tpu.enqueue_indirect_dma source(%dma_start3A_209 : memref<100000xi32, #tpu.memory_space<vmem_shared>>) target(%dma_start3A_205 : memref<128xi32, #tpu.memory_space<vmem>>) offsets(%dma_start3A_207 : memref<128xi32, #tpu.memory_space<vmem>>) semaphore(%arg15 : memref<!tpu.dma_semaphore, #tpu.memory_space<semaphore_mem>>)
        %dma_start3A_210 = arith.constant 2816 : i32
        %dma_start3A_211 = tpu.memref_slice %arg11[%dma_start3A_210] : memref<3200xi32, #tpu.memory_space<vmem>> -> memref<128xi32, #tpu.memory_space<vmem>>
        %dma_start3A_212 = arith.constant 2816 : i32
        %dma_start3A_213 = tpu.memref_slice %arg10[%dma_start3A_212] : memref<3200xi32, #tpu.memory_space<vmem>> -> memref<128xi32, #tpu.memory_space<vmem>>
        %dma_start3A_214 = arith.constant 0 : i32
        %dma_start3A_215 = tpu.memref_slice %arg8[%dma_start3A_214] : memref<100000xi32, #tpu.memory_space<vmem_shared>> -> memref<100000xi32, #tpu.memory_space<vmem_shared>>
        tpu.enqueue_indirect_dma source(%dma_start3A_215 : memref<100000xi32, #tpu.memory_space<vmem_shared>>) target(%dma_start3A_211 : memref<128xi32, #tpu.memory_space<vmem>>) offsets(%dma_start3A_213 : memref<128xi32, #tpu.memory_space<vmem>>) semaphore(%arg15 : memref<!tpu.dma_semaphore, #tpu.memory_space<semaphore_mem>>)
        %dma_start3A_216 = arith.constant 2944 : i32
        %dma_start3A_217 = tpu.memref_slice %arg11[%dma_start3A_216] : memref<3200xi32, #tpu.memory_space<vmem>> -> memref<128xi32, #tpu.memory_space<vmem>>
        %dma_start3A_218 = arith.constant 2944 : i32
        %dma_start3A_219 = tpu.memref_slice %arg10[%dma_start3A_218] : memref<3200xi32, #tpu.memory_space<vmem>> -> memref<128xi32, #tpu.memory_space<vmem>>
        %dma_start3A_220 = arith.constant 0 : i32
        %dma_start3A_221 = tpu.memref_slice %arg8[%dma_start3A_220] : memref<100000xi32, #tpu.memory_space<vmem_shared>> -> memref<100000xi32, #tpu.memory_space<vmem_shared>>
        tpu.enqueue_indirect_dma source(%dma_start3A_221 : memref<100000xi32, #tpu.memory_space<vmem_shared>>) target(%dma_start3A_217 : memref<128xi32, #tpu.memory_space<vmem>>) offsets(%dma_start3A_219 : memref<128xi32, #tpu.memory_space<vmem>>) semaphore(%arg15 : memref<!tpu.dma_semaphore, #tpu.memory_space<semaphore_mem>>)
        %dma_start3A_222 = arith.constant 3072 : i32
        %dma_start3A_223 = tpu.memref_slice %arg11[%dma_start3A_222] : memref<3200xi32, #tpu.memory_space<vmem>> -> memref<128xi32, #tpu.memory_space<vmem>>
        %dma_start3A_224 = arith.constant 3072 : i32
        %dma_start3A_225 = tpu.memref_slice %arg10[%dma_start3A_224] : memref<3200xi32, #tpu.memory_space<vmem>> -> memref<128xi32, #tpu.memory_space<vmem>>
        %dma_start3A_226 = arith.constant 0 : i32
        %dma_start3A_227 = tpu.memref_slice %arg8[%dma_start3A_226] : memref<100000xi32, #tpu.memory_space<vmem_shared>> -> memref<100000xi32, #tpu.memory_space<vmem_shared>>
        tpu.enqueue_indirect_dma source(%dma_start3A_227 : memref<100000xi32, #tpu.memory_space<vmem_shared>>) target(%dma_start3A_223 : memref<128xi32, #tpu.memory_space<vmem>>) offsets(%dma_start3A_225 : memref<128xi32, #tpu.memory_space<vmem>>) semaphore(%arg15 : memref<!tpu.dma_semaphore, #tpu.memory_space<semaphore_mem>>)
        %dma_start3A_228 = arith.constant 0 : i32
        %dma_start3A_229 = tpu.memref_slice %arg3[%mul3A_78, %dma_start3A_228] : memref<1600000x16xf32, #tpu.memory_space<hbm>> -> memref<3200x16xf32, #tpu.memory_space<hbm>>
        %dma_start3A_230 = arith.constant 0 : i32
        %dma_start3A_231 = tpu.memref_slice %arg3[%mul3A_78, %dma_start3A_230] : memref<1600000x16xf32, #tpu.memory_space<hbm>> -> memref<3200x16xf32, #tpu.memory_space<hbm>>
        tpu.enqueue_dma source(%dma_start3A_231 : memref<3200x16xf32, #tpu.memory_space<hbm>>) target(%arg13 : memref<3200x16xf32, #tpu.memory_space<vmem>>) target_semaphore(%arg16 : memref<!tpu.dma_semaphore, #tpu.memory_space<semaphore_mem>>)
        %dma_wait3A = arith.constant 0 : i32
        %dma_wait3A_232 = tpu.memref_slice %arg11[%dma_wait3A] : memref<3200xi32, #tpu.memory_space<vmem>> -> memref<128xi32, #tpu.memory_space<vmem>>
        %dma_wait3A_233 = arith.constant 0 : i32
        %dma_wait3A_234 = tpu.memref_slice %arg10[%dma_wait3A_233] : memref<3200xi32, #tpu.memory_space<vmem>> -> memref<128xi32, #tpu.memory_space<vmem>>
        %dma_wait3A_235 = arith.constant 0 : i32
        %dma_wait3A_236 = tpu.memref_slice %arg8[%dma_wait3A_235] : memref<100000xi32, #tpu.memory_space<vmem_shared>> -> memref<100000xi32, #tpu.memory_space<vmem_shared>>
        tpu.wait_indirect_dma semaphore(%arg15 : memref<!tpu.dma_semaphore, #tpu.memory_space<semaphore_mem>>) src(%dma_wait3A_236 : memref<100000xi32, #tpu.memory_space<vmem_shared>>) dst(%dma_wait3A_232 : memref<128xi32, #tpu.memory_space<vmem>>)
        %dma_wait3A_237 = arith.constant 128 : i32
        %dma_wait3A_238 = tpu.memref_slice %arg11[%dma_wait3A_237] : memref<3200xi32, #tpu.memory_space<vmem>> -> memref<128xi32, #tpu.memory_space<vmem>>
        %dma_wait3A_239 = arith.constant 128 : i32
        %dma_wait3A_240 = tpu.memref_slice %arg10[%dma_wait3A_239] : memref<3200xi32, #tpu.memory_space<vmem>> -> memref<128xi32, #tpu.memory_space<vmem>>
        %dma_wait3A_241 = arith.constant 0 : i32
        %dma_wait3A_242 = tpu.memref_slice %arg8[%dma_wait3A_241] : memref<100000xi32, #tpu.memory_space<vmem_shared>> -> memref<100000xi32, #tpu.memory_space<vmem_shared>>
        tpu.wait_indirect_dma semaphore(%arg15 : memref<!tpu.dma_semaphore, #tpu.memory_space<semaphore_mem>>) src(%dma_wait3A_242 : memref<100000xi32, #tpu.memory_space<vmem_shared>>) dst(%dma_wait3A_238 : memref<128xi32, #tpu.memory_space<vmem>>)
        %dma_wait3A_243 = arith.constant 256 : i32
        %dma_wait3A_244 = tpu.memref_slice %arg11[%dma_wait3A_243] : memref<3200xi32, #tpu.memory_space<vmem>> -> memref<128xi32, #tpu.memory_space<vmem>>
        %dma_wait3A_245 = arith.constant 256 : i32
        %dma_wait3A_246 = tpu.memref_slice %arg10[%dma_wait3A_245] : memref<3200xi32, #tpu.memory_space<vmem>> -> memref<128xi32, #tpu.memory_space<vmem>>
        %dma_wait3A_247 = arith.constant 0 : i32
        %dma_wait3A_248 = tpu.memref_slice %arg8[%dma_wait3A_247] : memref<100000xi32, #tpu.memory_space<vmem_shared>> -> memref<100000xi32, #tpu.memory_space<vmem_shared>>
        tpu.wait_indirect_dma semaphore(%arg15 : memref<!tpu.dma_semaphore, #tpu.memory_space<semaphore_mem>>) src(%dma_wait3A_248 : memref<100000xi32, #tpu.memory_space<vmem_shared>>) dst(%dma_wait3A_244 : memref<128xi32, #tpu.memory_space<vmem>>)
        %dma_wait3A_249 = arith.constant 384 : i32
        %dma_wait3A_250 = tpu.memref_slice %arg11[%dma_wait3A_249] : memref<3200xi32, #tpu.memory_space<vmem>> -> memref<128xi32, #tpu.memory_space<vmem>>
        %dma_wait3A_251 = arith.constant 384 : i32
        %dma_wait3A_252 = tpu.memref_slice %arg10[%dma_wait3A_251] : memref<3200xi32, #tpu.memory_space<vmem>> -> memref<128xi32, #tpu.memory_space<vmem>>
        %dma_wait3A_253 = arith.constant 0 : i32
        %dma_wait3A_254 = tpu.memref_slice %arg8[%dma_wait3A_253] : memref<100000xi32, #tpu.memory_space<vmem_shared>> -> memref<100000xi32, #tpu.memory_space<vmem_shared>>
        tpu.wait_indirect_dma semaphore(%arg15 : memref<!tpu.dma_semaphore, #tpu.memory_space<semaphore_mem>>) src(%dma_wait3A_254 : memref<100000xi32, #tpu.memory_space<vmem_shared>>) dst(%dma_wait3A_250 : memref<128xi32, #tpu.memory_space<vmem>>)
        %dma_wait3A_255 = arith.constant 512 : i32
        %dma_wait3A_256 = tpu.memref_slice %arg11[%dma_wait3A_255] : memref<3200xi32, #tpu.memory_space<vmem>> -> memref<128xi32, #tpu.memory_space<vmem>>
        %dma_wait3A_257 = arith.constant 512 : i32
        %dma_wait3A_258 = tpu.memref_slice %arg10[%dma_wait3A_257] : memref<3200xi32, #tpu.memory_space<vmem>> -> memref<128xi32, #tpu.memory_space<vmem>>
        %dma_wait3A_259 = arith.constant 0 : i32
        %dma_wait3A_260 = tpu.memref_slice %arg8[%dma_wait3A_259] : memref<100000xi32, #tpu.memory_space<vmem_shared>> -> memref<100000xi32, #tpu.memory_space<vmem_shared>>
        tpu.wait_indirect_dma semaphore(%arg15 : memref<!tpu.dma_semaphore, #tpu.memory_space<semaphore_mem>>) src(%dma_wait3A_260 : memref<100000xi32, #tpu.memory_space<vmem_shared>>) dst(%dma_wait3A_256 : memref<128xi32, #tpu.memory_space<vmem>>)
        %dma_wait3A_261 = arith.constant 640 : i32
        %dma_wait3A_262 = tpu.memref_slice %arg11[%dma_wait3A_261] : memref<3200xi32, #tpu.memory_space<vmem>> -> memref<128xi32, #tpu.memory_space<vmem>>
        %dma_wait3A_263 = arith.constant 640 : i32
        %dma_wait3A_264 = tpu.memref_slice %arg10[%dma_wait3A_263] : memref<3200xi32, #tpu.memory_space<vmem>> -> memref<128xi32, #tpu.memory_space<vmem>>
        %dma_wait3A_265 = arith.constant 0 : i32
        %dma_wait3A_266 = tpu.memref_slice %arg8[%dma_wait3A_265] : memref<100000xi32, #tpu.memory_space<vmem_shared>> -> memref<100000xi32, #tpu.memory_space<vmem_shared>>
        tpu.wait_indirect_dma semaphore(%arg15 : memref<!tpu.dma_semaphore, #tpu.memory_space<semaphore_mem>>) src(%dma_wait3A_266 : memref<100000xi32, #tpu.memory_space<vmem_shared>>) dst(%dma_wait3A_262 : memref<128xi32, #tpu.memory_space<vmem>>)
        %dma_wait3A_267 = arith.constant 768 : i32
        %dma_wait3A_268 = tpu.memref_slice %arg11[%dma_wait3A_267] : memref<3200xi32, #tpu.memory_space<vmem>> -> memref<128xi32, #tpu.memory_space<vmem>>
        %dma_wait3A_269 = arith.constant 768 : i32
        %dma_wait3A_270 = tpu.memref_slice %arg10[%dma_wait3A_269] : memref<3200xi32, #tpu.memory_space<vmem>> -> memref<128xi32, #tpu.memory_space<vmem>>
        %dma_wait3A_271 = arith.constant 0 : i32
        %dma_wait3A_272 = tpu.memref_slice %arg8[%dma_wait3A_271] : memref<100000xi32, #tpu.memory_space<vmem_shared>> -> memref<100000xi32, #tpu.memory_space<vmem_shared>>
        tpu.wait_indirect_dma semaphore(%arg15 : memref<!tpu.dma_semaphore, #tpu.memory_space<semaphore_mem>>) src(%dma_wait3A_272 : memref<100000xi32, #tpu.memory_space<vmem_shared>>) dst(%dma_wait3A_268 : memref<128xi32, #tpu.memory_space<vmem>>)
        %dma_wait3A_273 = arith.constant 896 : i32
        %dma_wait3A_274 = tpu.memref_slice %arg11[%dma_wait3A_273] : memref<3200xi32, #tpu.memory_space<vmem>> -> memref<128xi32, #tpu.memory_space<vmem>>
        %dma_wait3A_275 = arith.constant 896 : i32
        %dma_wait3A_276 = tpu.memref_slice %arg10[%dma_wait3A_275] : memref<3200xi32, #tpu.memory_space<vmem>> -> memref<128xi32, #tpu.memory_space<vmem>>
        %dma_wait3A_277 = arith.constant 0 : i32
        %dma_wait3A_278 = tpu.memref_slice %arg8[%dma_wait3A_277] : memref<100000xi32, #tpu.memory_space<vmem_shared>> -> memref<100000xi32, #tpu.memory_space<vmem_shared>>
        tpu.wait_indirect_dma semaphore(%arg15 : memref<!tpu.dma_semaphore, #tpu.memory_space<semaphore_mem>>) src(%dma_wait3A_278 : memref<100000xi32, #tpu.memory_space<vmem_shared>>) dst(%dma_wait3A_274 : memref<128xi32, #tpu.memory_space<vmem>>)
        %dma_wait3A_279 = arith.constant 1024 : i32
        %dma_wait3A_280 = tpu.memref_slice %arg11[%dma_wait3A_279] : memref<3200xi32, #tpu.memory_space<vmem>> -> memref<128xi32, #tpu.memory_space<vmem>>
        %dma_wait3A_281 = arith.constant 1024 : i32
        %dma_wait3A_282 = tpu.memref_slice %arg10[%dma_wait3A_281] : memref<3200xi32, #tpu.memory_space<vmem>> -> memref<128xi32, #tpu.memory_space<vmem>>
        %dma_wait3A_283 = arith.constant 0 : i32
        %dma_wait3A_284 = tpu.memref_slice %arg8[%dma_wait3A_283] : memref<100000xi32, #tpu.memory_space<vmem_shared>> -> memref<100000xi32, #tpu.memory_space<vmem_shared>>
        tpu.wait_indirect_dma semaphore(%arg15 : memref<!tpu.dma_semaphore, #tpu.memory_space<semaphore_mem>>) src(%dma_wait3A_284 : memref<100000xi32, #tpu.memory_space<vmem_shared>>) dst(%dma_wait3A_280 : memref<128xi32, #tpu.memory_space<vmem>>)
        %dma_wait3A_285 = arith.constant 1152 : i32
        %dma_wait3A_286 = tpu.memref_slice %arg11[%dma_wait3A_285] : memref<3200xi32, #tpu.memory_space<vmem>> -> memref<128xi32, #tpu.memory_space<vmem>>
        %dma_wait3A_287 = arith.constant 1152 : i32
        %dma_wait3A_288 = tpu.memref_slice %arg10[%dma_wait3A_287] : memref<3200xi32, #tpu.memory_space<vmem>> -> memref<128xi32, #tpu.memory_space<vmem>>
        %dma_wait3A_289 = arith.constant 0 : i32
        %dma_wait3A_290 = tpu.memref_slice %arg8[%dma_wait3A_289] : memref<100000xi32, #tpu.memory_space<vmem_shared>> -> memref<100000xi32, #tpu.memory_space<vmem_shared>>
        tpu.wait_indirect_dma semaphore(%arg15 : memref<!tpu.dma_semaphore, #tpu.memory_space<semaphore_mem>>) src(%dma_wait3A_290 : memref<100000xi32, #tpu.memory_space<vmem_shared>>) dst(%dma_wait3A_286 : memref<128xi32, #tpu.memory_space<vmem>>)
        %dma_wait3A_291 = arith.constant 1280 : i32
        %dma_wait3A_292 = tpu.memref_slice %arg11[%dma_wait3A_291] : memref<3200xi32, #tpu.memory_space<vmem>> -> memref<128xi32, #tpu.memory_space<vmem>>
        %dma_wait3A_293 = arith.constant 1280 : i32
        %dma_wait3A_294 = tpu.memref_slice %arg10[%dma_wait3A_293] : memref<3200xi32, #tpu.memory_space<vmem>> -> memref<128xi32, #tpu.memory_space<vmem>>
        %dma_wait3A_295 = arith.constant 0 : i32
        %dma_wait3A_296 = tpu.memref_slice %arg8[%dma_wait3A_295] : memref<100000xi32, #tpu.memory_space<vmem_shared>> -> memref<100000xi32, #tpu.memory_space<vmem_shared>>
        tpu.wait_indirect_dma semaphore(%arg15 : memref<!tpu.dma_semaphore, #tpu.memory_space<semaphore_mem>>) src(%dma_wait3A_296 : memref<100000xi32, #tpu.memory_space<vmem_shared>>) dst(%dma_wait3A_292 : memref<128xi32, #tpu.memory_space<vmem>>)
        %dma_wait3A_297 = arith.constant 1408 : i32
        %dma_wait3A_298 = tpu.memref_slice %arg11[%dma_wait3A_297] : memref<3200xi32, #tpu.memory_space<vmem>> -> memref<128xi32, #tpu.memory_space<vmem>>
        %dma_wait3A_299 = arith.constant 1408 : i32
        %dma_wait3A_300 = tpu.memref_slice %arg10[%dma_wait3A_299] : memref<3200xi32, #tpu.memory_space<vmem>> -> memref<128xi32, #tpu.memory_space<vmem>>
        %dma_wait3A_301 = arith.constant 0 : i32
        %dma_wait3A_302 = tpu.memref_slice %arg8[%dma_wait3A_301] : memref<100000xi32, #tpu.memory_space<vmem_shared>> -> memref<100000xi32, #tpu.memory_space<vmem_shared>>
        tpu.wait_indirect_dma semaphore(%arg15 : memref<!tpu.dma_semaphore, #tpu.memory_space<semaphore_mem>>) src(%dma_wait3A_302 : memref<100000xi32, #tpu.memory_space<vmem_shared>>) dst(%dma_wait3A_298 : memref<128xi32, #tpu.memory_space<vmem>>)
        %dma_wait3A_303 = arith.constant 1536 : i32
        %dma_wait3A_304 = tpu.memref_slice %arg11[%dma_wait3A_303] : memref<3200xi32, #tpu.memory_space<vmem>> -> memref<128xi32, #tpu.memory_space<vmem>>
        %dma_wait3A_305 = arith.constant 1536 : i32
        %dma_wait3A_306 = tpu.memref_slice %arg10[%dma_wait3A_305] : memref<3200xi32, #tpu.memory_space<vmem>> -> memref<128xi32, #tpu.memory_space<vmem>>
        %dma_wait3A_307 = arith.constant 0 : i32
        %dma_wait3A_308 = tpu.memref_slice %arg8[%dma_wait3A_307] : memref<100000xi32, #tpu.memory_space<vmem_shared>> -> memref<100000xi32, #tpu.memory_space<vmem_shared>>
        tpu.wait_indirect_dma semaphore(%arg15 : memref<!tpu.dma_semaphore, #tpu.memory_space<semaphore_mem>>) src(%dma_wait3A_308 : memref<100000xi32, #tpu.memory_space<vmem_shared>>) dst(%dma_wait3A_304 : memref<128xi32, #tpu.memory_space<vmem>>)
        %dma_wait3A_309 = arith.constant 1664 : i32
        %dma_wait3A_310 = tpu.memref_slice %arg11[%dma_wait3A_309] : memref<3200xi32, #tpu.memory_space<vmem>> -> memref<128xi32, #tpu.memory_space<vmem>>
        %dma_wait3A_311 = arith.constant 1664 : i32
        %dma_wait3A_312 = tpu.memref_slice %arg10[%dma_wait3A_311] : memref<3200xi32, #tpu.memory_space<vmem>> -> memref<128xi32, #tpu.memory_space<vmem>>
        %dma_wait3A_313 = arith.constant 0 : i32
        %dma_wait3A_314 = tpu.memref_slice %arg8[%dma_wait3A_313] : memref<100000xi32, #tpu.memory_space<vmem_shared>> -> memref<100000xi32, #tpu.memory_space<vmem_shared>>
        tpu.wait_indirect_dma semaphore(%arg15 : memref<!tpu.dma_semaphore, #tpu.memory_space<semaphore_mem>>) src(%dma_wait3A_314 : memref<100000xi32, #tpu.memory_space<vmem_shared>>) dst(%dma_wait3A_310 : memref<128xi32, #tpu.memory_space<vmem>>)
        %dma_wait3A_315 = arith.constant 1792 : i32
        %dma_wait3A_316 = tpu.memref_slice %arg11[%dma_wait3A_315] : memref<3200xi32, #tpu.memory_space<vmem>> -> memref<128xi32, #tpu.memory_space<vmem>>
        %dma_wait3A_317 = arith.constant 1792 : i32
        %dma_wait3A_318 = tpu.memref_slice %arg10[%dma_wait3A_317] : memref<3200xi32, #tpu.memory_space<vmem>> -> memref<128xi32, #tpu.memory_space<vmem>>
        %dma_wait3A_319 = arith.constant 0 : i32
        %dma_wait3A_320 = tpu.memref_slice %arg8[%dma_wait3A_319] : memref<100000xi32, #tpu.memory_space<vmem_shared>> -> memref<100000xi32, #tpu.memory_space<vmem_shared>>
        tpu.wait_indirect_dma semaphore(%arg15 : memref<!tpu.dma_semaphore, #tpu.memory_space<semaphore_mem>>) src(%dma_wait3A_320 : memref<100000xi32, #tpu.memory_space<vmem_shared>>) dst(%dma_wait3A_316 : memref<128xi32, #tpu.memory_space<vmem>>)
        %dma_wait3A_321 = arith.constant 1920 : i32
        %dma_wait3A_322 = tpu.memref_slice %arg11[%dma_wait3A_321] : memref<3200xi32, #tpu.memory_space<vmem>> -> memref<128xi32, #tpu.memory_space<vmem>>
        %dma_wait3A_323 = arith.constant 1920 : i32
        %dma_wait3A_324 = tpu.memref_slice %arg10[%dma_wait3A_323] : memref<3200xi32, #tpu.memory_space<vmem>> -> memref<128xi32, #tpu.memory_space<vmem>>
        %dma_wait3A_325 = arith.constant 0 : i32
        %dma_wait3A_326 = tpu.memref_slice %arg8[%dma_wait3A_325] : memref<100000xi32, #tpu.memory_space<vmem_shared>> -> memref<100000xi32, #tpu.memory_space<vmem_shared>>
        tpu.wait_indirect_dma semaphore(%arg15 : memref<!tpu.dma_semaphore, #tpu.memory_space<semaphore_mem>>) src(%dma_wait3A_326 : memref<100000xi32, #tpu.memory_space<vmem_shared>>) dst(%dma_wait3A_322 : memref<128xi32, #tpu.memory_space<vmem>>)
        %dma_wait3A_327 = arith.constant 2048 : i32
        %dma_wait3A_328 = tpu.memref_slice %arg11[%dma_wait3A_327] : memref<3200xi32, #tpu.memory_space<vmem>> -> memref<128xi32, #tpu.memory_space<vmem>>
        %dma_wait3A_329 = arith.constant 2048 : i32
        %dma_wait3A_330 = tpu.memref_slice %arg10[%dma_wait3A_329] : memref<3200xi32, #tpu.memory_space<vmem>> -> memref<128xi32, #tpu.memory_space<vmem>>
        %dma_wait3A_331 = arith.constant 0 : i32
        %dma_wait3A_332 = tpu.memref_slice %arg8[%dma_wait3A_331] : memref<100000xi32, #tpu.memory_space<vmem_shared>> -> memref<100000xi32, #tpu.memory_space<vmem_shared>>
        tpu.wait_indirect_dma semaphore(%arg15 : memref<!tpu.dma_semaphore, #tpu.memory_space<semaphore_mem>>) src(%dma_wait3A_332 : memref<100000xi32, #tpu.memory_space<vmem_shared>>) dst(%dma_wait3A_328 : memref<128xi32, #tpu.memory_space<vmem>>)
        %dma_wait3A_333 = arith.constant 2176 : i32
        %dma_wait3A_334 = tpu.memref_slice %arg11[%dma_wait3A_333] : memref<3200xi32, #tpu.memory_space<vmem>> -> memref<128xi32, #tpu.memory_space<vmem>>
        %dma_wait3A_335 = arith.constant 2176 : i32
        %dma_wait3A_336 = tpu.memref_slice %arg10[%dma_wait3A_335] : memref<3200xi32, #tpu.memory_space<vmem>> -> memref<128xi32, #tpu.memory_space<vmem>>
        %dma_wait3A_337 = arith.constant 0 : i32
        %dma_wait3A_338 = tpu.memref_slice %arg8[%dma_wait3A_337] : memref<100000xi32, #tpu.memory_space<vmem_shared>> -> memref<100000xi32, #tpu.memory_space<vmem_shared>>
        tpu.wait_indirect_dma semaphore(%arg15 : memref<!tpu.dma_semaphore, #tpu.memory_space<semaphore_mem>>) src(%dma_wait3A_338 : memref<100000xi32, #tpu.memory_space<vmem_shared>>) dst(%dma_wait3A_334 : memref<128xi32, #tpu.memory_space<vmem>>)
        %dma_wait3A_339 = arith.constant 2304 : i32
        %dma_wait3A_340 = tpu.memref_slice %arg11[%dma_wait3A_339] : memref<3200xi32, #tpu.memory_space<vmem>> -> memref<128xi32, #tpu.memory_space<vmem>>
        %dma_wait3A_341 = arith.constant 2304 : i32
        %dma_wait3A_342 = tpu.memref_slice %arg10[%dma_wait3A_341] : memref<3200xi32, #tpu.memory_space<vmem>> -> memref<128xi32, #tpu.memory_space<vmem>>
        %dma_wait3A_343 = arith.constant 0 : i32
        %dma_wait3A_344 = tpu.memref_slice %arg8[%dma_wait3A_343] : memref<100000xi32, #tpu.memory_space<vmem_shared>> -> memref<100000xi32, #tpu.memory_space<vmem_shared>>
        tpu.wait_indirect_dma semaphore(%arg15 : memref<!tpu.dma_semaphore, #tpu.memory_space<semaphore_mem>>) src(%dma_wait3A_344 : memref<100000xi32, #tpu.memory_space<vmem_shared>>) dst(%dma_wait3A_340 : memref<128xi32, #tpu.memory_space<vmem>>)
        %dma_wait3A_345 = arith.constant 2432 : i32
        %dma_wait3A_346 = tpu.memref_slice %arg11[%dma_wait3A_345] : memref<3200xi32, #tpu.memory_space<vmem>> -> memref<128xi32, #tpu.memory_space<vmem>>
        %dma_wait3A_347 = arith.constant 2432 : i32
        %dma_wait3A_348 = tpu.memref_slice %arg10[%dma_wait3A_347] : memref<3200xi32, #tpu.memory_space<vmem>> -> memref<128xi32, #tpu.memory_space<vmem>>
        %dma_wait3A_349 = arith.constant 0 : i32
        %dma_wait3A_350 = tpu.memref_slice %arg8[%dma_wait3A_349] : memref<100000xi32, #tpu.memory_space<vmem_shared>> -> memref<100000xi32, #tpu.memory_space<vmem_shared>>
        tpu.wait_indirect_dma semaphore(%arg15 : memref<!tpu.dma_semaphore, #tpu.memory_space<semaphore_mem>>) src(%dma_wait3A_350 : memref<100000xi32, #tpu.memory_space<vmem_shared>>) dst(%dma_wait3A_346 : memref<128xi32, #tpu.memory_space<vmem>>)
        %dma_wait3A_351 = arith.constant 2560 : i32
        %dma_wait3A_352 = tpu.memref_slice %arg11[%dma_wait3A_351] : memref<3200xi32, #tpu.memory_space<vmem>> -> memref<128xi32, #tpu.memory_space<vmem>>
        %dma_wait3A_353 = arith.constant 2560 : i32
        %dma_wait3A_354 = tpu.memref_slice %arg10[%dma_wait3A_353] : memref<3200xi32, #tpu.memory_space<vmem>> -> memref<128xi32, #tpu.memory_space<vmem>>
        %dma_wait3A_355 = arith.constant 0 : i32
        %dma_wait3A_356 = tpu.memref_slice %arg8[%dma_wait3A_355] : memref<100000xi32, #tpu.memory_space<vmem_shared>> -> memref<100000xi32, #tpu.memory_space<vmem_shared>>
        tpu.wait_indirect_dma semaphore(%arg15 : memref<!tpu.dma_semaphore, #tpu.memory_space<semaphore_mem>>) src(%dma_wait3A_356 : memref<100000xi32, #tpu.memory_space<vmem_shared>>) dst(%dma_wait3A_352 : memref<128xi32, #tpu.memory_space<vmem>>)
        %dma_wait3A_357 = arith.constant 2688 : i32
        %dma_wait3A_358 = tpu.memref_slice %arg11[%dma_wait3A_357] : memref<3200xi32, #tpu.memory_space<vmem>> -> memref<128xi32, #tpu.memory_space<vmem>>
        %dma_wait3A_359 = arith.constant 2688 : i32
        %dma_wait3A_360 = tpu.memref_slice %arg10[%dma_wait3A_359] : memref<3200xi32, #tpu.memory_space<vmem>> -> memref<128xi32, #tpu.memory_space<vmem>>
        %dma_wait3A_361 = arith.constant 0 : i32
        %dma_wait3A_362 = tpu.memref_slice %arg8[%dma_wait3A_361] : memref<100000xi32, #tpu.memory_space<vmem_shared>> -> memref<100000xi32, #tpu.memory_space<vmem_shared>>
        tpu.wait_indirect_dma semaphore(%arg15 : memref<!tpu.dma_semaphore, #tpu.memory_space<semaphore_mem>>) src(%dma_wait3A_362 : memref<100000xi32, #tpu.memory_space<vmem_shared>>) dst(%dma_wait3A_358 : memref<128xi32, #tpu.memory_space<vmem>>)
        %dma_wait3A_363 = arith.constant 2816 : i32
        %dma_wait3A_364 = tpu.memref_slice %arg11[%dma_wait3A_363] : memref<3200xi32, #tpu.memory_space<vmem>> -> memref<128xi32, #tpu.memory_space<vmem>>
        %dma_wait3A_365 = arith.constant 2816 : i32
        %dma_wait3A_366 = tpu.memref_slice %arg10[%dma_wait3A_365] : memref<3200xi32, #tpu.memory_space<vmem>> -> memref<128xi32, #tpu.memory_space<vmem>>
        %dma_wait3A_367 = arith.constant 0 : i32
        %dma_wait3A_368 = tpu.memref_slice %arg8[%dma_wait3A_367] : memref<100000xi32, #tpu.memory_space<vmem_shared>> -> memref<100000xi32, #tpu.memory_space<vmem_shared>>
        tpu.wait_indirect_dma semaphore(%arg15 : memref<!tpu.dma_semaphore, #tpu.memory_space<semaphore_mem>>) src(%dma_wait3A_368 : memref<100000xi32, #tpu.memory_space<vmem_shared>>) dst(%dma_wait3A_364 : memref<128xi32, #tpu.memory_space<vmem>>)
        %dma_wait3A_369 = arith.constant 2944 : i32
        %dma_wait3A_370 = tpu.memref_slice %arg11[%dma_wait3A_369] : memref<3200xi32, #tpu.memory_space<vmem>> -> memref<128xi32, #tpu.memory_space<vmem>>
        %dma_wait3A_371 = arith.constant 2944 : i32
        %dma_wait3A_372 = tpu.memref_slice %arg10[%dma_wait3A_371] : memref<3200xi32, #tpu.memory_space<vmem>> -> memref<128xi32, #tpu.memory_space<vmem>>
        %dma_wait3A_373 = arith.constant 0 : i32
        %dma_wait3A_374 = tpu.memref_slice %arg8[%dma_wait3A_373] : memref<100000xi32, #tpu.memory_space<vmem_shared>> -> memref<100000xi32, #tpu.memory_space<vmem_shared>>
        tpu.wait_indirect_dma semaphore(%arg15 : memref<!tpu.dma_semaphore, #tpu.memory_space<semaphore_mem>>) src(%dma_wait3A_374 : memref<100000xi32, #tpu.memory_space<vmem_shared>>) dst(%dma_wait3A_370 : memref<128xi32, #tpu.memory_space<vmem>>)
        %dma_wait3A_375 = arith.constant 3072 : i32
        %dma_wait3A_376 = tpu.memref_slice %arg11[%dma_wait3A_375] : memref<3200xi32, #tpu.memory_space<vmem>> -> memref<128xi32, #tpu.memory_space<vmem>>
        %dma_wait3A_377 = arith.constant 3072 : i32
        %dma_wait3A_378 = tpu.memref_slice %arg10[%dma_wait3A_377] : memref<3200xi32, #tpu.memory_space<vmem>> -> memref<128xi32, #tpu.memory_space<vmem>>
        %dma_wait3A_379 = arith.constant 0 : i32
        %dma_wait3A_380 = tpu.memref_slice %arg8[%dma_wait3A_379] : memref<100000xi32, #tpu.memory_space<vmem_shared>> -> memref<100000xi32, #tpu.memory_space<vmem_shared>>
        tpu.wait_indirect_dma semaphore(%arg15 : memref<!tpu.dma_semaphore, #tpu.memory_space<semaphore_mem>>) src(%dma_wait3A_380 : memref<100000xi32, #tpu.memory_space<vmem_shared>>) dst(%dma_wait3A_376 : memref<128xi32, #tpu.memory_space<vmem>>)
        %scan3A_381 = arith.constant 0 : i32
        %scan3A_382 = arith.constant 0 : i32
        %scan3A_383 = arith.constant 200 : i32
        %scan3A_384 = arith.addi %scan3A_382, %scan3A_383 : i32
        %scan3A_385 = arith.constant 1 : i32
        scf.for %scan3A_415 = %scan3A_382 to %scan3A_384 step %scan3A_385  : i32 {
          %mul3A_416 = arith.constant 16 : i32
          %mul3A_417 = arith.muli %scan3A_415, %mul3A_416 : i32
          %get3A = arith.index_cast %mul3A_417 : i32 to index
          %get3A_418 = tpu.vector_load %arg11[%get3A] {strides = array<i32>} : memref<3200xi32, #tpu.memory_space<vmem>>, vector<16xi32>,
          tpu.vector_store_idx %arg14[%get3A_418, %iota3A], %broadcast_in_dim3A_1 {add = true} : memref<512x16xf32, #tpu.memory_space<vmem>>[vector<16xi32>, vector<16xi32>], vector<16xf32>,
          %mul3A_419 = arith.constant 2 : i32
          %mul3A_420 = arith.muli %mul3A_419, %scan3A_415 : i32
          %add3A_421 = vector.broadcast %mul3A_420 : i32 to vector<16xi32>
          %add3A_422 = arith.addi %add3A_50, %add3A_421 : vector<16xi32>
          %gather3A = tpu.vector_load_idx %arg11[%add3A_422] : memref<3200xi32, #tpu.memory_space<vmem>>[vector<16xi32>], vector<16xi32>,
          %jit3A_423 = arith.constant 8 : i32
          %div3A_424 = arith.divsi %scan3A_415, %jit3A_423 : i32
          %sign3A_425 = arith.constant 0 : i32
          %sign3A_426 = arith.cmpi sgt, %scan3A_415, %sign3A_425 : i32
          %sign3A_427 = arith.extui %sign3A_426 : i1 to i32
          %sign3A_428 = arith.constant 0 : i32
          %sign3A_429 = arith.cmpi slt, %scan3A_415, %sign3A_428 : i32
          %sign3A_430 = arith.extui %sign3A_429 : i1 to i32
          %sign3A_431 = arith.subi %sign3A_427, %sign3A_430 : i32
          %sign3A_432 = arith.constant 0 : i32
          %sign3A_433 = arith.cmpi sgt, %jit3A_423, %sign3A_432 : i32
          %sign3A_434 = arith.extui %sign3A_433 : i1 to i32
          %sign3A_435 = arith.constant 0 : i32
          %sign3A_436 = arith.cmpi slt, %jit3A_423, %sign3A_435 : i32
          %sign3A_437 = arith.extui %sign3A_436 : i1 to i32
          %sign3A_438 = arith.subi %sign3A_434, %sign3A_437 : i32
          %ne3A_439 = arith.cmpi ne, %sign3A_431, %sign3A_438 : i32
          %rem3A_440 = arith.remsi %scan3A_415, %jit3A_423 : i32
          %ne3A_441 = arith.constant 0 : i32
          %ne3A_442 = arith.cmpi ne, %rem3A_440, %ne3A_441 : i32
          %and3A_443 = arith.andi %ne3A_439, %ne3A_442 : i1
          %sub3A_444 = arith.constant 1 : i32
          %sub3A_445 = arith.subi %div3A_424, %sub3A_444 : i32
          %select_n3A_446 = arith.select %and3A_443, %sub3A_445, %div3A_424 : i32
          %jit3A_447 = arith.constant 8 : i32
          %eq3A_448 = arith.constant 0 : i32
          %eq3A_449 = arith.cmpi eq, %jit3A_447, %eq3A_448 : i32
          %jit3A_450 = arith.constant 1 : i32
          %select_n3A_451 = arith.select %eq3A_449, %jit3A_450, %jit3A_447 : i32
          %rem3A_452 = arith.remsi %scan3A_415, %select_n3A_451 : i32
          %ne3A_453 = arith.constant 0 : i32
          %ne3A_454 = arith.cmpi ne, %rem3A_452, %ne3A_453 : i32
          %lt3A_455 = arith.constant 0 : i32
          %lt3A_456 = arith.cmpi slt, %rem3A_452, %lt3A_455 : i32
          %lt3A_457 = arith.constant 0 : i32
          %lt3A_458 = arith.cmpi slt, %select_n3A_451, %lt3A_457 : i32
          %ne3A_459 = arith.xori %lt3A_456, %lt3A_458 : i1
          %and3A_460 = arith.andi %ne3A_459, %ne3A_454 : i1
          %add3A_461 = arith.addi %rem3A_452, %select_n3A_451 : i32
          %select_n3A_462 = arith.select %and3A_460, %add3A_461, %rem3A_452 : i32
          %mul3A_463 = arith.constant 16 : i32
          %mul3A_464 = arith.muli %select_n3A_462, %mul3A_463 : i32
          %swap3A = arith.index_cast %select_n3A_446 : i32 to index
          %swap3A_465 = arith.index_cast %mul3A_464 : i32 to index
          %swap3A_466 = tpu.vector_load %arg12[%swap3A, %swap3A_465] {strides = array<i32>} : memref<25x128xi32, #tpu.memory_space<vmem>>, vector<16xi32>,
          tpu.vector_store %arg12[%swap3A, %swap3A_465], %gather3A {strides = array<i32>} : memref<25x128xi32, #tpu.memory_space<vmem>>, vector<16xi32>,
        }
        %scan3A_386 = arith.constant 200 : i32
        %dma_wait3A_387 = arith.constant 0 : i32
        %dma_wait3A_388 = tpu.memref_slice %arg3[%mul3A_78, %dma_wait3A_387] : memref<1600000x16xf32, #tpu.memory_space<hbm>> -> memref<3200x16xf32, #tpu.memory_space<hbm>>
        %dma_wait3A_389 = arith.constant 0 : i32
        %dma_wait3A_390 = tpu.memref_slice %arg3[%mul3A_78, %dma_wait3A_389] : memref<1600000x16xf32, #tpu.memory_space<hbm>> -> memref<3200x16xf32, #tpu.memory_space<hbm>>
        tpu.wait_dma2 semaphore(%arg16 : memref<!tpu.dma_semaphore, #tpu.memory_space<semaphore_mem>>) src(%dma_wait3A_390 : memref<3200x16xf32, #tpu.memory_space<hbm>>) dst(%arg13 : memref<3200x16xf32, #tpu.memory_space<vmem>>)
        %run_scoped3A = arith.constant 0 : i32
        "tpu.region"() ({
          %run_scoped3A_415 = tpu.sem_alloc : memref<!tpu.dma_semaphore, #tpu.memory_space<semaphore_mem>>
          %dma_start3A_416 = arith.constant 0 : i32
          %dma_start3A_417 = arith.constant 0 : i32
          %dma_start3A_418 = tpu.memref_slice %arg13[%dma_start3A_416, %dma_start3A_417] : memref<3200x16xf32, #tpu.memory_space<vmem>> -> memref<128x16xf32, #tpu.memory_space<vmem>>
          %dma_start3A_419 = arith.constant 0 : i32
          %dma_start3A_420 = tpu.memref_slice %arg12[%run_scoped3A, %dma_start3A_419] : memref<25x128xi32, #tpu.memory_space<vmem>> -> memref<1x128xi32, #tpu.memory_space<vmem>>
          %dma_start3A_421 = tpu.memref_squeeze %dma_start3A_420 : memref<1x128xi32, #tpu.memory_space<vmem>> -> memref<128xi32, #tpu.memory_space<vmem>>
          %dma_start3A_422 = arith.constant 0 : i32
          %dma_start3A_423 = arith.constant 0 : i32
          %dma_start3A_424 = tpu.memref_slice %arg9[%dma_start3A_422, %dma_start3A_423] : memref<512x16xf32, #tpu.memory_space<vmem_shared>> -> memref<512x16xf32, #tpu.memory_space<vmem_shared>>
          tpu.enqueue_indirect_dma source(%dma_start3A_418 : memref<128x16xf32, #tpu.memory_space<vmem>>) target(%dma_start3A_424 : memref<512x16xf32, #tpu.memory_space<vmem_shared>>) offsets(%dma_start3A_421 : memref<128xi32, #tpu.memory_space<vmem>>) semaphore(%run_scoped3A_415 : memref<!tpu.dma_semaphore, #tpu.memory_space<semaphore_mem>>) {add = true}
          %dma_wait3A_425 = arith.constant 0 : i32
          %dma_wait3A_426 = arith.constant 0 : i32
          %dma_wait3A_427 = tpu.memref_slice %arg13[%dma_wait3A_425, %dma_wait3A_426] : memref<3200x16xf32, #tpu.memory_space<vmem>> -> memref<128x16xf32, #tpu.memory_space<vmem>>
          %dma_wait3A_428 = arith.constant 0 : i32
          %dma_wait3A_429 = tpu.memref_slice %arg12[%run_scoped3A, %dma_wait3A_428] : memref<25x128xi32, #tpu.memory_space<vmem>> -> memref<1x128xi32, #tpu.memory_space<vmem>>
          %dma_wait3A_430 = tpu.memref_squeeze %dma_wait3A_429 : memref<1x128xi32, #tpu.memory_space<vmem>> -> memref<128xi32, #tpu.memory_space<vmem>>
          %dma_wait3A_431 = arith.constant 0 : i32
          %dma_wait3A_432 = arith.constant 0 : i32
          %dma_wait3A_433 = tpu.memref_slice %arg9[%dma_wait3A_431, %dma_wait3A_432] : memref<512x16xf32, #tpu.memory_space<vmem_shared>> -> memref<512x16xf32, #tpu.memory_space<vmem_shared>>
          tpu.wait_indirect_dma semaphore(%run_scoped3A_415 : memref<!tpu.dma_semaphore, #tpu.memory_space<semaphore_mem>>) src(%dma_wait3A_427 : memref<128x16xf32, #tpu.memory_space<vmem>>) dst(%dma_wait3A_433 : memref<512x16xf32, #tpu.memory_space<vmem_shared>>)
          tpu.yield
        }) : () -> ()
        %run_scoped3A_391 = arith.constant 1 : i32
        "tpu.region"() ({
          %run_scoped3A_415 = tpu.sem_alloc : memref<!tpu.dma_semaphore, #tpu.memory_space<semaphore_mem>>
          %dma_start3A_416 = arith.constant 128 : i32
          %dma_start3A_417 = arith.constant 0 : i32
          %dma_start3A_418 = tpu.memref_slice %arg13[%dma_start3A_416, %dma_start3A_417] : memref<3200x16xf32, #tpu.memory_space<vmem>> -> memref<128x16xf32, #tpu.memory_space<vmem>>
          %dma_start3A_419 = arith.constant 0 : i32
          %dma_start3A_420 = tpu.memref_slice %arg12[%run_scoped3A_391, %dma_start3A_419] : memref<25x128xi32, #tpu.memory_space<vmem>> -> memref<1x128xi32, #tpu.memory_space<vmem>>
          %dma_start3A_421 = tpu.memref_squeeze %dma_start3A_420 : memref<1x128xi32, #tpu.memory_space<vmem>> -> memref<128xi32, #tpu.memory_space<vmem>>
          %dma_start3A_422 = arith.constant 0 : i32
          %dma_start3A_423 = arith.constant 0 : i32
          %dma_start3A_424 = tpu.memref_slice %arg9[%dma_start3A_422, %dma_start3A_423] : memref<512x16xf32, #tpu.memory_space<vmem_shared>> -> memref<512x16xf32, #tpu.memory_space<vmem_shared>>
          tpu.enqueue_indirect_dma source(%dma_start3A_418 : memref<128x16xf32, #tpu.memory_space<vmem>>) target(%dma_start3A_424 : memref<512x16xf32, #tpu.memory_space<vmem_shared>>) offsets(%dma_start3A_421 : memref<128xi32, #tpu.memory_space<vmem>>) semaphore(%run_scoped3A_415 : memref<!tpu.dma_semaphore, #tpu.memory_space<semaphore_mem>>) {add = true}
          %dma_wait3A_425 = arith.constant 128 : i32
          %dma_wait3A_426 = arith.constant 0 : i32
          %dma_wait3A_427 = tpu.memref_slice %arg13[%dma_wait3A_425, %dma_wait3A_426] : memref<3200x16xf32, #tpu.memory_space<vmem>> -> memref<128x16xf32, #tpu.memory_space<vmem>>
          %dma_wait3A_428 = arith.constant 0 : i32
          %dma_wait3A_429 = tpu.memref_slice %arg12[%run_scoped3A_391, %dma_wait3A_428] : memref<25x128xi32, #tpu.memory_space<vmem>> -> memref<1x128xi32, #tpu.memory_space<vmem>>
          %dma_wait3A_430 = tpu.memref_squeeze %dma_wait3A_429 : memref<1x128xi32, #tpu.memory_space<vmem>> -> memref<128xi32, #tpu.memory_space<vmem>>
          %dma_wait3A_431 = arith.constant 0 : i32
          %dma_wait3A_432 = arith.constant 0 : i32
          %dma_wait3A_433 = tpu.memref_slice %arg9[%dma_wait3A_431, %dma_wait3A_432] : memref<512x16xf32, #tpu.memory_space<vmem_shared>> -> memref<512x16xf32, #tpu.memory_space<vmem_shared>>
          tpu.wait_indirect_dma semaphore(%run_scoped3A_415 : memref<!tpu.dma_semaphore, #tpu.memory_space<semaphore_mem>>) src(%dma_wait3A_427 : memref<128x16xf32, #tpu.memory_space<vmem>>) dst(%dma_wait3A_433 : memref<512x16xf32, #tpu.memory_space<vmem_shared>>)
          tpu.yield
        }) : () -> ()
        %run_scoped3A_392 = arith.constant 2 : i32
        "tpu.region"() ({
          %run_scoped3A_415 = tpu.sem_alloc : memref<!tpu.dma_semaphore, #tpu.memory_space<semaphore_mem>>
          %dma_start3A_416 = arith.constant 256 : i32
          %dma_start3A_417 = arith.constant 0 : i32
          %dma_start3A_418 = tpu.memref_slice %arg13[%dma_start3A_416, %dma_start3A_417] : memref<3200x16xf32, #tpu.memory_space<vmem>> -> memref<128x16xf32, #tpu.memory_space<vmem>>
          %dma_start3A_419 = arith.constant 0 : i32
          %dma_start3A_420 = tpu.memref_slice %arg12[%run_scoped3A_392, %dma_start3A_419] : memref<25x128xi32, #tpu.memory_space<vmem>> -> memref<1x128xi32, #tpu.memory_space<vmem>>
          %dma_start3A_421 = tpu.memref_squeeze %dma_start3A_420 : memref<1x128xi32, #tpu.memory_space<vmem>> -> memref<128xi32, #tpu.memory_space<vmem>>
          %dma_start3A_422 = arith.constant 0 : i32
          %dma_start3A_423 = arith.constant 0 : i32
          %dma_start3A_424 = tpu.memref_slice %arg9[%dma_start3A_422, %dma_start3A_423] : memref<512x16xf32, #tpu.memory_space<vmem_shared>> -> memref<512x16xf32, #tpu.memory_space<vmem_shared>>
          tpu.enqueue_indirect_dma source(%dma_start3A_418 : memref<128x16xf32, #tpu.memory_space<vmem>>) target(%dma_start3A_424 : memref<512x16xf32, #tpu.memory_space<vmem_shared>>) offsets(%dma_start3A_421 : memref<128xi32, #tpu.memory_space<vmem>>) semaphore(%run_scoped3A_415 : memref<!tpu.dma_semaphore, #tpu.memory_space<semaphore_mem>>) {add = true}
          %dma_wait3A_425 = arith.constant 256 : i32
          %dma_wait3A_426 = arith.constant 0 : i32
          %dma_wait3A_427 = tpu.memref_slice %arg13[%dma_wait3A_425, %dma_wait3A_426] : memref<3200x16xf32, #tpu.memory_space<vmem>> -> memref<128x16xf32, #tpu.memory_space<vmem>>
          %dma_wait3A_428 = arith.constant 0 : i32
          %dma_wait3A_429 = tpu.memref_slice %arg12[%run_scoped3A_392, %dma_wait3A_428] : memref<25x128xi32, #tpu.memory_space<vmem>> -> memref<1x128xi32, #tpu.memory_space<vmem>>
          %dma_wait3A_430 = tpu.memref_squeeze %dma_wait3A_429 : memref<1x128xi32, #tpu.memory_space<vmem>> -> memref<128xi32, #tpu.memory_space<vmem>>
          %dma_wait3A_431 = arith.constant 0 : i32
          %dma_wait3A_432 = arith.constant 0 : i32
          %dma_wait3A_433 = tpu.memref_slice %arg9[%dma_wait3A_431, %dma_wait3A_432] : memref<512x16xf32, #tpu.memory_space<vmem_shared>> -> memref<512x16xf32, #tpu.memory_space<vmem_shared>>
          tpu.wait_indirect_dma semaphore(%run_scoped3A_415 : memref<!tpu.dma_semaphore, #tpu.memory_space<semaphore_mem>>) src(%dma_wait3A_427 : memref<128x16xf32, #tpu.memory_space<vmem>>) dst(%dma_wait3A_433 : memref<512x16xf32, #tpu.memory_space<vmem_shared>>)
          tpu.yield
        }) : () -> ()
        %run_scoped3A_393 = arith.constant 3 : i32
        "tpu.region"() ({
          %run_scoped3A_415 = tpu.sem_alloc : memref<!tpu.dma_semaphore, #tpu.memory_space<semaphore_mem>>
          %dma_start3A_416 = arith.constant 384 : i32
          %dma_start3A_417 = arith.constant 0 : i32
          %dma_start3A_418 = tpu.memref_slice %arg13[%dma_start3A_416, %dma_start3A_417] : memref<3200x16xf32, #tpu.memory_space<vmem>> -> memref<128x16xf32, #tpu.memory_space<vmem>>
          %dma_start3A_419 = arith.constant 0 : i32
          %dma_start3A_420 = tpu.memref_slice %arg12[%run_scoped3A_393, %dma_start3A_419] : memref<25x128xi32, #tpu.memory_space<vmem>> -> memref<1x128xi32, #tpu.memory_space<vmem>>
          %dma_start3A_421 = tpu.memref_squeeze %dma_start3A_420 : memref<1x128xi32, #tpu.memory_space<vmem>> -> memref<128xi32, #tpu.memory_space<vmem>>
          %dma_start3A_422 = arith.constant 0 : i32
          %dma_start3A_423 = arith.constant 0 : i32
          %dma_start3A_424 = tpu.memref_slice %arg9[%dma_start3A_422, %dma_start3A_423] : memref<512x16xf32, #tpu.memory_space<vmem_shared>> -> memref<512x16xf32, #tpu.memory_space<vmem_shared>>
          tpu.enqueue_indirect_dma source(%dma_start3A_418 : memref<128x16xf32, #tpu.memory_space<vmem>>) target(%dma_start3A_424 : memref<512x16xf32, #tpu.memory_space<vmem_shared>>) offsets(%dma_start3A_421 : memref<128xi32, #tpu.memory_space<vmem>>) semaphore(%run_scoped3A_415 : memref<!tpu.dma_semaphore, #tpu.memory_space<semaphore_mem>>) {add = true}
          %dma_wait3A_425 = arith.constant 384 : i32
          %dma_wait3A_426 = arith.constant 0 : i32
          %dma_wait3A_427 = tpu.memref_slice %arg13[%dma_wait3A_425, %dma_wait3A_426] : memref<3200x16xf32, #tpu.memory_space<vmem>> -> memref<128x16xf32, #tpu.memory_space<vmem>>
          %dma_wait3A_428 = arith.constant 0 : i32
          %dma_wait3A_429 = tpu.memref_slice %arg12[%run_scoped3A_393, %dma_wait3A_428] : memref<25x128xi32, #tpu.memory_space<vmem>> -> memref<1x128xi32, #tpu.memory_space<vmem>>
          %dma_wait3A_430 = tpu.memref_squeeze %dma_wait3A_429 : memref<1x128xi32, #tpu.memory_space<vmem>> -> memref<128xi32, #tpu.memory_space<vmem>>
          %dma_wait3A_431 = arith.constant 0 : i32
          %dma_wait3A_432 = arith.constant 0 : i32
          %dma_wait3A_433 = tpu.memref_slice %arg9[%dma_wait3A_431, %dma_wait3A_432] : memref<512x16xf32, #tpu.memory_space<vmem_shared>> -> memref<512x16xf32, #tpu.memory_space<vmem_shared>>
          tpu.wait_indirect_dma semaphore(%run_scoped3A_415 : memref<!tpu.dma_semaphore, #tpu.memory_space<semaphore_mem>>) src(%dma_wait3A_427 : memref<128x16xf32, #tpu.memory_space<vmem>>) dst(%dma_wait3A_433 : memref<512x16xf32, #tpu.memory_space<vmem_shared>>)
          tpu.yield
        }) : () -> ()
        %run_scoped3A_394 = arith.constant 4 : i32
        "tpu.region"() ({
          %run_scoped3A_415 = tpu.sem_alloc : memref<!tpu.dma_semaphore, #tpu.memory_space<semaphore_mem>>
          %dma_start3A_416 = arith.constant 512 : i32
          %dma_start3A_417 = arith.constant 0 : i32
          %dma_start3A_418 = tpu.memref_slice %arg13[%dma_start3A_416, %dma_start3A_417] : memref<3200x16xf32, #tpu.memory_space<vmem>> -> memref<128x16xf32, #tpu.memory_space<vmem>>
          %dma_start3A_419 = arith.constant 0 : i32
          %dma_start3A_420 = tpu.memref_slice %arg12[%run_scoped3A_394, %dma_start3A_419] : memref<25x128xi32, #tpu.memory_space<vmem>> -> memref<1x128xi32, #tpu.memory_space<vmem>>
          %dma_start3A_421 = tpu.memref_squeeze %dma_start3A_420 : memref<1x128xi32, #tpu.memory_space<vmem>> -> memref<128xi32, #tpu.memory_space<vmem>>
          %dma_start3A_422 = arith.constant 0 : i32
          %dma_start3A_423 = arith.constant 0 : i32
          %dma_start3A_424 = tpu.memref_slice %arg9[%dma_start3A_422, %dma_start3A_423] : memref<512x16xf32, #tpu.memory_space<vmem_shared>> -> memref<512x16xf32, #tpu.memory_space<vmem_shared>>
          tpu.enqueue_indirect_dma source(%dma_start3A_418 : memref<128x16xf32, #tpu.memory_space<vmem>>) target(%dma_start3A_424 : memref<512x16xf32, #tpu.memory_space<vmem_shared>>) offsets(%dma_start3A_421 : memref<128xi32, #tpu.memory_space<vmem>>) semaphore(%run_scoped3A_415 : memref<!tpu.dma_semaphore, #tpu.memory_space<semaphore_mem>>) {add = true}
          %dma_wait3A_425 = arith.constant 512 : i32
          %dma_wait3A_426 = arith.constant 0 : i32
          %dma_wait3A_427 = tpu.memref_slice %arg13[%dma_wait3A_425, %dma_wait3A_426] : memref<3200x16xf32, #tpu.memory_space<vmem>> -> memref<128x16xf32, #tpu.memory_space<vmem>>
          %dma_wait3A_428 = arith.constant 0 : i32
          %dma_wait3A_429 = tpu.memref_slice %arg12[%run_scoped3A_394, %dma_wait3A_428] : memref<25x128xi32, #tpu.memory_space<vmem>> -> memref<1x128xi32, #tpu.memory_space<vmem>>
          %dma_wait3A_430 = tpu.memref_squeeze %dma_wait3A_429 : memref<1x128xi32, #tpu.memory_space<vmem>> -> memref<128xi32, #tpu.memory_space<vmem>>
          %dma_wait3A_431 = arith.constant 0 : i32
          %dma_wait3A_432 = arith.constant 0 : i32
          %dma_wait3A_433 = tpu.memref_slice %arg9[%dma_wait3A_431, %dma_wait3A_432] : memref<512x16xf32, #tpu.memory_space<vmem_shared>> -> memref<512x16xf32, #tpu.memory_space<vmem_shared>>
          tpu.wait_indirect_dma semaphore(%run_scoped3A_415 : memref<!tpu.dma_semaphore, #tpu.memory_space<semaphore_mem>>) src(%dma_wait3A_427 : memref<128x16xf32, #tpu.memory_space<vmem>>) dst(%dma_wait3A_433 : memref<512x16xf32, #tpu.memory_space<vmem_shared>>)
          tpu.yield
        }) : () -> ()
        %run_scoped3A_395 = arith.constant 5 : i32
        "tpu.region"() ({
          %run_scoped3A_415 = tpu.sem_alloc : memref<!tpu.dma_semaphore, #tpu.memory_space<semaphore_mem>>
          %dma_start3A_416 = arith.constant 640 : i32
          %dma_start3A_417 = arith.constant 0 : i32
          %dma_start3A_418 = tpu.memref_slice %arg13[%dma_start3A_416, %dma_start3A_417] : memref<3200x16xf32, #tpu.memory_space<vmem>> -> memref<128x16xf32, #tpu.memory_space<vmem>>
          %dma_start3A_419 = arith.constant 0 : i32
          %dma_start3A_420 = tpu.memref_slice %arg12[%run_scoped3A_395, %dma_start3A_419] : memref<25x128xi32, #tpu.memory_space<vmem>> -> memref<1x128xi32, #tpu.memory_space<vmem>>
          %dma_start3A_421 = tpu.memref_squeeze %dma_start3A_420 : memref<1x128xi32, #tpu.memory_space<vmem>> -> memref<128xi32, #tpu.memory_space<vmem>>
          %dma_start3A_422 = arith.constant 0 : i32
          %dma_start3A_423 = arith.constant 0 : i32
          %dma_start3A_424 = tpu.memref_slice %arg9[%dma_start3A_422, %dma_start3A_423] : memref<512x16xf32, #tpu.memory_space<vmem_shared>> -> memref<512x16xf32, #tpu.memory_space<vmem_shared>>
          tpu.enqueue_indirect_dma source(%dma_start3A_418 : memref<128x16xf32, #tpu.memory_space<vmem>>) target(%dma_start3A_424 : memref<512x16xf32, #tpu.memory_space<vmem_shared>>) offsets(%dma_start3A_421 : memref<128xi32, #tpu.memory_space<vmem>>) semaphore(%run_scoped3A_415 : memref<!tpu.dma_semaphore, #tpu.memory_space<semaphore_mem>>) {add = true}
          %dma_wait3A_425 = arith.constant 640 : i32
          %dma_wait3A_426 = arith.constant 0 : i32
          %dma_wait3A_427 = tpu.memref_slice %arg13[%dma_wait3A_425, %dma_wait3A_426] : memref<3200x16xf32, #tpu.memory_space<vmem>> -> memref<128x16xf32, #tpu.memory_space<vmem>>
          %dma_wait3A_428 = arith.constant 0 : i32
          %dma_wait3A_429 = tpu.memref_slice %arg12[%run_scoped3A_395, %dma_wait3A_428] : memref<25x128xi32, #tpu.memory_space<vmem>> -> memref<1x128xi32, #tpu.memory_space<vmem>>
          %dma_wait3A_430 = tpu.memref_squeeze %dma_wait3A_429 : memref<1x128xi32, #tpu.memory_space<vmem>> -> memref<128xi32, #tpu.memory_space<vmem>>
          %dma_wait3A_431 = arith.constant 0 : i32
          %dma_wait3A_432 = arith.constant 0 : i32
          %dma_wait3A_433 = tpu.memref_slice %arg9[%dma_wait3A_431, %dma_wait3A_432] : memref<512x16xf32, #tpu.memory_space<vmem_shared>> -> memref<512x16xf32, #tpu.memory_space<vmem_shared>>
          tpu.wait_indirect_dma semaphore(%run_scoped3A_415 : memref<!tpu.dma_semaphore, #tpu.memory_space<semaphore_mem>>) src(%dma_wait3A_427 : memref<128x16xf32, #tpu.memory_space<vmem>>) dst(%dma_wait3A_433 : memref<512x16xf32, #tpu.memory_space<vmem_shared>>)
          tpu.yield
        }) : () -> ()
        %run_scoped3A_396 = arith.constant 6 : i32
        "tpu.region"() ({
          %run_scoped3A_415 = tpu.sem_alloc : memref<!tpu.dma_semaphore, #tpu.memory_space<semaphore_mem>>
          %dma_start3A_416 = arith.constant 768 : i32
          %dma_start3A_417 = arith.constant 0 : i32
          %dma_start3A_418 = tpu.memref_slice %arg13[%dma_start3A_416, %dma_start3A_417] : memref<3200x16xf32, #tpu.memory_space<vmem>> -> memref<128x16xf32, #tpu.memory_space<vmem>>
          %dma_start3A_419 = arith.constant 0 : i32
          %dma_start3A_420 = tpu.memref_slice %arg12[%run_scoped3A_396, %dma_start3A_419] : memref<25x128xi32, #tpu.memory_space<vmem>> -> memref<1x128xi32, #tpu.memory_space<vmem>>
          %dma_start3A_421 = tpu.memref_squeeze %dma_start3A_420 : memref<1x128xi32, #tpu.memory_space<vmem>> -> memref<128xi32, #tpu.memory_space<vmem>>
          %dma_start3A_422 = arith.constant 0 : i32
          %dma_start3A_423 = arith.constant 0 : i32
          %dma_start3A_424 = tpu.memref_slice %arg9[%dma_start3A_422, %dma_start3A_423] : memref<512x16xf32, #tpu.memory_space<vmem_shared>> -> memref<512x16xf32, #tpu.memory_space<vmem_shared>>
          tpu.enqueue_indirect_dma source(%dma_start3A_418 : memref<128x16xf32, #tpu.memory_space<vmem>>) target(%dma_start3A_424 : memref<512x16xf32, #tpu.memory_space<vmem_shared>>) offsets(%dma_start3A_421 : memref<128xi32, #tpu.memory_space<vmem>>) semaphore(%run_scoped3A_415 : memref<!tpu.dma_semaphore, #tpu.memory_space<semaphore_mem>>) {add = true}
          %dma_wait3A_425 = arith.constant 768 : i32
          %dma_wait3A_426 = arith.constant 0 : i32
          %dma_wait3A_427 = tpu.memref_slice %arg13[%dma_wait3A_425, %dma_wait3A_426] : memref<3200x16xf32, #tpu.memory_space<vmem>> -> memref<128x16xf32, #tpu.memory_space<vmem>>
          %dma_wait3A_428 = arith.constant 0 : i32
          %dma_wait3A_429 = tpu.memref_slice %arg12[%run_scoped3A_396, %dma_wait3A_428] : memref<25x128xi32, #tpu.memory_space<vmem>> -> memref<1x128xi32, #tpu.memory_space<vmem>>
          %dma_wait3A_430 = tpu.memref_squeeze %dma_wait3A_429 : memref<1x128xi32, #tpu.memory_space<vmem>> -> memref<128xi32, #tpu.memory_space<vmem>>
          %dma_wait3A_431 = arith.constant 0 : i32
          %dma_wait3A_432 = arith.constant 0 : i32
          %dma_wait3A_433 = tpu.memref_slice %arg9[%dma_wait3A_431, %dma_wait3A_432] : memref<512x16xf32, #tpu.memory_space<vmem_shared>> -> memref<512x16xf32, #tpu.memory_space<vmem_shared>>
          tpu.wait_indirect_dma semaphore(%run_scoped3A_415 : memref<!tpu.dma_semaphore, #tpu.memory_space<semaphore_mem>>) src(%dma_wait3A_427 : memref<128x16xf32, #tpu.memory_space<vmem>>) dst(%dma_wait3A_433 : memref<512x16xf32, #tpu.memory_space<vmem_shared>>)
          tpu.yield
        }) : () -> ()
        %run_scoped3A_397 = arith.constant 7 : i32
        "tpu.region"() ({
          %run_scoped3A_415 = tpu.sem_alloc : memref<!tpu.dma_semaphore, #tpu.memory_space<semaphore_mem>>
          %dma_start3A_416 = arith.constant 896 : i32
          %dma_start3A_417 = arith.constant 0 : i32
          %dma_start3A_418 = tpu.memref_slice %arg13[%dma_start3A_416, %dma_start3A_417] : memref<3200x16xf32, #tpu.memory_space<vmem>> -> memref<128x16xf32, #tpu.memory_space<vmem>>
          %dma_start3A_419 = arith.constant 0 : i32
          %dma_start3A_420 = tpu.memref_slice %arg12[%run_scoped3A_397, %dma_start3A_419] : memref<25x128xi32, #tpu.memory_space<vmem>> -> memref<1x128xi32, #tpu.memory_space<vmem>>
          %dma_start3A_421 = tpu.memref_squeeze %dma_start3A_420 : memref<1x128xi32, #tpu.memory_space<vmem>> -> memref<128xi32, #tpu.memory_space<vmem>>
          %dma_start3A_422 = arith.constant 0 : i32
          %dma_start3A_423 = arith.constant 0 : i32
          %dma_start3A_424 = tpu.memref_slice %arg9[%dma_start3A_422, %dma_start3A_423] : memref<512x16xf32, #tpu.memory_space<vmem_shared>> -> memref<512x16xf32, #tpu.memory_space<vmem_shared>>
          tpu.enqueue_indirect_dma source(%dma_start3A_418 : memref<128x16xf32, #tpu.memory_space<vmem>>) target(%dma_start3A_424 : memref<512x16xf32, #tpu.memory_space<vmem_shared>>) offsets(%dma_start3A_421 : memref<128xi32, #tpu.memory_space<vmem>>) semaphore(%run_scoped3A_415 : memref<!tpu.dma_semaphore, #tpu.memory_space<semaphore_mem>>) {add = true}
          %dma_wait3A_425 = arith.constant 896 : i32
          %dma_wait3A_426 = arith.constant 0 : i32
          %dma_wait3A_427 = tpu.memref_slice %arg13[%dma_wait3A_425, %dma_wait3A_426] : memref<3200x16xf32, #tpu.memory_space<vmem>> -> memref<128x16xf32, #tpu.memory_space<vmem>>
          %dma_wait3A_428 = arith.constant 0 : i32
          %dma_wait3A_429 = tpu.memref_slice %arg12[%run_scoped3A_397, %dma_wait3A_428] : memref<25x128xi32, #tpu.memory_space<vmem>> -> memref<1x128xi32, #tpu.memory_space<vmem>>
          %dma_wait3A_430 = tpu.memref_squeeze %dma_wait3A_429 : memref<1x128xi32, #tpu.memory_space<vmem>> -> memref<128xi32, #tpu.memory_space<vmem>>
          %dma_wait3A_431 = arith.constant 0 : i32
          %dma_wait3A_432 = arith.constant 0 : i32
          %dma_wait3A_433 = tpu.memref_slice %arg9[%dma_wait3A_431, %dma_wait3A_432] : memref<512x16xf32, #tpu.memory_space<vmem_shared>> -> memref<512x16xf32, #tpu.memory_space<vmem_shared>>
          tpu.wait_indirect_dma semaphore(%run_scoped3A_415 : memref<!tpu.dma_semaphore, #tpu.memory_space<semaphore_mem>>) src(%dma_wait3A_427 : memref<128x16xf32, #tpu.memory_space<vmem>>) dst(%dma_wait3A_433 : memref<512x16xf32, #tpu.memory_space<vmem_shared>>)
          tpu.yield
        }) : () -> ()
        %run_scoped3A_398 = arith.constant 8 : i32
        "tpu.region"() ({
          %run_scoped3A_415 = tpu.sem_alloc : memref<!tpu.dma_semaphore, #tpu.memory_space<semaphore_mem>>
          %dma_start3A_416 = arith.constant 1024 : i32
          %dma_start3A_417 = arith.constant 0 : i32
          %dma_start3A_418 = tpu.memref_slice %arg13[%dma_start3A_416, %dma_start3A_417] : memref<3200x16xf32, #tpu.memory_space<vmem>> -> memref<128x16xf32, #tpu.memory_space<vmem>>
          %dma_start3A_419 = arith.constant 0 : i32
          %dma_start3A_420 = tpu.memref_slice %arg12[%run_scoped3A_398, %dma_start3A_419] : memref<25x128xi32, #tpu.memory_space<vmem>> -> memref<1x128xi32, #tpu.memory_space<vmem>>
          %dma_start3A_421 = tpu.memref_squeeze %dma_start3A_420 : memref<1x128xi32, #tpu.memory_space<vmem>> -> memref<128xi32, #tpu.memory_space<vmem>>
          %dma_start3A_422 = arith.constant 0 : i32
          %dma_start3A_423 = arith.constant 0 : i32
          %dma_start3A_424 = tpu.memref_slice %arg9[%dma_start3A_422, %dma_start3A_423] : memref<512x16xf32, #tpu.memory_space<vmem_shared>> -> memref<512x16xf32, #tpu.memory_space<vmem_shared>>
          tpu.enqueue_indirect_dma source(%dma_start3A_418 : memref<128x16xf32, #tpu.memory_space<vmem>>) target(%dma_start3A_424 : memref<512x16xf32, #tpu.memory_space<vmem_shared>>) offsets(%dma_start3A_421 : memref<128xi32, #tpu.memory_space<vmem>>) semaphore(%run_scoped3A_415 : memref<!tpu.dma_semaphore, #tpu.memory_space<semaphore_mem>>) {add = true}
          %dma_wait3A_425 = arith.constant 1024 : i32
          %dma_wait3A_426 = arith.constant 0 : i32
          %dma_wait3A_427 = tpu.memref_slice %arg13[%dma_wait3A_425, %dma_wait3A_426] : memref<3200x16xf32, #tpu.memory_space<vmem>> -> memref<128x16xf32, #tpu.memory_space<vmem>>
          %dma_wait3A_428 = arith.constant 0 : i32
          %dma_wait3A_429 = tpu.memref_slice %arg12[%run_scoped3A_398, %dma_wait3A_428] : memref<25x128xi32, #tpu.memory_space<vmem>> -> memref<1x128xi32, #tpu.memory_space<vmem>>
          %dma_wait3A_430 = tpu.memref_squeeze %dma_wait3A_429 : memref<1x128xi32, #tpu.memory_space<vmem>> -> memref<128xi32, #tpu.memory_space<vmem>>
          %dma_wait3A_431 = arith.constant 0 : i32
          %dma_wait3A_432 = arith.constant 0 : i32
          %dma_wait3A_433 = tpu.memref_slice %arg9[%dma_wait3A_431, %dma_wait3A_432] : memref<512x16xf32, #tpu.memory_space<vmem_shared>> -> memref<512x16xf32, #tpu.memory_space<vmem_shared>>
          tpu.wait_indirect_dma semaphore(%run_scoped3A_415 : memref<!tpu.dma_semaphore, #tpu.memory_space<semaphore_mem>>) src(%dma_wait3A_427 : memref<128x16xf32, #tpu.memory_space<vmem>>) dst(%dma_wait3A_433 : memref<512x16xf32, #tpu.memory_space<vmem_shared>>)
          tpu.yield
        }) : () -> ()
        %run_scoped3A_399 = arith.constant 9 : i32
        "tpu.region"() ({
          %run_scoped3A_415 = tpu.sem_alloc : memref<!tpu.dma_semaphore, #tpu.memory_space<semaphore_mem>>
          %dma_start3A_416 = arith.constant 1152 : i32
          %dma_start3A_417 = arith.constant 0 : i32
          %dma_start3A_418 = tpu.memref_slice %arg13[%dma_start3A_416, %dma_start3A_417] : memref<3200x16xf32, #tpu.memory_space<vmem>> -> memref<128x16xf32, #tpu.memory_space<vmem>>
          %dma_start3A_419 = arith.constant 0 : i32
          %dma_start3A_420 = tpu.memref_slice %arg12[%run_scoped3A_399, %dma_start3A_419] : memref<25x128xi32, #tpu.memory_space<vmem>> -> memref<1x128xi32, #tpu.memory_space<vmem>>
          %dma_start3A_421 = tpu.memref_squeeze %dma_start3A_420 : memref<1x128xi32, #tpu.memory_space<vmem>> -> memref<128xi32, #tpu.memory_space<vmem>>
          %dma_start3A_422 = arith.constant 0 : i32
          %dma_start3A_423 = arith.constant 0 : i32
          %dma_start3A_424 = tpu.memref_slice %arg9[%dma_start3A_422, %dma_start3A_423] : memref<512x16xf32, #tpu.memory_space<vmem_shared>> -> memref<512x16xf32, #tpu.memory_space<vmem_shared>>
          tpu.enqueue_indirect_dma source(%dma_start3A_418 : memref<128x16xf32, #tpu.memory_space<vmem>>) target(%dma_start3A_424 : memref<512x16xf32, #tpu.memory_space<vmem_shared>>) offsets(%dma_start3A_421 : memref<128xi32, #tpu.memory_space<vmem>>) semaphore(%run_scoped3A_415 : memref<!tpu.dma_semaphore, #tpu.memory_space<semaphore_mem>>) {add = true}
          %dma_wait3A_425 = arith.constant 1152 : i32
          %dma_wait3A_426 = arith.constant 0 : i32
          %dma_wait3A_427 = tpu.memref_slice %arg13[%dma_wait3A_425, %dma_wait3A_426] : memref<3200x16xf32, #tpu.memory_space<vmem>> -> memref<128x16xf32, #tpu.memory_space<vmem>>
          %dma_wait3A_428 = arith.constant 0 : i32
          %dma_wait3A_429 = tpu.memref_slice %arg12[%run_scoped3A_399, %dma_wait3A_428] : memref<25x128xi32, #tpu.memory_space<vmem>> -> memref<1x128xi32, #tpu.memory_space<vmem>>
          %dma_wait3A_430 = tpu.memref_squeeze %dma_wait3A_429 : memref<1x128xi32, #tpu.memory_space<vmem>> -> memref<128xi32, #tpu.memory_space<vmem>>
          %dma_wait3A_431 = arith.constant 0 : i32
          %dma_wait3A_432 = arith.constant 0 : i32
          %dma_wait3A_433 = tpu.memref_slice %arg9[%dma_wait3A_431, %dma_wait3A_432] : memref<512x16xf32, #tpu.memory_space<vmem_shared>> -> memref<512x16xf32, #tpu.memory_space<vmem_shared>>
          tpu.wait_indirect_dma semaphore(%run_scoped3A_415 : memref<!tpu.dma_semaphore, #tpu.memory_space<semaphore_mem>>) src(%dma_wait3A_427 : memref<128x16xf32, #tpu.memory_space<vmem>>) dst(%dma_wait3A_433 : memref<512x16xf32, #tpu.memory_space<vmem_shared>>)
          tpu.yield
        }) : () -> ()
        %run_scoped3A_400 = arith.constant 10 : i32
        "tpu.region"() ({
          %run_scoped3A_415 = tpu.sem_alloc : memref<!tpu.dma_semaphore, #tpu.memory_space<semaphore_mem>>
          %dma_start3A_416 = arith.constant 1280 : i32
          %dma_start3A_417 = arith.constant 0 : i32
          %dma_start3A_418 = tpu.memref_slice %arg13[%dma_start3A_416, %dma_start3A_417] : memref<3200x16xf32, #tpu.memory_space<vmem>> -> memref<128x16xf32, #tpu.memory_space<vmem>>
          %dma_start3A_419 = arith.constant 0 : i32
          %dma_start3A_420 = tpu.memref_slice %arg12[%run_scoped3A_400, %dma_start3A_419] : memref<25x128xi32, #tpu.memory_space<vmem>> -> memref<1x128xi32, #tpu.memory_space<vmem>>
          %dma_start3A_421 = tpu.memref_squeeze %dma_start3A_420 : memref<1x128xi32, #tpu.memory_space<vmem>> -> memref<128xi32, #tpu.memory_space<vmem>>
          %dma_start3A_422 = arith.constant 0 : i32
          %dma_start3A_423 = arith.constant 0 : i32
          %dma_start3A_424 = tpu.memref_slice %arg9[%dma_start3A_422, %dma_start3A_423] : memref<512x16xf32, #tpu.memory_space<vmem_shared>> -> memref<512x16xf32, #tpu.memory_space<vmem_shared>>
          tpu.enqueue_indirect_dma source(%dma_start3A_418 : memref<128x16xf32, #tpu.memory_space<vmem>>) target(%dma_start3A_424 : memref<512x16xf32, #tpu.memory_space<vmem_shared>>) offsets(%dma_start3A_421 : memref<128xi32, #tpu.memory_space<vmem>>) semaphore(%run_scoped3A_415 : memref<!tpu.dma_semaphore, #tpu.memory_space<semaphore_mem>>) {add = true}
          %dma_wait3A_425 = arith.constant 1280 : i32
          %dma_wait3A_426 = arith.constant 0 : i32
          %dma_wait3A_427 = tpu.memref_slice %arg13[%dma_wait3A_425, %dma_wait3A_426] : memref<3200x16xf32, #tpu.memory_space<vmem>> -> memref<128x16xf32, #tpu.memory_space<vmem>>
          %dma_wait3A_428 = arith.constant 0 : i32
          %dma_wait3A_429 = tpu.memref_slice %arg12[%run_scoped3A_400, %dma_wait3A_428] : memref<25x128xi32, #tpu.memory_space<vmem>> -> memref<1x128xi32, #tpu.memory_space<vmem>>
          %dma_wait3A_430 = tpu.memref_squeeze %dma_wait3A_429 : memref<1x128xi32, #tpu.memory_space<vmem>> -> memref<128xi32, #tpu.memory_space<vmem>>
          %dma_wait3A_431 = arith.constant 0 : i32
          %dma_wait3A_432 = arith.constant 0 : i32
          %dma_wait3A_433 = tpu.memref_slice %arg9[%dma_wait3A_431, %dma_wait3A_432] : memref<512x16xf32, #tpu.memory_space<vmem_shared>> -> memref<512x16xf32, #tpu.memory_space<vmem_shared>>
          tpu.wait_indirect_dma semaphore(%run_scoped3A_415 : memref<!tpu.dma_semaphore, #tpu.memory_space<semaphore_mem>>) src(%dma_wait3A_427 : memref<128x16xf32, #tpu.memory_space<vmem>>) dst(%dma_wait3A_433 : memref<512x16xf32, #tpu.memory_space<vmem_shared>>)
          tpu.yield
        }) : () -> ()
        %run_scoped3A_401 = arith.constant 11 : i32
        "tpu.region"() ({
          %run_scoped3A_415 = tpu.sem_alloc : memref<!tpu.dma_semaphore, #tpu.memory_space<semaphore_mem>>
          %dma_start3A_416 = arith.constant 1408 : i32
          %dma_start3A_417 = arith.constant 0 : i32
          %dma_start3A_418 = tpu.memref_slice %arg13[%dma_start3A_416, %dma_start3A_417] : memref<3200x16xf32, #tpu.memory_space<vmem>> -> memref<128x16xf32, #tpu.memory_space<vmem>>
          %dma_start3A_419 = arith.constant 0 : i32
          %dma_start3A_420 = tpu.memref_slice %arg12[%run_scoped3A_401, %dma_start3A_419] : memref<25x128xi32, #tpu.memory_space<vmem>> -> memref<1x128xi32, #tpu.memory_space<vmem>>
          %dma_start3A_421 = tpu.memref_squeeze %dma_start3A_420 : memref<1x128xi32, #tpu.memory_space<vmem>> -> memref<128xi32, #tpu.memory_space<vmem>>
          %dma_start3A_422 = arith.constant 0 : i32
          %dma_start3A_423 = arith.constant 0 : i32
          %dma_start3A_424 = tpu.memref_slice %arg9[%dma_start3A_422, %dma_start3A_423] : memref<512x16xf32, #tpu.memory_space<vmem_shared>> -> memref<512x16xf32, #tpu.memory_space<vmem_shared>>
          tpu.enqueue_indirect_dma source(%dma_start3A_418 : memref<128x16xf32, #tpu.memory_space<vmem>>) target(%dma_start3A_424 : memref<512x16xf32, #tpu.memory_space<vmem_shared>>) offsets(%dma_start3A_421 : memref<128xi32, #tpu.memory_space<vmem>>) semaphore(%run_scoped3A_415 : memref<!tpu.dma_semaphore, #tpu.memory_space<semaphore_mem>>) {add = true}
          %dma_wait3A_425 = arith.constant 1408 : i32
          %dma_wait3A_426 = arith.constant 0 : i32
          %dma_wait3A_427 = tpu.memref_slice %arg13[%dma_wait3A_425, %dma_wait3A_426] : memref<3200x16xf32, #tpu.memory_space<vmem>> -> memref<128x16xf32, #tpu.memory_space<vmem>>
          %dma_wait3A_428 = arith.constant 0 : i32
          %dma_wait3A_429 = tpu.memref_slice %arg12[%run_scoped3A_401, %dma_wait3A_428] : memref<25x128xi32, #tpu.memory_space<vmem>> -> memref<1x128xi32, #tpu.memory_space<vmem>>
          %dma_wait3A_430 = tpu.memref_squeeze %dma_wait3A_429 : memref<1x128xi32, #tpu.memory_space<vmem>> -> memref<128xi32, #tpu.memory_space<vmem>>
          %dma_wait3A_431 = arith.constant 0 : i32
          %dma_wait3A_432 = arith.constant 0 : i32
          %dma_wait3A_433 = tpu.memref_slice %arg9[%dma_wait3A_431, %dma_wait3A_432] : memref<512x16xf32, #tpu.memory_space<vmem_shared>> -> memref<512x16xf32, #tpu.memory_space<vmem_shared>>
          tpu.wait_indirect_dma semaphore(%run_scoped3A_415 : memref<!tpu.dma_semaphore, #tpu.memory_space<semaphore_mem>>) src(%dma_wait3A_427 : memref<128x16xf32, #tpu.memory_space<vmem>>) dst(%dma_wait3A_433 : memref<512x16xf32, #tpu.memory_space<vmem_shared>>)
          tpu.yield
        }) : () -> ()
        %run_scoped3A_402 = arith.constant 12 : i32
        "tpu.region"() ({
          %run_scoped3A_415 = tpu.sem_alloc : memref<!tpu.dma_semaphore, #tpu.memory_space<semaphore_mem>>
          %dma_start3A_416 = arith.constant 1536 : i32
          %dma_start3A_417 = arith.constant 0 : i32
          %dma_start3A_418 = tpu.memref_slice %arg13[%dma_start3A_416, %dma_start3A_417] : memref<3200x16xf32, #tpu.memory_space<vmem>> -> memref<128x16xf32, #tpu.memory_space<vmem>>
          %dma_start3A_419 = arith.constant 0 : i32
          %dma_start3A_420 = tpu.memref_slice %arg12[%run_scoped3A_402, %dma_start3A_419] : memref<25x128xi32, #tpu.memory_space<vmem>> -> memref<1x128xi32, #tpu.memory_space<vmem>>
          %dma_start3A_421 = tpu.memref_squeeze %dma_start3A_420 : memref<1x128xi32, #tpu.memory_space<vmem>> -> memref<128xi32, #tpu.memory_space<vmem>>
          %dma_start3A_422 = arith.constant 0 : i32
          %dma_start3A_423 = arith.constant 0 : i32
          %dma_start3A_424 = tpu.memref_slice %arg9[%dma_start3A_422, %dma_start3A_423] : memref<512x16xf32, #tpu.memory_space<vmem_shared>> -> memref<512x16xf32, #tpu.memory_space<vmem_shared>>
          tpu.enqueue_indirect_dma source(%dma_start3A_418 : memref<128x16xf32, #tpu.memory_space<vmem>>) target(%dma_start3A_424 : memref<512x16xf32, #tpu.memory_space<vmem_shared>>) offsets(%dma_start3A_421 : memref<128xi32, #tpu.memory_space<vmem>>) semaphore(%run_scoped3A_415 : memref<!tpu.dma_semaphore, #tpu.memory_space<semaphore_mem>>) {add = true}
          %dma_wait3A_425 = arith.constant 1536 : i32
          %dma_wait3A_426 = arith.constant 0 : i32
          %dma_wait3A_427 = tpu.memref_slice %arg13[%dma_wait3A_425, %dma_wait3A_426] : memref<3200x16xf32, #tpu.memory_space<vmem>> -> memref<128x16xf32, #tpu.memory_space<vmem>>
          %dma_wait3A_428 = arith.constant 0 : i32
          %dma_wait3A_429 = tpu.memref_slice %arg12[%run_scoped3A_402, %dma_wait3A_428] : memref<25x128xi32, #tpu.memory_space<vmem>> -> memref<1x128xi32, #tpu.memory_space<vmem>>
          %dma_wait3A_430 = tpu.memref_squeeze %dma_wait3A_429 : memref<1x128xi32, #tpu.memory_space<vmem>> -> memref<128xi32, #tpu.memory_space<vmem>>
          %dma_wait3A_431 = arith.constant 0 : i32
          %dma_wait3A_432 = arith.constant 0 : i32
          %dma_wait3A_433 = tpu.memref_slice %arg9[%dma_wait3A_431, %dma_wait3A_432] : memref<512x16xf32, #tpu.memory_space<vmem_shared>> -> memref<512x16xf32, #tpu.memory_space<vmem_shared>>
          tpu.wait_indirect_dma semaphore(%run_scoped3A_415 : memref<!tpu.dma_semaphore, #tpu.memory_space<semaphore_mem>>) src(%dma_wait3A_427 : memref<128x16xf32, #tpu.memory_space<vmem>>) dst(%dma_wait3A_433 : memref<512x16xf32, #tpu.memory_space<vmem_shared>>)
          tpu.yield
        }) : () -> ()
        %run_scoped3A_403 = arith.constant 13 : i32
        "tpu.region"() ({
          %run_scoped3A_415 = tpu.sem_alloc : memref<!tpu.dma_semaphore, #tpu.memory_space<semaphore_mem>>
          %dma_start3A_416 = arith.constant 1664 : i32
          %dma_start3A_417 = arith.constant 0 : i32
          %dma_start3A_418 = tpu.memref_slice %arg13[%dma_start3A_416, %dma_start3A_417] : memref<3200x16xf32, #tpu.memory_space<vmem>> -> memref<128x16xf32, #tpu.memory_space<vmem>>
          %dma_start3A_419 = arith.constant 0 : i32
          %dma_start3A_420 = tpu.memref_slice %arg12[%run_scoped3A_403, %dma_start3A_419] : memref<25x128xi32, #tpu.memory_space<vmem>> -> memref<1x128xi32, #tpu.memory_space<vmem>>
          %dma_start3A_421 = tpu.memref_squeeze %dma_start3A_420 : memref<1x128xi32, #tpu.memory_space<vmem>> -> memref<128xi32, #tpu.memory_space<vmem>>
          %dma_start3A_422 = arith.constant 0 : i32
          %dma_start3A_423 = arith.constant 0 : i32
          %dma_start3A_424 = tpu.memref_slice %arg9[%dma_start3A_422, %dma_start3A_423] : memref<512x16xf32, #tpu.memory_space<vmem_shared>> -> memref<512x16xf32, #tpu.memory_space<vmem_shared>>
          tpu.enqueue_indirect_dma source(%dma_start3A_418 : memref<128x16xf32, #tpu.memory_space<vmem>>) target(%dma_start3A_424 : memref<512x16xf32, #tpu.memory_space<vmem_shared>>) offsets(%dma_start3A_421 : memref<128xi32, #tpu.memory_space<vmem>>) semaphore(%run_scoped3A_415 : memref<!tpu.dma_semaphore, #tpu.memory_space<semaphore_mem>>) {add = true}
          %dma_wait3A_425 = arith.constant 1664 : i32
          %dma_wait3A_426 = arith.constant 0 : i32
          %dma_wait3A_427 = tpu.memref_slice %arg13[%dma_wait3A_425, %dma_wait3A_426] : memref<3200x16xf32, #tpu.memory_space<vmem>> -> memref<128x16xf32, #tpu.memory_space<vmem>>
          %dma_wait3A_428 = arith.constant 0 : i32
          %dma_wait3A_429 = tpu.memref_slice %arg12[%run_scoped3A_403, %dma_wait3A_428] : memref<25x128xi32, #tpu.memory_space<vmem>> -> memref<1x128xi32, #tpu.memory_space<vmem>>
          %dma_wait3A_430 = tpu.memref_squeeze %dma_wait3A_429 : memref<1x128xi32, #tpu.memory_space<vmem>> -> memref<128xi32, #tpu.memory_space<vmem>>
          %dma_wait3A_431 = arith.constant 0 : i32
          %dma_wait3A_432 = arith.constant 0 : i32
          %dma_wait3A_433 = tpu.memref_slice %arg9[%dma_wait3A_431, %dma_wait3A_432] : memref<512x16xf32, #tpu.memory_space<vmem_shared>> -> memref<512x16xf32, #tpu.memory_space<vmem_shared>>
          tpu.wait_indirect_dma semaphore(%run_scoped3A_415 : memref<!tpu.dma_semaphore, #tpu.memory_space<semaphore_mem>>) src(%dma_wait3A_427 : memref<128x16xf32, #tpu.memory_space<vmem>>) dst(%dma_wait3A_433 : memref<512x16xf32, #tpu.memory_space<vmem_shared>>)
          tpu.yield
        }) : () -> ()
        %run_scoped3A_404 = arith.constant 14 : i32
        "tpu.region"() ({
          %run_scoped3A_415 = tpu.sem_alloc : memref<!tpu.dma_semaphore, #tpu.memory_space<semaphore_mem>>
          %dma_start3A_416 = arith.constant 1792 : i32
          %dma_start3A_417 = arith.constant 0 : i32
          %dma_start3A_418 = tpu.memref_slice %arg13[%dma_start3A_416, %dma_start3A_417] : memref<3200x16xf32, #tpu.memory_space<vmem>> -> memref<128x16xf32, #tpu.memory_space<vmem>>
          %dma_start3A_419 = arith.constant 0 : i32
          %dma_start3A_420 = tpu.memref_slice %arg12[%run_scoped3A_404, %dma_start3A_419] : memref<25x128xi32, #tpu.memory_space<vmem>> -> memref<1x128xi32, #tpu.memory_space<vmem>>
          %dma_start3A_421 = tpu.memref_squeeze %dma_start3A_420 : memref<1x128xi32, #tpu.memory_space<vmem>> -> memref<128xi32, #tpu.memory_space<vmem>>
          %dma_start3A_422 = arith.constant 0 : i32
          %dma_start3A_423 = arith.constant 0 : i32
          %dma_start3A_424 = tpu.memref_slice %arg9[%dma_start3A_422, %dma_start3A_423] : memref<512x16xf32, #tpu.memory_space<vmem_shared>> -> memref<512x16xf32, #tpu.memory_space<vmem_shared>>
          tpu.enqueue_indirect_dma source(%dma_start3A_418 : memref<128x16xf32, #tpu.memory_space<vmem>>) target(%dma_start3A_424 : memref<512x16xf32, #tpu.memory_space<vmem_shared>>) offsets(%dma_start3A_421 : memref<128xi32, #tpu.memory_space<vmem>>) semaphore(%run_scoped3A_415 : memref<!tpu.dma_semaphore, #tpu.memory_space<semaphore_mem>>) {add = true}
          %dma_wait3A_425 = arith.constant 1792 : i32
          %dma_wait3A_426 = arith.constant 0 : i32
          %dma_wait3A_427 = tpu.memref_slice %arg13[%dma_wait3A_425, %dma_wait3A_426] : memref<3200x16xf32, #tpu.memory_space<vmem>> -> memref<128x16xf32, #tpu.memory_space<vmem>>
          %dma_wait3A_428 = arith.constant 0 : i32
          %dma_wait3A_429 = tpu.memref_slice %arg12[%run_scoped3A_404, %dma_wait3A_428] : memref<25x128xi32, #tpu.memory_space<vmem>> -> memref<1x128xi32, #tpu.memory_space<vmem>>
          %dma_wait3A_430 = tpu.memref_squeeze %dma_wait3A_429 : memref<1x128xi32, #tpu.memory_space<vmem>> -> memref<128xi32, #tpu.memory_space<vmem>>
          %dma_wait3A_431 = arith.constant 0 : i32
          %dma_wait3A_432 = arith.constant 0 : i32
          %dma_wait3A_433 = tpu.memref_slice %arg9[%dma_wait3A_431, %dma_wait3A_432] : memref<512x16xf32, #tpu.memory_space<vmem_shared>> -> memref<512x16xf32, #tpu.memory_space<vmem_shared>>
          tpu.wait_indirect_dma semaphore(%run_scoped3A_415 : memref<!tpu.dma_semaphore, #tpu.memory_space<semaphore_mem>>) src(%dma_wait3A_427 : memref<128x16xf32, #tpu.memory_space<vmem>>) dst(%dma_wait3A_433 : memref<512x16xf32, #tpu.memory_space<vmem_shared>>)
          tpu.yield
        }) : () -> ()
        %run_scoped3A_405 = arith.constant 15 : i32
        "tpu.region"() ({
          %run_scoped3A_415 = tpu.sem_alloc : memref<!tpu.dma_semaphore, #tpu.memory_space<semaphore_mem>>
          %dma_start3A_416 = arith.constant 1920 : i32
          %dma_start3A_417 = arith.constant 0 : i32
          %dma_start3A_418 = tpu.memref_slice %arg13[%dma_start3A_416, %dma_start3A_417] : memref<3200x16xf32, #tpu.memory_space<vmem>> -> memref<128x16xf32, #tpu.memory_space<vmem>>
          %dma_start3A_419 = arith.constant 0 : i32
          %dma_start3A_420 = tpu.memref_slice %arg12[%run_scoped3A_405, %dma_start3A_419] : memref<25x128xi32, #tpu.memory_space<vmem>> -> memref<1x128xi32, #tpu.memory_space<vmem>>
          %dma_start3A_421 = tpu.memref_squeeze %dma_start3A_420 : memref<1x128xi32, #tpu.memory_space<vmem>> -> memref<128xi32, #tpu.memory_space<vmem>>
          %dma_start3A_422 = arith.constant 0 : i32
          %dma_start3A_423 = arith.constant 0 : i32
          %dma_start3A_424 = tpu.memref_slice %arg9[%dma_start3A_422, %dma_start3A_423] : memref<512x16xf32, #tpu.memory_space<vmem_shared>> -> memref<512x16xf32, #tpu.memory_space<vmem_shared>>
          tpu.enqueue_indirect_dma source(%dma_start3A_418 : memref<128x16xf32, #tpu.memory_space<vmem>>) target(%dma_start3A_424 : memref<512x16xf32, #tpu.memory_space<vmem_shared>>) offsets(%dma_start3A_421 : memref<128xi32, #tpu.memory_space<vmem>>) semaphore(%run_scoped3A_415 : memref<!tpu.dma_semaphore, #tpu.memory_space<semaphore_mem>>) {add = true}
          %dma_wait3A_425 = arith.constant 1920 : i32
          %dma_wait3A_426 = arith.constant 0 : i32
          %dma_wait3A_427 = tpu.memref_slice %arg13[%dma_wait3A_425, %dma_wait3A_426] : memref<3200x16xf32, #tpu.memory_space<vmem>> -> memref<128x16xf32, #tpu.memory_space<vmem>>
          %dma_wait3A_428 = arith.constant 0 : i32
          %dma_wait3A_429 = tpu.memref_slice %arg12[%run_scoped3A_405, %dma_wait3A_428] : memref<25x128xi32, #tpu.memory_space<vmem>> -> memref<1x128xi32, #tpu.memory_space<vmem>>
          %dma_wait3A_430 = tpu.memref_squeeze %dma_wait3A_429 : memref<1x128xi32, #tpu.memory_space<vmem>> -> memref<128xi32, #tpu.memory_space<vmem>>
          %dma_wait3A_431 = arith.constant 0 : i32
          %dma_wait3A_432 = arith.constant 0 : i32
          %dma_wait3A_433 = tpu.memref_slice %arg9[%dma_wait3A_431, %dma_wait3A_432] : memref<512x16xf32, #tpu.memory_space<vmem_shared>> -> memref<512x16xf32, #tpu.memory_space<vmem_shared>>
          tpu.wait_indirect_dma semaphore(%run_scoped3A_415 : memref<!tpu.dma_semaphore, #tpu.memory_space<semaphore_mem>>) src(%dma_wait3A_427 : memref<128x16xf32, #tpu.memory_space<vmem>>) dst(%dma_wait3A_433 : memref<512x16xf32, #tpu.memory_space<vmem_shared>>)
          tpu.yield
        }) : () -> ()
        %run_scoped3A_406 = arith.constant 16 : i32
        "tpu.region"() ({
          %run_scoped3A_415 = tpu.sem_alloc : memref<!tpu.dma_semaphore, #tpu.memory_space<semaphore_mem>>
          %dma_start3A_416 = arith.constant 2048 : i32
          %dma_start3A_417 = arith.constant 0 : i32
          %dma_start3A_418 = tpu.memref_slice %arg13[%dma_start3A_416, %dma_start3A_417] : memref<3200x16xf32, #tpu.memory_space<vmem>> -> memref<128x16xf32, #tpu.memory_space<vmem>>
          %dma_start3A_419 = arith.constant 0 : i32
          %dma_start3A_420 = tpu.memref_slice %arg12[%run_scoped3A_406, %dma_start3A_419] : memref<25x128xi32, #tpu.memory_space<vmem>> -> memref<1x128xi32, #tpu.memory_space<vmem>>
          %dma_start3A_421 = tpu.memref_squeeze %dma_start3A_420 : memref<1x128xi32, #tpu.memory_space<vmem>> -> memref<128xi32, #tpu.memory_space<vmem>>
          %dma_start3A_422 = arith.constant 0 : i32
          %dma_start3A_423 = arith.constant 0 : i32
          %dma_start3A_424 = tpu.memref_slice %arg9[%dma_start3A_422, %dma_start3A_423] : memref<512x16xf32, #tpu.memory_space<vmem_shared>> -> memref<512x16xf32, #tpu.memory_space<vmem_shared>>
          tpu.enqueue_indirect_dma source(%dma_start3A_418 : memref<128x16xf32, #tpu.memory_space<vmem>>) target(%dma_start3A_424 : memref<512x16xf32, #tpu.memory_space<vmem_shared>>) offsets(%dma_start3A_421 : memref<128xi32, #tpu.memory_space<vmem>>) semaphore(%run_scoped3A_415 : memref<!tpu.dma_semaphore, #tpu.memory_space<semaphore_mem>>) {add = true}
          %dma_wait3A_425 = arith.constant 2048 : i32
          %dma_wait3A_426 = arith.constant 0 : i32
          %dma_wait3A_427 = tpu.memref_slice %arg13[%dma_wait3A_425, %dma_wait3A_426] : memref<3200x16xf32, #tpu.memory_space<vmem>> -> memref<128x16xf32, #tpu.memory_space<vmem>>
          %dma_wait3A_428 = arith.constant 0 : i32
          %dma_wait3A_429 = tpu.memref_slice %arg12[%run_scoped3A_406, %dma_wait3A_428] : memref<25x128xi32, #tpu.memory_space<vmem>> -> memref<1x128xi32, #tpu.memory_space<vmem>>
          %dma_wait3A_430 = tpu.memref_squeeze %dma_wait3A_429 : memref<1x128xi32, #tpu.memory_space<vmem>> -> memref<128xi32, #tpu.memory_space<vmem>>
          %dma_wait3A_431 = arith.constant 0 : i32
          %dma_wait3A_432 = arith.constant 0 : i32
          %dma_wait3A_433 = tpu.memref_slice %arg9[%dma_wait3A_431, %dma_wait3A_432] : memref<512x16xf32, #tpu.memory_space<vmem_shared>> -> memref<512x16xf32, #tpu.memory_space<vmem_shared>>
          tpu.wait_indirect_dma semaphore(%run_scoped3A_415 : memref<!tpu.dma_semaphore, #tpu.memory_space<semaphore_mem>>) src(%dma_wait3A_427 : memref<128x16xf32, #tpu.memory_space<vmem>>) dst(%dma_wait3A_433 : memref<512x16xf32, #tpu.memory_space<vmem_shared>>)
          tpu.yield
        }) : () -> ()
        %run_scoped3A_407 = arith.constant 17 : i32
        "tpu.region"() ({
          %run_scoped3A_415 = tpu.sem_alloc : memref<!tpu.dma_semaphore, #tpu.memory_space<semaphore_mem>>
          %dma_start3A_416 = arith.constant 2176 : i32
          %dma_start3A_417 = arith.constant 0 : i32
          %dma_start3A_418 = tpu.memref_slice %arg13[%dma_start3A_416, %dma_start3A_417] : memref<3200x16xf32, #tpu.memory_space<vmem>> -> memref<128x16xf32, #tpu.memory_space<vmem>>
          %dma_start3A_419 = arith.constant 0 : i32
          %dma_start3A_420 = tpu.memref_slice %arg12[%run_scoped3A_407, %dma_start3A_419] : memref<25x128xi32, #tpu.memory_space<vmem>> -> memref<1x128xi32, #tpu.memory_space<vmem>>
          %dma_start3A_421 = tpu.memref_squeeze %dma_start3A_420 : memref<1x128xi32, #tpu.memory_space<vmem>> -> memref<128xi32, #tpu.memory_space<vmem>>
          %dma_start3A_422 = arith.constant 0 : i32
          %dma_start3A_423 = arith.constant 0 : i32
          %dma_start3A_424 = tpu.memref_slice %arg9[%dma_start3A_422, %dma_start3A_423] : memref<512x16xf32, #tpu.memory_space<vmem_shared>> -> memref<512x16xf32, #tpu.memory_space<vmem_shared>>
          tpu.enqueue_indirect_dma source(%dma_start3A_418 : memref<128x16xf32, #tpu.memory_space<vmem>>) target(%dma_start3A_424 : memref<512x16xf32, #tpu.memory_space<vmem_shared>>) offsets(%dma_start3A_421 : memref<128xi32, #tpu.memory_space<vmem>>) semaphore(%run_scoped3A_415 : memref<!tpu.dma_semaphore, #tpu.memory_space<semaphore_mem>>) {add = true}
          %dma_wait3A_425 = arith.constant 2176 : i32
          %dma_wait3A_426 = arith.constant 0 : i32
          %dma_wait3A_427 = tpu.memref_slice %arg13[%dma_wait3A_425, %dma_wait3A_426] : memref<3200x16xf32, #tpu.memory_space<vmem>> -> memref<128x16xf32, #tpu.memory_space<vmem>>
          %dma_wait3A_428 = arith.constant 0 : i32
          %dma_wait3A_429 = tpu.memref_slice %arg12[%run_scoped3A_407, %dma_wait3A_428] : memref<25x128xi32, #tpu.memory_space<vmem>> -> memref<1x128xi32, #tpu.memory_space<vmem>>
          %dma_wait3A_430 = tpu.memref_squeeze %dma_wait3A_429 : memref<1x128xi32, #tpu.memory_space<vmem>> -> memref<128xi32, #tpu.memory_space<vmem>>
          %dma_wait3A_431 = arith.constant 0 : i32
          %dma_wait3A_432 = arith.constant 0 : i32
          %dma_wait3A_433 = tpu.memref_slice %arg9[%dma_wait3A_431, %dma_wait3A_432] : memref<512x16xf32, #tpu.memory_space<vmem_shared>> -> memref<512x16xf32, #tpu.memory_space<vmem_shared>>
          tpu.wait_indirect_dma semaphore(%run_scoped3A_415 : memref<!tpu.dma_semaphore, #tpu.memory_space<semaphore_mem>>) src(%dma_wait3A_427 : memref<128x16xf32, #tpu.memory_space<vmem>>) dst(%dma_wait3A_433 : memref<512x16xf32, #tpu.memory_space<vmem_shared>>)
          tpu.yield
        }) : () -> ()
        %run_scoped3A_408 = arith.constant 18 : i32
        "tpu.region"() ({
          %run_scoped3A_415 = tpu.sem_alloc : memref<!tpu.dma_semaphore, #tpu.memory_space<semaphore_mem>>
          %dma_start3A_416 = arith.constant 2304 : i32
          %dma_start3A_417 = arith.constant 0 : i32
          %dma_start3A_418 = tpu.memref_slice %arg13[%dma_start3A_416, %dma_start3A_417] : memref<3200x16xf32, #tpu.memory_space<vmem>> -> memref<128x16xf32, #tpu.memory_space<vmem>>
          %dma_start3A_419 = arith.constant 0 : i32
          %dma_start3A_420 = tpu.memref_slice %arg12[%run_scoped3A_408, %dma_start3A_419] : memref<25x128xi32, #tpu.memory_space<vmem>> -> memref<1x128xi32, #tpu.memory_space<vmem>>
          %dma_start3A_421 = tpu.memref_squeeze %dma_start3A_420 : memref<1x128xi32, #tpu.memory_space<vmem>> -> memref<128xi32, #tpu.memory_space<vmem>>
          %dma_start3A_422 = arith.constant 0 : i32
          %dma_start3A_423 = arith.constant 0 : i32
          %dma_start3A_424 = tpu.memref_slice %arg9[%dma_start3A_422, %dma_start3A_423] : memref<512x16xf32, #tpu.memory_space<vmem_shared>> -> memref<512x16xf32, #tpu.memory_space<vmem_shared>>
          tpu.enqueue_indirect_dma source(%dma_start3A_418 : memref<128x16xf32, #tpu.memory_space<vmem>>) target(%dma_start3A_424 : memref<512x16xf32, #tpu.memory_space<vmem_shared>>) offsets(%dma_start3A_421 : memref<128xi32, #tpu.memory_space<vmem>>) semaphore(%run_scoped3A_415 : memref<!tpu.dma_semaphore, #tpu.memory_space<semaphore_mem>>) {add = true}
          %dma_wait3A_425 = arith.constant 2304 : i32
          %dma_wait3A_426 = arith.constant 0 : i32
          %dma_wait3A_427 = tpu.memref_slice %arg13[%dma_wait3A_425, %dma_wait3A_426] : memref<3200x16xf32, #tpu.memory_space<vmem>> -> memref<128x16xf32, #tpu.memory_space<vmem>>
          %dma_wait3A_428 = arith.constant 0 : i32
          %dma_wait3A_429 = tpu.memref_slice %arg12[%run_scoped3A_408, %dma_wait3A_428] : memref<25x128xi32, #tpu.memory_space<vmem>> -> memref<1x128xi32, #tpu.memory_space<vmem>>
          %dma_wait3A_430 = tpu.memref_squeeze %dma_wait3A_429 : memref<1x128xi32, #tpu.memory_space<vmem>> -> memref<128xi32, #tpu.memory_space<vmem>>
          %dma_wait3A_431 = arith.constant 0 : i32
          %dma_wait3A_432 = arith.constant 0 : i32
          %dma_wait3A_433 = tpu.memref_slice %arg9[%dma_wait3A_431, %dma_wait3A_432] : memref<512x16xf32, #tpu.memory_space<vmem_shared>> -> memref<512x16xf32, #tpu.memory_space<vmem_shared>>
          tpu.wait_indirect_dma semaphore(%run_scoped3A_415 : memref<!tpu.dma_semaphore, #tpu.memory_space<semaphore_mem>>) src(%dma_wait3A_427 : memref<128x16xf32, #tpu.memory_space<vmem>>) dst(%dma_wait3A_433 : memref<512x16xf32, #tpu.memory_space<vmem_shared>>)
          tpu.yield
        }) : () -> ()
        %run_scoped3A_409 = arith.constant 19 : i32
        "tpu.region"() ({
          %run_scoped3A_415 = tpu.sem_alloc : memref<!tpu.dma_semaphore, #tpu.memory_space<semaphore_mem>>
          %dma_start3A_416 = arith.constant 2432 : i32
          %dma_start3A_417 = arith.constant 0 : i32
          %dma_start3A_418 = tpu.memref_slice %arg13[%dma_start3A_416, %dma_start3A_417] : memref<3200x16xf32, #tpu.memory_space<vmem>> -> memref<128x16xf32, #tpu.memory_space<vmem>>
          %dma_start3A_419 = arith.constant 0 : i32
          %dma_start3A_420 = tpu.memref_slice %arg12[%run_scoped3A_409, %dma_start3A_419] : memref<25x128xi32, #tpu.memory_space<vmem>> -> memref<1x128xi32, #tpu.memory_space<vmem>>
          %dma_start3A_421 = tpu.memref_squeeze %dma_start3A_420 : memref<1x128xi32, #tpu.memory_space<vmem>> -> memref<128xi32, #tpu.memory_space<vmem>>
          %dma_start3A_422 = arith.constant 0 : i32
          %dma_start3A_423 = arith.constant 0 : i32
          %dma_start3A_424 = tpu.memref_slice %arg9[%dma_start3A_422, %dma_start3A_423] : memref<512x16xf32, #tpu.memory_space<vmem_shared>> -> memref<512x16xf32, #tpu.memory_space<vmem_shared>>
          tpu.enqueue_indirect_dma source(%dma_start3A_418 : memref<128x16xf32, #tpu.memory_space<vmem>>) target(%dma_start3A_424 : memref<512x16xf32, #tpu.memory_space<vmem_shared>>) offsets(%dma_start3A_421 : memref<128xi32, #tpu.memory_space<vmem>>) semaphore(%run_scoped3A_415 : memref<!tpu.dma_semaphore, #tpu.memory_space<semaphore_mem>>) {add = true}
          %dma_wait3A_425 = arith.constant 2432 : i32
          %dma_wait3A_426 = arith.constant 0 : i32
          %dma_wait3A_427 = tpu.memref_slice %arg13[%dma_wait3A_425, %dma_wait3A_426] : memref<3200x16xf32, #tpu.memory_space<vmem>> -> memref<128x16xf32, #tpu.memory_space<vmem>>
          %dma_wait3A_428 = arith.constant 0 : i32
          %dma_wait3A_429 = tpu.memref_slice %arg12[%run_scoped3A_409, %dma_wait3A_428] : memref<25x128xi32, #tpu.memory_space<vmem>> -> memref<1x128xi32, #tpu.memory_space<vmem>>
          %dma_wait3A_430 = tpu.memref_squeeze %dma_wait3A_429 : memref<1x128xi32, #tpu.memory_space<vmem>> -> memref<128xi32, #tpu.memory_space<vmem>>
          %dma_wait3A_431 = arith.constant 0 : i32
          %dma_wait3A_432 = arith.constant 0 : i32
          %dma_wait3A_433 = tpu.memref_slice %arg9[%dma_wait3A_431, %dma_wait3A_432] : memref<512x16xf32, #tpu.memory_space<vmem_shared>> -> memref<512x16xf32, #tpu.memory_space<vmem_shared>>
          tpu.wait_indirect_dma semaphore(%run_scoped3A_415 : memref<!tpu.dma_semaphore, #tpu.memory_space<semaphore_mem>>) src(%dma_wait3A_427 : memref<128x16xf32, #tpu.memory_space<vmem>>) dst(%dma_wait3A_433 : memref<512x16xf32, #tpu.memory_space<vmem_shared>>)
          tpu.yield
        }) : () -> ()
        %run_scoped3A_410 = arith.constant 20 : i32
        "tpu.region"() ({
          %run_scoped3A_415 = tpu.sem_alloc : memref<!tpu.dma_semaphore, #tpu.memory_space<semaphore_mem>>
          %dma_start3A_416 = arith.constant 2560 : i32
          %dma_start3A_417 = arith.constant 0 : i32
          %dma_start3A_418 = tpu.memref_slice %arg13[%dma_start3A_416, %dma_start3A_417] : memref<3200x16xf32, #tpu.memory_space<vmem>> -> memref<128x16xf32, #tpu.memory_space<vmem>>
          %dma_start3A_419 = arith.constant 0 : i32
          %dma_start3A_420 = tpu.memref_slice %arg12[%run_scoped3A_410, %dma_start3A_419] : memref<25x128xi32, #tpu.memory_space<vmem>> -> memref<1x128xi32, #tpu.memory_space<vmem>>
          %dma_start3A_421 = tpu.memref_squeeze %dma_start3A_420 : memref<1x128xi32, #tpu.memory_space<vmem>> -> memref<128xi32, #tpu.memory_space<vmem>>
          %dma_start3A_422 = arith.constant 0 : i32
          %dma_start3A_423 = arith.constant 0 : i32
          %dma_start3A_424 = tpu.memref_slice %arg9[%dma_start3A_422, %dma_start3A_423] : memref<512x16xf32, #tpu.memory_space<vmem_shared>> -> memref<512x16xf32, #tpu.memory_space<vmem_shared>>
          tpu.enqueue_indirect_dma source(%dma_start3A_418 : memref<128x16xf32, #tpu.memory_space<vmem>>) target(%dma_start3A_424 : memref<512x16xf32, #tpu.memory_space<vmem_shared>>) offsets(%dma_start3A_421 : memref<128xi32, #tpu.memory_space<vmem>>) semaphore(%run_scoped3A_415 : memref<!tpu.dma_semaphore, #tpu.memory_space<semaphore_mem>>) {add = true}
          %dma_wait3A_425 = arith.constant 2560 : i32
          %dma_wait3A_426 = arith.constant 0 : i32
          %dma_wait3A_427 = tpu.memref_slice %arg13[%dma_wait3A_425, %dma_wait3A_426] : memref<3200x16xf32, #tpu.memory_space<vmem>> -> memref<128x16xf32, #tpu.memory_space<vmem>>
          %dma_wait3A_428 = arith.constant 0 : i32
          %dma_wait3A_429 = tpu.memref_slice %arg12[%run_scoped3A_410, %dma_wait3A_428] : memref<25x128xi32, #tpu.memory_space<vmem>> -> memref<1x128xi32, #tpu.memory_space<vmem>>
          %dma_wait3A_430 = tpu.memref_squeeze %dma_wait3A_429 : memref<1x128xi32, #tpu.memory_space<vmem>> -> memref<128xi32, #tpu.memory_space<vmem>>
          %dma_wait3A_431 = arith.constant 0 : i32
          %dma_wait3A_432 = arith.constant 0 : i32
          %dma_wait3A_433 = tpu.memref_slice %arg9[%dma_wait3A_431, %dma_wait3A_432] : memref<512x16xf32, #tpu.memory_space<vmem_shared>> -> memref<512x16xf32, #tpu.memory_space<vmem_shared>>
          tpu.wait_indirect_dma semaphore(%run_scoped3A_415 : memref<!tpu.dma_semaphore, #tpu.memory_space<semaphore_mem>>) src(%dma_wait3A_427 : memref<128x16xf32, #tpu.memory_space<vmem>>) dst(%dma_wait3A_433 : memref<512x16xf32, #tpu.memory_space<vmem_shared>>)
          tpu.yield
        }) : () -> ()
        %run_scoped3A_411 = arith.constant 21 : i32
        "tpu.region"() ({
          %run_scoped3A_415 = tpu.sem_alloc : memref<!tpu.dma_semaphore, #tpu.memory_space<semaphore_mem>>
          %dma_start3A_416 = arith.constant 2688 : i32
          %dma_start3A_417 = arith.constant 0 : i32
          %dma_start3A_418 = tpu.memref_slice %arg13[%dma_start3A_416, %dma_start3A_417] : memref<3200x16xf32, #tpu.memory_space<vmem>> -> memref<128x16xf32, #tpu.memory_space<vmem>>
          %dma_start3A_419 = arith.constant 0 : i32
          %dma_start3A_420 = tpu.memref_slice %arg12[%run_scoped3A_411, %dma_start3A_419] : memref<25x128xi32, #tpu.memory_space<vmem>> -> memref<1x128xi32, #tpu.memory_space<vmem>>
          %dma_start3A_421 = tpu.memref_squeeze %dma_start3A_420 : memref<1x128xi32, #tpu.memory_space<vmem>> -> memref<128xi32, #tpu.memory_space<vmem>>
          %dma_start3A_422 = arith.constant 0 : i32
          %dma_start3A_423 = arith.constant 0 : i32
          %dma_start3A_424 = tpu.memref_slice %arg9[%dma_start3A_422, %dma_start3A_423] : memref<512x16xf32, #tpu.memory_space<vmem_shared>> -> memref<512x16xf32, #tpu.memory_space<vmem_shared>>
          tpu.enqueue_indirect_dma source(%dma_start3A_418 : memref<128x16xf32, #tpu.memory_space<vmem>>) target(%dma_start3A_424 : memref<512x16xf32, #tpu.memory_space<vmem_shared>>) offsets(%dma_start3A_421 : memref<128xi32, #tpu.memory_space<vmem>>) semaphore(%run_scoped3A_415 : memref<!tpu.dma_semaphore, #tpu.memory_space<semaphore_mem>>) {add = true}
          %dma_wait3A_425 = arith.constant 2688 : i32
          %dma_wait3A_426 = arith.constant 0 : i32
          %dma_wait3A_427 = tpu.memref_slice %arg13[%dma_wait3A_425, %dma_wait3A_426] : memref<3200x16xf32, #tpu.memory_space<vmem>> -> memref<128x16xf32, #tpu.memory_space<vmem>>
          %dma_wait3A_428 = arith.constant 0 : i32
          %dma_wait3A_429 = tpu.memref_slice %arg12[%run_scoped3A_411, %dma_wait3A_428] : memref<25x128xi32, #tpu.memory_space<vmem>> -> memref<1x128xi32, #tpu.memory_space<vmem>>
          %dma_wait3A_430 = tpu.memref_squeeze %dma_wait3A_429 : memref<1x128xi32, #tpu.memory_space<vmem>> -> memref<128xi32, #tpu.memory_space<vmem>>
          %dma_wait3A_431 = arith.constant 0 : i32
          %dma_wait3A_432 = arith.constant 0 : i32
          %dma_wait3A_433 = tpu.memref_slice %arg9[%dma_wait3A_431, %dma_wait3A_432] : memref<512x16xf32, #tpu.memory_space<vmem_shared>> -> memref<512x16xf32, #tpu.memory_space<vmem_shared>>
          tpu.wait_indirect_dma semaphore(%run_scoped3A_415 : memref<!tpu.dma_semaphore, #tpu.memory_space<semaphore_mem>>) src(%dma_wait3A_427 : memref<128x16xf32, #tpu.memory_space<vmem>>) dst(%dma_wait3A_433 : memref<512x16xf32, #tpu.memory_space<vmem_shared>>)
          tpu.yield
        }) : () -> ()
        %run_scoped3A_412 = arith.constant 22 : i32
        "tpu.region"() ({
          %run_scoped3A_415 = tpu.sem_alloc : memref<!tpu.dma_semaphore, #tpu.memory_space<semaphore_mem>>
          %dma_start3A_416 = arith.constant 2816 : i32
          %dma_start3A_417 = arith.constant 0 : i32
          %dma_start3A_418 = tpu.memref_slice %arg13[%dma_start3A_416, %dma_start3A_417] : memref<3200x16xf32, #tpu.memory_space<vmem>> -> memref<128x16xf32, #tpu.memory_space<vmem>>
          %dma_start3A_419 = arith.constant 0 : i32
          %dma_start3A_420 = tpu.memref_slice %arg12[%run_scoped3A_412, %dma_start3A_419] : memref<25x128xi32, #tpu.memory_space<vmem>> -> memref<1x128xi32, #tpu.memory_space<vmem>>
          %dma_start3A_421 = tpu.memref_squeeze %dma_start3A_420 : memref<1x128xi32, #tpu.memory_space<vmem>> -> memref<128xi32, #tpu.memory_space<vmem>>
          %dma_start3A_422 = arith.constant 0 : i32
          %dma_start3A_423 = arith.constant 0 : i32
          %dma_start3A_424 = tpu.memref_slice %arg9[%dma_start3A_422, %dma_start3A_423] : memref<512x16xf32, #tpu.memory_space<vmem_shared>> -> memref<512x16xf32, #tpu.memory_space<vmem_shared>>
          tpu.enqueue_indirect_dma source(%dma_start3A_418 : memref<128x16xf32, #tpu.memory_space<vmem>>) target(%dma_start3A_424 : memref<512x16xf32, #tpu.memory_space<vmem_shared>>) offsets(%dma_start3A_421 : memref<128xi32, #tpu.memory_space<vmem>>) semaphore(%run_scoped3A_415 : memref<!tpu.dma_semaphore, #tpu.memory_space<semaphore_mem>>) {add = true}
          %dma_wait3A_425 = arith.constant 2816 : i32
          %dma_wait3A_426 = arith.constant 0 : i32
          %dma_wait3A_427 = tpu.memref_slice %arg13[%dma_wait3A_425, %dma_wait3A_426] : memref<3200x16xf32, #tpu.memory_space<vmem>> -> memref<128x16xf32, #tpu.memory_space<vmem>>
          %dma_wait3A_428 = arith.constant 0 : i32
          %dma_wait3A_429 = tpu.memref_slice %arg12[%run_scoped3A_412, %dma_wait3A_428] : memref<25x128xi32, #tpu.memory_space<vmem>> -> memref<1x128xi32, #tpu.memory_space<vmem>>
          %dma_wait3A_430 = tpu.memref_squeeze %dma_wait3A_429 : memref<1x128xi32, #tpu.memory_space<vmem>> -> memref<128xi32, #tpu.memory_space<vmem>>
          %dma_wait3A_431 = arith.constant 0 : i32
          %dma_wait3A_432 = arith.constant 0 : i32
          %dma_wait3A_433 = tpu.memref_slice %arg9[%dma_wait3A_431, %dma_wait3A_432] : memref<512x16xf32, #tpu.memory_space<vmem_shared>> -> memref<512x16xf32, #tpu.memory_space<vmem_shared>>
          tpu.wait_indirect_dma semaphore(%run_scoped3A_415 : memref<!tpu.dma_semaphore, #tpu.memory_space<semaphore_mem>>) src(%dma_wait3A_427 : memref<128x16xf32, #tpu.memory_space<vmem>>) dst(%dma_wait3A_433 : memref<512x16xf32, #tpu.memory_space<vmem_shared>>)
          tpu.yield
        }) : () -> ()
        %run_scoped3A_413 = arith.constant 23 : i32
        "tpu.region"() ({
          %run_scoped3A_415 = tpu.sem_alloc : memref<!tpu.dma_semaphore, #tpu.memory_space<semaphore_mem>>
          %dma_start3A_416 = arith.constant 2944 : i32
          %dma_start3A_417 = arith.constant 0 : i32
          %dma_start3A_418 = tpu.memref_slice %arg13[%dma_start3A_416, %dma_start3A_417] : memref<3200x16xf32, #tpu.memory_space<vmem>> -> memref<128x16xf32, #tpu.memory_space<vmem>>
          %dma_start3A_419 = arith.constant 0 : i32
          %dma_start3A_420 = tpu.memref_slice %arg12[%run_scoped3A_413, %dma_start3A_419] : memref<25x128xi32, #tpu.memory_space<vmem>> -> memref<1x128xi32, #tpu.memory_space<vmem>>
          %dma_start3A_421 = tpu.memref_squeeze %dma_start3A_420 : memref<1x128xi32, #tpu.memory_space<vmem>> -> memref<128xi32, #tpu.memory_space<vmem>>
          %dma_start3A_422 = arith.constant 0 : i32
          %dma_start3A_423 = arith.constant 0 : i32
          %dma_start3A_424 = tpu.memref_slice %arg9[%dma_start3A_422, %dma_start3A_423] : memref<512x16xf32, #tpu.memory_space<vmem_shared>> -> memref<512x16xf32, #tpu.memory_space<vmem_shared>>
          tpu.enqueue_indirect_dma source(%dma_start3A_418 : memref<128x16xf32, #tpu.memory_space<vmem>>) target(%dma_start3A_424 : memref<512x16xf32, #tpu.memory_space<vmem_shared>>) offsets(%dma_start3A_421 : memref<128xi32, #tpu.memory_space<vmem>>) semaphore(%run_scoped3A_415 : memref<!tpu.dma_semaphore, #tpu.memory_space<semaphore_mem>>) {add = true}
          %dma_wait3A_425 = arith.constant 2944 : i32
          %dma_wait3A_426 = arith.constant 0 : i32
          %dma_wait3A_427 = tpu.memref_slice %arg13[%dma_wait3A_425, %dma_wait3A_426] : memref<3200x16xf32, #tpu.memory_space<vmem>> -> memref<128x16xf32, #tpu.memory_space<vmem>>
          %dma_wait3A_428 = arith.constant 0 : i32
          %dma_wait3A_429 = tpu.memref_slice %arg12[%run_scoped3A_413, %dma_wait3A_428] : memref<25x128xi32, #tpu.memory_space<vmem>> -> memref<1x128xi32, #tpu.memory_space<vmem>>
          %dma_wait3A_430 = tpu.memref_squeeze %dma_wait3A_429 : memref<1x128xi32, #tpu.memory_space<vmem>> -> memref<128xi32, #tpu.memory_space<vmem>>
          %dma_wait3A_431 = arith.constant 0 : i32
          %dma_wait3A_432 = arith.constant 0 : i32
          %dma_wait3A_433 = tpu.memref_slice %arg9[%dma_wait3A_431, %dma_wait3A_432] : memref<512x16xf32, #tpu.memory_space<vmem_shared>> -> memref<512x16xf32, #tpu.memory_space<vmem_shared>>
          tpu.wait_indirect_dma semaphore(%run_scoped3A_415 : memref<!tpu.dma_semaphore, #tpu.memory_space<semaphore_mem>>) src(%dma_wait3A_427 : memref<128x16xf32, #tpu.memory_space<vmem>>) dst(%dma_wait3A_433 : memref<512x16xf32, #tpu.memory_space<vmem_shared>>)
          tpu.yield
        }) : () -> ()
        %run_scoped3A_414 = arith.constant 24 : i32
        "tpu.region"() ({
          %run_scoped3A_415 = tpu.sem_alloc : memref<!tpu.dma_semaphore, #tpu.memory_space<semaphore_mem>>
          %dma_start3A_416 = arith.constant 3072 : i32
          %dma_start3A_417 = arith.constant 0 : i32
          %dma_start3A_418 = tpu.memref_slice %arg13[%dma_start3A_416, %dma_start3A_417] : memref<3200x16xf32, #tpu.memory_space<vmem>> -> memref<128x16xf32, #tpu.memory_space<vmem>>
          %dma_start3A_419 = arith.constant 0 : i32
          %dma_start3A_420 = tpu.memref_slice %arg12[%run_scoped3A_414, %dma_start3A_419] : memref<25x128xi32, #tpu.memory_space<vmem>> -> memref<1x128xi32, #tpu.memory_space<vmem>>
          %dma_start3A_421 = tpu.memref_squeeze %dma_start3A_420 : memref<1x128xi32, #tpu.memory_space<vmem>> -> memref<128xi32, #tpu.memory_space<vmem>>
          %dma_start3A_422 = arith.constant 0 : i32
          %dma_start3A_423 = arith.constant 0 : i32
          %dma_start3A_424 = tpu.memref_slice %arg9[%dma_start3A_422, %dma_start3A_423] : memref<512x16xf32, #tpu.memory_space<vmem_shared>> -> memref<512x16xf32, #tpu.memory_space<vmem_shared>>
          tpu.enqueue_indirect_dma source(%dma_start3A_418 : memref<128x16xf32, #tpu.memory_space<vmem>>) target(%dma_start3A_424 : memref<512x16xf32, #tpu.memory_space<vmem_shared>>) offsets(%dma_start3A_421 : memref<128xi32, #tpu.memory_space<vmem>>) semaphore(%run_scoped3A_415 : memref<!tpu.dma_semaphore, #tpu.memory_space<semaphore_mem>>) {add = true}
          %dma_wait3A_425 = arith.constant 3072 : i32
          %dma_wait3A_426 = arith.constant 0 : i32
          %dma_wait3A_427 = tpu.memref_slice %arg13[%dma_wait3A_425, %dma_wait3A_426] : memref<3200x16xf32, #tpu.memory_space<vmem>> -> memref<128x16xf32, #tpu.memory_space<vmem>>
          %dma_wait3A_428 = arith.constant 0 : i32
          %dma_wait3A_429 = tpu.memref_slice %arg12[%run_scoped3A_414, %dma_wait3A_428] : memref<25x128xi32, #tpu.memory_space<vmem>> -> memref<1x128xi32, #tpu.memory_space<vmem>>
          %dma_wait3A_430 = tpu.memref_squeeze %dma_wait3A_429 : memref<1x128xi32, #tpu.memory_space<vmem>> -> memref<128xi32, #tpu.memory_space<vmem>>
          %dma_wait3A_431 = arith.constant 0 : i32
          %dma_wait3A_432 = arith.constant 0 : i32
          %dma_wait3A_433 = tpu.memref_slice %arg9[%dma_wait3A_431, %dma_wait3A_432] : memref<512x16xf32, #tpu.memory_space<vmem_shared>> -> memref<512x16xf32, #tpu.memory_space<vmem_shared>>
          tpu.wait_indirect_dma semaphore(%run_scoped3A_415 : memref<!tpu.dma_semaphore, #tpu.memory_space<semaphore_mem>>) src(%dma_wait3A_427 : memref<128x16xf32, #tpu.memory_space<vmem>>) dst(%dma_wait3A_433 : memref<512x16xf32, #tpu.memory_space<vmem_shared>>)
          tpu.yield
        }) : () -> ()
      } else {
      }
    }
    %scan3A_66 = arith.constant 16 : i32
    %barrier3A_67 = arith.constant 0 : index
    tpu.barrier barrier_id(%barrier3A_67)
    "tpu.region"() ({
      %run_scoped3A = tpu.sem_alloc : memref<!tpu.dma_semaphore, #tpu.memory_space<semaphore_mem>>
      %dma_start3A = arith.constant 0 : i32
      %dma_start3A_68 = tpu.memref_slice %arg6[%arg0, %mul3A_55, %dma_start3A] : memref<2x512x16xf32, #tpu.memory_space<hbm>> -> memref<1x32x16xf32, #tpu.memory_space<hbm>>
      %dma_start3A_69 = tpu.memref_squeeze %dma_start3A_68 : memref<1x32x16xf32, #tpu.memory_space<hbm>> -> memref<32x16xf32, #tpu.memory_space<hbm>>
      %dma_start3A_70 = arith.constant 0 : i32
      %dma_start3A_71 = tpu.memref_slice %arg9[%mul3A_55, %dma_start3A_70] : memref<512x16xf32, #tpu.memory_space<vmem_shared>> -> memref<32x16xf32, #tpu.memory_space<vmem_shared>>
      tpu.enqueue_dma source(%dma_start3A_71 : memref<32x16xf32, #tpu.memory_space<vmem_shared>>) target(%dma_start3A_69 : memref<32x16xf32, #tpu.memory_space<hbm>>) target_semaphore(%run_scoped3A : memref<!tpu.dma_semaphore, #tpu.memory_space<semaphore_mem>>)
      %dma_wait3A = arith.constant 0 : i32
      %dma_wait3A_72 = tpu.memref_slice %arg6[%arg0, %mul3A_55, %dma_wait3A] : memref<2x512x16xf32, #tpu.memory_space<hbm>> -> memref<1x32x16xf32, #tpu.memory_space<hbm>>
      %dma_wait3A_73 = tpu.memref_squeeze %dma_wait3A_72 : memref<1x32x16xf32, #tpu.memory_space<hbm>> -> memref<32x16xf32, #tpu.memory_space<hbm>>
      %dma_wait3A_74 = arith.constant 0 : i32
      %dma_wait3A_75 = tpu.memref_slice %arg9[%mul3A_55, %dma_wait3A_74] : memref<512x16xf32, #tpu.memory_space<vmem_shared>> -> memref<32x16xf32, #tpu.memory_space<vmem_shared>>
      tpu.wait_dma2 semaphore(%run_scoped3A : memref<!tpu.dma_semaphore, #tpu.memory_space<semaphore_mem>>) src(%dma_wait3A_75 : memref<32x16xf32, #tpu.memory_space<vmem_shared>>) dst(%dma_wait3A_73 : memref<32x16xf32, #tpu.memory_space<hbm>>)
      tpu.yield
    }) : () -> ()
    "tpu.region"() ({
      %run_scoped3A = tpu.sem_alloc : memref<!tpu.dma_semaphore, #tpu.memory_space<semaphore_mem>>
      %dma_start3A = arith.constant 0 : i32
      %dma_start3A_68 = arith.constant 0 : i32
      %dma_start3A_69 = tpu.memref_slice %arg7[%add3A, %dma_start3A, %dma_start3A_68] : memref<32x512x16xf32, #tpu.memory_space<hbm>> -> memref<1x512x16xf32, #tpu.memory_space<hbm>>
      %dma_start3A_70 = tpu.memref_squeeze %dma_start3A_69 : memref<1x512x16xf32, #tpu.memory_space<hbm>> -> memref<512x16xf32, #tpu.memory_space<hbm>>
      %dma_start3A_71 = arith.constant 0 : i32
      %dma_start3A_72 = arith.constant 0 : i32
      %dma_start3A_73 = tpu.memref_slice %arg7[%add3A, %dma_start3A_71, %dma_start3A_72] : memref<32x512x16xf32, #tpu.memory_space<hbm>> -> memref<1x512x16xf32, #tpu.memory_space<hbm>>
      %dma_start3A_74 = tpu.memref_squeeze %dma_start3A_73 : memref<1x512x16xf32, #tpu.memory_space<hbm>> -> memref<512x16xf32, #tpu.memory_space<hbm>>
      tpu.enqueue_dma source(%arg14 : memref<512x16xf32, #tpu.memory_space<vmem>>) target(%dma_start3A_74 : memref<512x16xf32, #tpu.memory_space<hbm>>) target_semaphore(%run_scoped3A : memref<!tpu.dma_semaphore, #tpu.memory_space<semaphore_mem>>)
      %dma_wait3A = arith.constant 0 : i32
      %dma_wait3A_75 = arith.constant 0 : i32
      %dma_wait3A_76 = tpu.memref_slice %arg7[%add3A, %dma_wait3A, %dma_wait3A_75] : memref<32x512x16xf32, #tpu.memory_space<hbm>> -> memref<1x512x16xf32, #tpu.memory_space<hbm>>
      %dma_wait3A_77 = tpu.memref_squeeze %dma_wait3A_76 : memref<1x512x16xf32, #tpu.memory_space<hbm>> -> memref<512x16xf32, #tpu.memory_space<hbm>>
      %dma_wait3A_78 = arith.constant 0 : i32
      %dma_wait3A_79 = arith.constant 0 : i32
      %dma_wait3A_80 = tpu.memref_slice %arg7[%add3A, %dma_wait3A_78, %dma_wait3A_79] : memref<32x512x16xf32, #tpu.memory_space<hbm>> -> memref<1x512x16xf32, #tpu.memory_space<hbm>>
      %dma_wait3A_81 = tpu.memref_squeeze %dma_wait3A_80 : memref<1x512x16xf32, #tpu.memory_space<hbm>> -> memref<512x16xf32, #tpu.memory_space<hbm>>
      tpu.wait_dma2 semaphore(%run_scoped3A : memref<!tpu.dma_semaphore, #tpu.memory_space<semaphore_mem>>) src(%arg14 : memref<512x16xf32, #tpu.memory_space<vmem>>) dst(%dma_wait3A_81 : memref<512x16xf32, #tpu.memory_space<hbm>>)
      tpu.yield
    }) : () -> ()
    return
  }
}

module attributes {stable_mosaic.version = 14 : i64} {
  func.func @_fmt_body(%arg0: i32, %arg1: memref<16x32000xf32, #tpu.memory_space<vmem>>, %arg2: memref<2x32000xi32, #tpu.memory_space<vmem>>, %arg3: memref<4000x128xf32, #tpu.memory_space<vmem>>, %arg4: memref<1600000xi32, #tpu.memory_space<vmem>>) attributes {dimension_semantics = [#tpu.dimension_semantics<arbitrary>], iteration_bounds = array<i64: 50>, scalar_prefetch = 0 : i64, scratch_operands = 0 : i64, tpu.core_type = #tpu.core_type<tc>, window_params = [{transform_indices = @transform_0, window_bounds = array<i64: 16, 32000>}, {transform_indices = @transform_1, window_bounds = array<i64: 2, 32000>}, {transform_indices = @transform_2, window_bounds = array<i64: 4000, 128>}, {pipeline_mode = #tpu.pipeline_mode<synchronous>, transform_indices = @transform_3, window_bounds = array<i64: 1600000>}]} {
    %get3A = arith.constant 0 : index
    %get3A_0 = arith.constant 0 : index
    %get3A_1 = vector.load %arg1[%get3A, %get3A_0] : memref<16x32000xf32, #tpu.memory_space<vmem>>, vector<16x3200xf32>
    %transpose3A = tpu.transpose %get3A_1, [1, 0] : vector<16x3200xf32> -> vector<3200x16xf32>
    %slice3A = vector.extract_strided_slice %transpose3A {offsets = [0, 0], sizes = [400, 16], strides = [1, 1]} : vector<3200x16xf32> to vector<400x16xf32>
    %slice3A_2 = vector.extract_strided_slice %transpose3A {offsets = [400, 0], sizes = [400, 16], strides = [1, 1]} : vector<3200x16xf32> to vector<400x16xf32>
    %slice3A_3 = vector.extract_strided_slice %transpose3A {offsets = [800, 0], sizes = [400, 16], strides = [1, 1]} : vector<3200x16xf32> to vector<400x16xf32>
    %slice3A_4 = vector.extract_strided_slice %transpose3A {offsets = [1200, 0], sizes = [400, 16], strides = [1, 1]} : vector<3200x16xf32> to vector<400x16xf32>
    %slice3A_5 = vector.extract_strided_slice %transpose3A {offsets = [1600, 0], sizes = [400, 16], strides = [1, 1]} : vector<3200x16xf32> to vector<400x16xf32>
    %slice3A_6 = vector.extract_strided_slice %transpose3A {offsets = [2000, 0], sizes = [400, 16], strides = [1, 1]} : vector<3200x16xf32> to vector<400x16xf32>
    %slice3A_7 = vector.extract_strided_slice %transpose3A {offsets = [2400, 0], sizes = [400, 16], strides = [1, 1]} : vector<3200x16xf32> to vector<400x16xf32>
    %slice3A_8 = vector.extract_strided_slice %transpose3A {offsets = [2800, 0], sizes = [400, 16], strides = [1, 1]} : vector<3200x16xf32> to vector<400x16xf32>
    %concatenate3A = tpu.concatenate %slice3A, %slice3A_2, %slice3A_3, %slice3A_4, %slice3A_5, %slice3A_6, %slice3A_7, %slice3A_8 in 1 : vector<400x16xf32>, vector<400x16xf32>, vector<400x16xf32>, vector<400x16xf32>, vector<400x16xf32>, vector<400x16xf32>, vector<400x16xf32>, vector<400x16xf32> -> vector<400x128xf32>
    %swap3A = arith.constant 0 : index
    %swap3A_9 = arith.constant 0 : index
    %swap3A_10 = vector.load %arg3[%swap3A, %swap3A_9] : memref<4000x128xf32, #tpu.memory_space<vmem>>, vector<400x128xf32>
    tpu.vector_store %arg3[%swap3A, %swap3A_9], %concatenate3A {strides = array<i32>} : memref<4000x128xf32, #tpu.memory_space<vmem>>, vector<400x128xf32>,
    %get3A_11 = arith.constant 0 : index
    %get3A_12 = arith.constant 3200 : index
    %get3A_13 = vector.load %arg1[%get3A_11, %get3A_12] : memref<16x32000xf32, #tpu.memory_space<vmem>>, vector<16x3200xf32>
    %transpose3A_14 = tpu.transpose %get3A_13, [1, 0] : vector<16x3200xf32> -> vector<3200x16xf32>
    %slice3A_15 = vector.extract_strided_slice %transpose3A_14 {offsets = [0, 0], sizes = [400, 16], strides = [1, 1]} : vector<3200x16xf32> to vector<400x16xf32>
    %slice3A_16 = vector.extract_strided_slice %transpose3A_14 {offsets = [400, 0], sizes = [400, 16], strides = [1, 1]} : vector<3200x16xf32> to vector<400x16xf32>
    %slice3A_17 = vector.extract_strided_slice %transpose3A_14 {offsets = [800, 0], sizes = [400, 16], strides = [1, 1]} : vector<3200x16xf32> to vector<400x16xf32>
    %slice3A_18 = vector.extract_strided_slice %transpose3A_14 {offsets = [1200, 0], sizes = [400, 16], strides = [1, 1]} : vector<3200x16xf32> to vector<400x16xf32>
    %slice3A_19 = vector.extract_strided_slice %transpose3A_14 {offsets = [1600, 0], sizes = [400, 16], strides = [1, 1]} : vector<3200x16xf32> to vector<400x16xf32>
    %slice3A_20 = vector.extract_strided_slice %transpose3A_14 {offsets = [2000, 0], sizes = [400, 16], strides = [1, 1]} : vector<3200x16xf32> to vector<400x16xf32>
    %slice3A_21 = vector.extract_strided_slice %transpose3A_14 {offsets = [2400, 0], sizes = [400, 16], strides = [1, 1]} : vector<3200x16xf32> to vector<400x16xf32>
    %slice3A_22 = vector.extract_strided_slice %transpose3A_14 {offsets = [2800, 0], sizes = [400, 16], strides = [1, 1]} : vector<3200x16xf32> to vector<400x16xf32>
    %concatenate3A_23 = tpu.concatenate %slice3A_15, %slice3A_16, %slice3A_17, %slice3A_18, %slice3A_19, %slice3A_20, %slice3A_21, %slice3A_22 in 1 : vector<400x16xf32>, vector<400x16xf32>, vector<400x16xf32>, vector<400x16xf32>, vector<400x16xf32>, vector<400x16xf32>, vector<400x16xf32>, vector<400x16xf32> -> vector<400x128xf32>
    %swap3A_24 = arith.constant 400 : index
    %swap3A_25 = arith.constant 0 : index
    %swap3A_26 = vector.load %arg3[%swap3A_24, %swap3A_25] : memref<4000x128xf32, #tpu.memory_space<vmem>>, vector<400x128xf32>
    tpu.vector_store %arg3[%swap3A_24, %swap3A_25], %concatenate3A_23 {strides = array<i32>} : memref<4000x128xf32, #tpu.memory_space<vmem>>, vector<400x128xf32>,
    %get3A_27 = arith.constant 0 : index
    %get3A_28 = arith.constant 6400 : index
    %get3A_29 = vector.load %arg1[%get3A_27, %get3A_28] : memref<16x32000xf32, #tpu.memory_space<vmem>>, vector<16x3200xf32>
    %transpose3A_30 = tpu.transpose %get3A_29, [1, 0] : vector<16x3200xf32> -> vector<3200x16xf32>
    %slice3A_31 = vector.extract_strided_slice %transpose3A_30 {offsets = [0, 0], sizes = [400, 16], strides = [1, 1]} : vector<3200x16xf32> to vector<400x16xf32>
    %slice3A_32 = vector.extract_strided_slice %transpose3A_30 {offsets = [400, 0], sizes = [400, 16], strides = [1, 1]} : vector<3200x16xf32> to vector<400x16xf32>
    %slice3A_33 = vector.extract_strided_slice %transpose3A_30 {offsets = [800, 0], sizes = [400, 16], strides = [1, 1]} : vector<3200x16xf32> to vector<400x16xf32>
    %slice3A_34 = vector.extract_strided_slice %transpose3A_30 {offsets = [1200, 0], sizes = [400, 16], strides = [1, 1]} : vector<3200x16xf32> to vector<400x16xf32>
    %slice3A_35 = vector.extract_strided_slice %transpose3A_30 {offsets = [1600, 0], sizes = [400, 16], strides = [1, 1]} : vector<3200x16xf32> to vector<400x16xf32>
    %slice3A_36 = vector.extract_strided_slice %transpose3A_30 {offsets = [2000, 0], sizes = [400, 16], strides = [1, 1]} : vector<3200x16xf32> to vector<400x16xf32>
    %slice3A_37 = vector.extract_strided_slice %transpose3A_30 {offsets = [2400, 0], sizes = [400, 16], strides = [1, 1]} : vector<3200x16xf32> to vector<400x16xf32>
    %slice3A_38 = vector.extract_strided_slice %transpose3A_30 {offsets = [2800, 0], sizes = [400, 16], strides = [1, 1]} : vector<3200x16xf32> to vector<400x16xf32>
    %concatenate3A_39 = tpu.concatenate %slice3A_31, %slice3A_32, %slice3A_33, %slice3A_34, %slice3A_35, %slice3A_36, %slice3A_37, %slice3A_38 in 1 : vector<400x16xf32>, vector<400x16xf32>, vector<400x16xf32>, vector<400x16xf32>, vector<400x16xf32>, vector<400x16xf32>, vector<400x16xf32>, vector<400x16xf32> -> vector<400x128xf32>
    %swap3A_40 = arith.constant 800 : index
    %swap3A_41 = arith.constant 0 : index
    %swap3A_42 = vector.load %arg3[%swap3A_40, %swap3A_41] : memref<4000x128xf32, #tpu.memory_space<vmem>>, vector<400x128xf32>
    tpu.vector_store %arg3[%swap3A_40, %swap3A_41], %concatenate3A_39 {strides = array<i32>} : memref<4000x128xf32, #tpu.memory_space<vmem>>, vector<400x128xf32>,
    %get3A_43 = arith.constant 0 : index
    %get3A_44 = arith.constant 9600 : index
    %get3A_45 = vector.load %arg1[%get3A_43, %get3A_44] : memref<16x32000xf32, #tpu.memory_space<vmem>>, vector<16x3200xf32>
    %transpose3A_46 = tpu.transpose %get3A_45, [1, 0] : vector<16x3200xf32> -> vector<3200x16xf32>
    %slice3A_47 = vector.extract_strided_slice %transpose3A_46 {offsets = [0, 0], sizes = [400, 16], strides = [1, 1]} : vector<3200x16xf32> to vector<400x16xf32>
    %slice3A_48 = vector.extract_strided_slice %transpose3A_46 {offsets = [400, 0], sizes = [400, 16], strides = [1, 1]} : vector<3200x16xf32> to vector<400x16xf32>
    %slice3A_49 = vector.extract_strided_slice %transpose3A_46 {offsets = [800, 0], sizes = [400, 16], strides = [1, 1]} : vector<3200x16xf32> to vector<400x16xf32>
    %slice3A_50 = vector.extract_strided_slice %transpose3A_46 {offsets = [1200, 0], sizes = [400, 16], strides = [1, 1]} : vector<3200x16xf32> to vector<400x16xf32>
    %slice3A_51 = vector.extract_strided_slice %transpose3A_46 {offsets = [1600, 0], sizes = [400, 16], strides = [1, 1]} : vector<3200x16xf32> to vector<400x16xf32>
    %slice3A_52 = vector.extract_strided_slice %transpose3A_46 {offsets = [2000, 0], sizes = [400, 16], strides = [1, 1]} : vector<3200x16xf32> to vector<400x16xf32>
    %slice3A_53 = vector.extract_strided_slice %transpose3A_46 {offsets = [2400, 0], sizes = [400, 16], strides = [1, 1]} : vector<3200x16xf32> to vector<400x16xf32>
    %slice3A_54 = vector.extract_strided_slice %transpose3A_46 {offsets = [2800, 0], sizes = [400, 16], strides = [1, 1]} : vector<3200x16xf32> to vector<400x16xf32>
    %concatenate3A_55 = tpu.concatenate %slice3A_47, %slice3A_48, %slice3A_49, %slice3A_50, %slice3A_51, %slice3A_52, %slice3A_53, %slice3A_54 in 1 : vector<400x16xf32>, vector<400x16xf32>, vector<400x16xf32>, vector<400x16xf32>, vector<400x16xf32>, vector<400x16xf32>, vector<400x16xf32>, vector<400x16xf32> -> vector<400x128xf32>
    %swap3A_56 = arith.constant 1200 : index
    %swap3A_57 = arith.constant 0 : index
    %swap3A_58 = vector.load %arg3[%swap3A_56, %swap3A_57] : memref<4000x128xf32, #tpu.memory_space<vmem>>, vector<400x128xf32>
    tpu.vector_store %arg3[%swap3A_56, %swap3A_57], %concatenate3A_55 {strides = array<i32>} : memref<4000x128xf32, #tpu.memory_space<vmem>>, vector<400x128xf32>,
    %get3A_59 = arith.constant 0 : index
    %get3A_60 = arith.constant 12800 : index
    %get3A_61 = vector.load %arg1[%get3A_59, %get3A_60] : memref<16x32000xf32, #tpu.memory_space<vmem>>, vector<16x3200xf32>
    %transpose3A_62 = tpu.transpose %get3A_61, [1, 0] : vector<16x3200xf32> -> vector<3200x16xf32>
    %slice3A_63 = vector.extract_strided_slice %transpose3A_62 {offsets = [0, 0], sizes = [400, 16], strides = [1, 1]} : vector<3200x16xf32> to vector<400x16xf32>
    %slice3A_64 = vector.extract_strided_slice %transpose3A_62 {offsets = [400, 0], sizes = [400, 16], strides = [1, 1]} : vector<3200x16xf32> to vector<400x16xf32>
    %slice3A_65 = vector.extract_strided_slice %transpose3A_62 {offsets = [800, 0], sizes = [400, 16], strides = [1, 1]} : vector<3200x16xf32> to vector<400x16xf32>
    %slice3A_66 = vector.extract_strided_slice %transpose3A_62 {offsets = [1200, 0], sizes = [400, 16], strides = [1, 1]} : vector<3200x16xf32> to vector<400x16xf32>
    %slice3A_67 = vector.extract_strided_slice %transpose3A_62 {offsets = [1600, 0], sizes = [400, 16], strides = [1, 1]} : vector<3200x16xf32> to vector<400x16xf32>
    %slice3A_68 = vector.extract_strided_slice %transpose3A_62 {offsets = [2000, 0], sizes = [400, 16], strides = [1, 1]} : vector<3200x16xf32> to vector<400x16xf32>
    %slice3A_69 = vector.extract_strided_slice %transpose3A_62 {offsets = [2400, 0], sizes = [400, 16], strides = [1, 1]} : vector<3200x16xf32> to vector<400x16xf32>
    %slice3A_70 = vector.extract_strided_slice %transpose3A_62 {offsets = [2800, 0], sizes = [400, 16], strides = [1, 1]} : vector<3200x16xf32> to vector<400x16xf32>
    %concatenate3A_71 = tpu.concatenate %slice3A_63, %slice3A_64, %slice3A_65, %slice3A_66, %slice3A_67, %slice3A_68, %slice3A_69, %slice3A_70 in 1 : vector<400x16xf32>, vector<400x16xf32>, vector<400x16xf32>, vector<400x16xf32>, vector<400x16xf32>, vector<400x16xf32>, vector<400x16xf32>, vector<400x16xf32> -> vector<400x128xf32>
    %swap3A_72 = arith.constant 1600 : index
    %swap3A_73 = arith.constant 0 : index
    %swap3A_74 = vector.load %arg3[%swap3A_72, %swap3A_73] : memref<4000x128xf32, #tpu.memory_space<vmem>>, vector<400x128xf32>
    tpu.vector_store %arg3[%swap3A_72, %swap3A_73], %concatenate3A_71 {strides = array<i32>} : memref<4000x128xf32, #tpu.memory_space<vmem>>, vector<400x128xf32>,
    %get3A_75 = arith.constant 0 : index
    %get3A_76 = arith.constant 16000 : index
    %get3A_77 = vector.load %arg1[%get3A_75, %get3A_76] : memref<16x32000xf32, #tpu.memory_space<vmem>>, vector<16x3200xf32>
    %transpose3A_78 = tpu.transpose %get3A_77, [1, 0] : vector<16x3200xf32> -> vector<3200x16xf32>
    %slice3A_79 = vector.extract_strided_slice %transpose3A_78 {offsets = [0, 0], sizes = [400, 16], strides = [1, 1]} : vector<3200x16xf32> to vector<400x16xf32>
    %slice3A_80 = vector.extract_strided_slice %transpose3A_78 {offsets = [400, 0], sizes = [400, 16], strides = [1, 1]} : vector<3200x16xf32> to vector<400x16xf32>
    %slice3A_81 = vector.extract_strided_slice %transpose3A_78 {offsets = [800, 0], sizes = [400, 16], strides = [1, 1]} : vector<3200x16xf32> to vector<400x16xf32>
    %slice3A_82 = vector.extract_strided_slice %transpose3A_78 {offsets = [1200, 0], sizes = [400, 16], strides = [1, 1]} : vector<3200x16xf32> to vector<400x16xf32>
    %slice3A_83 = vector.extract_strided_slice %transpose3A_78 {offsets = [1600, 0], sizes = [400, 16], strides = [1, 1]} : vector<3200x16xf32> to vector<400x16xf32>
    %slice3A_84 = vector.extract_strided_slice %transpose3A_78 {offsets = [2000, 0], sizes = [400, 16], strides = [1, 1]} : vector<3200x16xf32> to vector<400x16xf32>
    %slice3A_85 = vector.extract_strided_slice %transpose3A_78 {offsets = [2400, 0], sizes = [400, 16], strides = [1, 1]} : vector<3200x16xf32> to vector<400x16xf32>
    %slice3A_86 = vector.extract_strided_slice %transpose3A_78 {offsets = [2800, 0], sizes = [400, 16], strides = [1, 1]} : vector<3200x16xf32> to vector<400x16xf32>
    %concatenate3A_87 = tpu.concatenate %slice3A_79, %slice3A_80, %slice3A_81, %slice3A_82, %slice3A_83, %slice3A_84, %slice3A_85, %slice3A_86 in 1 : vector<400x16xf32>, vector<400x16xf32>, vector<400x16xf32>, vector<400x16xf32>, vector<400x16xf32>, vector<400x16xf32>, vector<400x16xf32>, vector<400x16xf32> -> vector<400x128xf32>
    %swap3A_88 = arith.constant 2000 : index
    %swap3A_89 = arith.constant 0 : index
    %swap3A_90 = vector.load %arg3[%swap3A_88, %swap3A_89] : memref<4000x128xf32, #tpu.memory_space<vmem>>, vector<400x128xf32>
    tpu.vector_store %arg3[%swap3A_88, %swap3A_89], %concatenate3A_87 {strides = array<i32>} : memref<4000x128xf32, #tpu.memory_space<vmem>>, vector<400x128xf32>,
    %get3A_91 = arith.constant 0 : index
    %get3A_92 = arith.constant 19200 : index
    %get3A_93 = vector.load %arg1[%get3A_91, %get3A_92] : memref<16x32000xf32, #tpu.memory_space<vmem>>, vector<16x3200xf32>
    %transpose3A_94 = tpu.transpose %get3A_93, [1, 0] : vector<16x3200xf32> -> vector<3200x16xf32>
    %slice3A_95 = vector.extract_strided_slice %transpose3A_94 {offsets = [0, 0], sizes = [400, 16], strides = [1, 1]} : vector<3200x16xf32> to vector<400x16xf32>
    %slice3A_96 = vector.extract_strided_slice %transpose3A_94 {offsets = [400, 0], sizes = [400, 16], strides = [1, 1]} : vector<3200x16xf32> to vector<400x16xf32>
    %slice3A_97 = vector.extract_strided_slice %transpose3A_94 {offsets = [800, 0], sizes = [400, 16], strides = [1, 1]} : vector<3200x16xf32> to vector<400x16xf32>
    %slice3A_98 = vector.extract_strided_slice %transpose3A_94 {offsets = [1200, 0], sizes = [400, 16], strides = [1, 1]} : vector<3200x16xf32> to vector<400x16xf32>
    %slice3A_99 = vector.extract_strided_slice %transpose3A_94 {offsets = [1600, 0], sizes = [400, 16], strides = [1, 1]} : vector<3200x16xf32> to vector<400x16xf32>
    %slice3A_100 = vector.extract_strided_slice %transpose3A_94 {offsets = [2000, 0], sizes = [400, 16], strides = [1, 1]} : vector<3200x16xf32> to vector<400x16xf32>
    %slice3A_101 = vector.extract_strided_slice %transpose3A_94 {offsets = [2400, 0], sizes = [400, 16], strides = [1, 1]} : vector<3200x16xf32> to vector<400x16xf32>
    %slice3A_102 = vector.extract_strided_slice %transpose3A_94 {offsets = [2800, 0], sizes = [400, 16], strides = [1, 1]} : vector<3200x16xf32> to vector<400x16xf32>
    %concatenate3A_103 = tpu.concatenate %slice3A_95, %slice3A_96, %slice3A_97, %slice3A_98, %slice3A_99, %slice3A_100, %slice3A_101, %slice3A_102 in 1 : vector<400x16xf32>, vector<400x16xf32>, vector<400x16xf32>, vector<400x16xf32>, vector<400x16xf32>, vector<400x16xf32>, vector<400x16xf32>, vector<400x16xf32> -> vector<400x128xf32>
    %swap3A_104 = arith.constant 2400 : index
    %swap3A_105 = arith.constant 0 : index
    %swap3A_106 = vector.load %arg3[%swap3A_104, %swap3A_105] : memref<4000x128xf32, #tpu.memory_space<vmem>>, vector<400x128xf32>
    tpu.vector_store %arg3[%swap3A_104, %swap3A_105], %concatenate3A_103 {strides = array<i32>} : memref<4000x128xf32, #tpu.memory_space<vmem>>, vector<400x128xf32>,
    %get3A_107 = arith.constant 0 : index
    %get3A_108 = arith.constant 22400 : index
    %get3A_109 = vector.load %arg1[%get3A_107, %get3A_108] : memref<16x32000xf32, #tpu.memory_space<vmem>>, vector<16x3200xf32>
    %transpose3A_110 = tpu.transpose %get3A_109, [1, 0] : vector<16x3200xf32> -> vector<3200x16xf32>
    %slice3A_111 = vector.extract_strided_slice %transpose3A_110 {offsets = [0, 0], sizes = [400, 16], strides = [1, 1]} : vector<3200x16xf32> to vector<400x16xf32>
    %slice3A_112 = vector.extract_strided_slice %transpose3A_110 {offsets = [400, 0], sizes = [400, 16], strides = [1, 1]} : vector<3200x16xf32> to vector<400x16xf32>
    %slice3A_113 = vector.extract_strided_slice %transpose3A_110 {offsets = [800, 0], sizes = [400, 16], strides = [1, 1]} : vector<3200x16xf32> to vector<400x16xf32>
    %slice3A_114 = vector.extract_strided_slice %transpose3A_110 {offsets = [1200, 0], sizes = [400, 16], strides = [1, 1]} : vector<3200x16xf32> to vector<400x16xf32>
    %slice3A_115 = vector.extract_strided_slice %transpose3A_110 {offsets = [1600, 0], sizes = [400, 16], strides = [1, 1]} : vector<3200x16xf32> to vector<400x16xf32>
    %slice3A_116 = vector.extract_strided_slice %transpose3A_110 {offsets = [2000, 0], sizes = [400, 16], strides = [1, 1]} : vector<3200x16xf32> to vector<400x16xf32>
    %slice3A_117 = vector.extract_strided_slice %transpose3A_110 {offsets = [2400, 0], sizes = [400, 16], strides = [1, 1]} : vector<3200x16xf32> to vector<400x16xf32>
    %slice3A_118 = vector.extract_strided_slice %transpose3A_110 {offsets = [2800, 0], sizes = [400, 16], strides = [1, 1]} : vector<3200x16xf32> to vector<400x16xf32>
    %concatenate3A_119 = tpu.concatenate %slice3A_111, %slice3A_112, %slice3A_113, %slice3A_114, %slice3A_115, %slice3A_116, %slice3A_117, %slice3A_118 in 1 : vector<400x16xf32>, vector<400x16xf32>, vector<400x16xf32>, vector<400x16xf32>, vector<400x16xf32>, vector<400x16xf32>, vector<400x16xf32>, vector<400x16xf32> -> vector<400x128xf32>
    %swap3A_120 = arith.constant 2800 : index
    %swap3A_121 = arith.constant 0 : index
    %swap3A_122 = vector.load %arg3[%swap3A_120, %swap3A_121] : memref<4000x128xf32, #tpu.memory_space<vmem>>, vector<400x128xf32>
    tpu.vector_store %arg3[%swap3A_120, %swap3A_121], %concatenate3A_119 {strides = array<i32>} : memref<4000x128xf32, #tpu.memory_space<vmem>>, vector<400x128xf32>,
    %get3A_123 = arith.constant 0 : index
    %get3A_124 = arith.constant 25600 : index
    %get3A_125 = vector.load %arg1[%get3A_123, %get3A_124] : memref<16x32000xf32, #tpu.memory_space<vmem>>, vector<16x3200xf32>
    %transpose3A_126 = tpu.transpose %get3A_125, [1, 0] : vector<16x3200xf32> -> vector<3200x16xf32>
    %slice3A_127 = vector.extract_strided_slice %transpose3A_126 {offsets = [0, 0], sizes = [400, 16], strides = [1, 1]} : vector<3200x16xf32> to vector<400x16xf32>
    %slice3A_128 = vector.extract_strided_slice %transpose3A_126 {offsets = [400, 0], sizes = [400, 16], strides = [1, 1]} : vector<3200x16xf32> to vector<400x16xf32>
    %slice3A_129 = vector.extract_strided_slice %transpose3A_126 {offsets = [800, 0], sizes = [400, 16], strides = [1, 1]} : vector<3200x16xf32> to vector<400x16xf32>
    %slice3A_130 = vector.extract_strided_slice %transpose3A_126 {offsets = [1200, 0], sizes = [400, 16], strides = [1, 1]} : vector<3200x16xf32> to vector<400x16xf32>
    %slice3A_131 = vector.extract_strided_slice %transpose3A_126 {offsets = [1600, 0], sizes = [400, 16], strides = [1, 1]} : vector<3200x16xf32> to vector<400x16xf32>
    %slice3A_132 = vector.extract_strided_slice %transpose3A_126 {offsets = [2000, 0], sizes = [400, 16], strides = [1, 1]} : vector<3200x16xf32> to vector<400x16xf32>
    %slice3A_133 = vector.extract_strided_slice %transpose3A_126 {offsets = [2400, 0], sizes = [400, 16], strides = [1, 1]} : vector<3200x16xf32> to vector<400x16xf32>
    %slice3A_134 = vector.extract_strided_slice %transpose3A_126 {offsets = [2800, 0], sizes = [400, 16], strides = [1, 1]} : vector<3200x16xf32> to vector<400x16xf32>
    %concatenate3A_135 = tpu.concatenate %slice3A_127, %slice3A_128, %slice3A_129, %slice3A_130, %slice3A_131, %slice3A_132, %slice3A_133, %slice3A_134 in 1 : vector<400x16xf32>, vector<400x16xf32>, vector<400x16xf32>, vector<400x16xf32>, vector<400x16xf32>, vector<400x16xf32>, vector<400x16xf32>, vector<400x16xf32> -> vector<400x128xf32>
    %swap3A_136 = arith.constant 3200 : index
    %swap3A_137 = arith.constant 0 : index
    %swap3A_138 = vector.load %arg3[%swap3A_136, %swap3A_137] : memref<4000x128xf32, #tpu.memory_space<vmem>>, vector<400x128xf32>
    tpu.vector_store %arg3[%swap3A_136, %swap3A_137], %concatenate3A_135 {strides = array<i32>} : memref<4000x128xf32, #tpu.memory_space<vmem>>, vector<400x128xf32>,
    %get3A_139 = arith.constant 0 : index
    %get3A_140 = arith.constant 28800 : index
    %get3A_141 = vector.load %arg1[%get3A_139, %get3A_140] : memref<16x32000xf32, #tpu.memory_space<vmem>>, vector<16x3200xf32>
    %transpose3A_142 = tpu.transpose %get3A_141, [1, 0] : vector<16x3200xf32> -> vector<3200x16xf32>
    %slice3A_143 = vector.extract_strided_slice %transpose3A_142 {offsets = [0, 0], sizes = [400, 16], strides = [1, 1]} : vector<3200x16xf32> to vector<400x16xf32>
    %slice3A_144 = vector.extract_strided_slice %transpose3A_142 {offsets = [400, 0], sizes = [400, 16], strides = [1, 1]} : vector<3200x16xf32> to vector<400x16xf32>
    %slice3A_145 = vector.extract_strided_slice %transpose3A_142 {offsets = [800, 0], sizes = [400, 16], strides = [1, 1]} : vector<3200x16xf32> to vector<400x16xf32>
    %slice3A_146 = vector.extract_strided_slice %transpose3A_142 {offsets = [1200, 0], sizes = [400, 16], strides = [1, 1]} : vector<3200x16xf32> to vector<400x16xf32>
    %slice3A_147 = vector.extract_strided_slice %transpose3A_142 {offsets = [1600, 0], sizes = [400, 16], strides = [1, 1]} : vector<3200x16xf32> to vector<400x16xf32>
    %slice3A_148 = vector.extract_strided_slice %transpose3A_142 {offsets = [2000, 0], sizes = [400, 16], strides = [1, 1]} : vector<3200x16xf32> to vector<400x16xf32>
    %slice3A_149 = vector.extract_strided_slice %transpose3A_142 {offsets = [2400, 0], sizes = [400, 16], strides = [1, 1]} : vector<3200x16xf32> to vector<400x16xf32>
    %slice3A_150 = vector.extract_strided_slice %transpose3A_142 {offsets = [2800, 0], sizes = [400, 16], strides = [1, 1]} : vector<3200x16xf32> to vector<400x16xf32>
    %concatenate3A_151 = tpu.concatenate %slice3A_143, %slice3A_144, %slice3A_145, %slice3A_146, %slice3A_147, %slice3A_148, %slice3A_149, %slice3A_150 in 1 : vector<400x16xf32>, vector<400x16xf32>, vector<400x16xf32>, vector<400x16xf32>, vector<400x16xf32>, vector<400x16xf32>, vector<400x16xf32>, vector<400x16xf32> -> vector<400x128xf32>
    %swap3A_152 = arith.constant 3600 : index
    %swap3A_153 = arith.constant 0 : index
    %swap3A_154 = vector.load %arg3[%swap3A_152, %swap3A_153] : memref<4000x128xf32, #tpu.memory_space<vmem>>, vector<400x128xf32>
    tpu.vector_store %arg3[%swap3A_152, %swap3A_153], %concatenate3A_151 {strides = array<i32>} : memref<4000x128xf32, #tpu.memory_space<vmem>>, vector<400x128xf32>,
    %get3A_155 = arith.constant 0 : index
    %get3A_156 = arith.constant 0 : index
    %get3A_157 = vector.load %arg2[%get3A_155, %get3A_156] : memref<2x32000xi32, #tpu.memory_space<vmem>>, vector<1x32000xi32>
    %get3A_158 = vector.shape_cast %get3A_157 : vector<1x32000xi32> to vector<32000xi32>
    %mul3A = arith.constant 32000 : i32
    %mul3A_159 = arith.muli %arg0, %mul3A : i32
    %swap3A_160 = arith.index_cast %mul3A_159 : i32 to index
    %swap3A_161 = vector.load %arg4[%swap3A_160] : memref<1600000xi32, #tpu.memory_space<vmem>>, vector<32000xi32>
    tpu.vector_store %arg4[%swap3A_160], %get3A_158 {strides = array<i32>} : memref<1600000xi32, #tpu.memory_space<vmem>>, vector<32000xi32>,
    return
  }
  func.func @transform_0(%arg0: i32) -> (i32, i32) {
    %c0_i32 = arith.constant 0 : i32
    %c0_i32_0 = arith.constant 0 : i32
    return %c0_i32, %arg0 : i32, i32
  }
  func.func @transform_1(%arg0: i32) -> (i32, i32) {
    %c0_i32 = arith.constant 0 : i32
    %c0_i32_0 = arith.constant 0 : i32
    return %c0_i32, %arg0 : i32, i32
  }
  func.func @transform_2(%arg0: i32) -> (i32, i32) {
    %c0_i32 = arith.constant 0 : i32
    %c0_i32_0 = arith.constant 0 : i32
    return %arg0, %c0_i32 : i32, i32
  }
  func.func @transform_3(%arg0: i32) -> i32 {
    %c0_i32 = arith.constant 0 : i32
    %c0_i32_0 = arith.constant 0 : i32
    return %c0_i32 : i32
  }
}

module attributes {stable_mosaic.version = 14 : i64} {
  func.func @_finish_body(%arg0: memref<512x64xf32, #tpu.memory_space<vmem>>, %arg1: memref<2x512x128xf32, #tpu.memory_space<vmem>>, %arg2: memref<32x512x16xf32, #tpu.memory_space<vmem>>, %arg3: memref<2x512x16xf32, #tpu.memory_space<vmem>>, %arg4: memref<32x512x16xf32, #tpu.memory_space<vmem>>, %arg5: memref<208x256xf32, #tpu.memory_space<vmem>>, %arg6: memref<1x256xf32, #tpu.memory_space<vmem>>, %arg7: memref<256x64xf32, #tpu.memory_space<vmem>>, %arg8: memref<1x64xf32, #tpu.memory_space<vmem>>, %arg9: memref<512x64xf32, #tpu.memory_space<vmem>>) attributes {dimension_semantics = [], scalar_prefetch = 0 : i64, scratch_operands = 0 : i64, tpu.core_type = #tpu.core_type<tc>} {
    %get3A = arith.constant 0 : index
    %get3A_0 = arith.constant 0 : index
    %get3A_1 = arith.constant 0 : index
    %get3A_2 = vector.load %arg1[%get3A, %get3A_0, %get3A_1] : memref<2x512x128xf32, #tpu.memory_space<vmem>>, vector<2x512x128xf32>
    %reduce_sum3A = arith.constant dense<0.000000e+00> : vector<512x128xf32>
    %reduce_sum3A_3 = vector.multi_reduction <add>, %get3A_2, %reduce_sum3A [0] : vector<2x512x128xf32> to vector<512x128xf32>
    %get3A_4 = arith.constant 0 : index
    %get3A_5 = arith.constant 0 : index
    %get3A_6 = arith.constant 0 : index
    %get3A_7 = vector.load %arg2[%get3A_4, %get3A_5, %get3A_6] : memref<32x512x16xf32, #tpu.memory_space<vmem>>, vector<32x512x16xf32>
    %reduce_sum3A_8 = arith.constant dense<0.000000e+00> : vector<512xf32>
    %reduce_sum3A_9 = vector.multi_reduction <add>, %get3A_7, %reduce_sum3A_8 [0, 2] : vector<32x512x16xf32> to vector<512xf32>
    %broadcast_in_dim3A = vector.shape_cast %reduce_sum3A_9 : vector<512xf32> to vector<512x1xf32>
    %get3A_10 = arith.constant 0 : index
    %get3A_11 = arith.constant 0 : index
    %get3A_12 = arith.constant 0 : index
    %get3A_13 = vector.load %arg3[%get3A_10, %get3A_11, %get3A_12] : memref<2x512x16xf32, #tpu.memory_space<vmem>>, vector<2x512x16xf32>
    %reduce_sum3A_14 = arith.constant dense<0.000000e+00> : vector<512x16xf32>
    %reduce_sum3A_15 = vector.multi_reduction <add>, %get3A_13, %reduce_sum3A_14 [0] : vector<2x512x16xf32> to vector<512x16xf32>
    %get3A_16 = arith.constant 0 : index
    %get3A_17 = arith.constant 0 : index
    %get3A_18 = arith.constant 0 : index
    %get3A_19 = vector.load %arg4[%get3A_16, %get3A_17, %get3A_18] : memref<32x512x16xf32, #tpu.memory_space<vmem>>, vector<32x512x16xf32>
    %reduce_sum3A_20 = arith.constant dense<0.000000e+00> : vector<512xf32>
    %reduce_sum3A_21 = vector.multi_reduction <add>, %get3A_19, %reduce_sum3A_20 [0, 2] : vector<32x512x16xf32> to vector<512xf32>
    %broadcast_in_dim3A_22 = vector.shape_cast %reduce_sum3A_21 : vector<512xf32> to vector<512x1xf32>
    %max3A = arith.constant 1.000000e+00 : f32
    %max3A_23 = vector.broadcast %max3A : f32 to vector<512x1xf32>
    %max3A_24 = arith.maximumf %broadcast_in_dim3A, %max3A_23 : vector<512x1xf32>
    %div3A = vector.broadcast %max3A_24 : vector<512x1xf32> to vector<512x128xf32>
    %div3A_25 = arith.divf %reduce_sum3A_3, %div3A : vector<512x128xf32>
    %max3A_26 = arith.constant 1.000000e+00 : f32
    %max3A_27 = vector.broadcast %max3A_26 : f32 to vector<512x1xf32>
    %max3A_28 = arith.maximumf %broadcast_in_dim3A_22, %max3A_27 : vector<512x1xf32>
    %div3A_29 = vector.broadcast %max3A_28 : vector<512x1xf32> to vector<512x16xf32>
    %div3A_30 = arith.divf %reduce_sum3A_15, %div3A_29 : vector<512x16xf32>
    %get3A_31 = arith.constant 0 : index
    %get3A_32 = arith.constant 0 : index
    %get3A_33 = vector.load %arg0[%get3A_31, %get3A_32] : memref<512x64xf32, #tpu.memory_space<vmem>>, vector<512x64xf32>
    %concatenate3A = tpu.concatenate %get3A_33, %div3A_25, %div3A_30 in 1 : vector<512x64xf32>, vector<512x128xf32>, vector<512x16xf32> -> vector<512x208xf32>
    %get3A_34 = arith.constant 0 : index
    %get3A_35 = arith.constant 0 : index
    %get3A_36 = vector.load %arg5[%get3A_34, %get3A_35] : memref<208x256xf32, #tpu.memory_space<vmem>>, vector<208x256xf32>
    %dot_general3A = arith.constant dense<0.000000e+00> : vector<512x256xf32>
    %dot_general3A_37 = tpu.matmul %concatenate3A, %get3A_36, %dot_general3A {dimension_numbers = #tpu.dot_dimension_numbers<[1], [0], [0], [1], [0, 0, 1, 1], [], []>, transpose_lhs_hint = false} : vector<512x208xf32>, vector<208x256xf32>, vector<512x256xf32> -> vector<512x256xf32>
    %get3A_38 = arith.constant 0 : index
    %get3A_39 = arith.constant 0 : index
    %get3A_40 = vector.load %arg6[%get3A_38, %get3A_39] : memref<1x256xf32, #tpu.memory_space<vmem>>, vector<1x256xf32>
    %add3A = vector.broadcast %get3A_40 : vector<1x256xf32> to vector<512x256xf32>
    %add3A_41 = arith.addf %dot_general3A_37, %add3A : vector<512x256xf32>
    %max3A_42 = arith.constant 0.000000e+00 : f32
    %max3A_43 = vector.broadcast %max3A_42 : f32 to vector<512x256xf32>
    %max3A_44 = arith.maximumf %add3A_41, %max3A_43 : vector<512x256xf32>
    %get3A_45 = arith.constant 0 : index
    %get3A_46 = arith.constant 0 : index
    %get3A_47 = vector.load %arg7[%get3A_45, %get3A_46] : memref<256x64xf32, #tpu.memory_space<vmem>>, vector<256x64xf32>
    %dot_general3A_48 = arith.constant dense<0.000000e+00> : vector<512x64xf32>
    %dot_general3A_49 = tpu.matmul %max3A_44, %get3A_47, %dot_general3A_48 {dimension_numbers = #tpu.dot_dimension_numbers<[1], [0], [0], [1], [0, 0, 1, 1], [], []>, transpose_lhs_hint = false} : vector<512x256xf32>, vector<256x64xf32>, vector<512x64xf32> -> vector<512x64xf32>
    %get3A_50 = arith.constant 0 : index
    %get3A_51 = arith.constant 0 : index
    %get3A_52 = vector.load %arg8[%get3A_50, %get3A_51] : memref<1x64xf32, #tpu.memory_space<vmem>>, vector<1x64xf32>
    %add3A_53 = vector.broadcast %get3A_52 : vector<1x64xf32> to vector<512x64xf32>
    %add3A_54 = arith.addf %dot_general3A_49, %add3A_53 : vector<512x64xf32>
    %swap3A = arith.constant 0 : index
    %swap3A_55 = arith.constant 0 : index
    %swap3A_56 = vector.load %arg9[%swap3A, %swap3A_55] : memref<512x64xf32, #tpu.memory_space<vmem>>, vector<512x64xf32>
    tpu.vector_store %arg9[%swap3A, %swap3A_55], %add3A_54 {strides = array<i32>} : memref<512x64xf32, #tpu.memory_space<vmem>>, vector<512x64xf32>,
    return
  }
}

</mosaic_0001>

<sc_bundles>
// kernel: kernel.6.cloned.1.call-start
scs
__scs_entry_jumppad:
0x0: {  	(pc) =	sbr.rel $0x88, $3  }
0x1: {  	(tag) =	ssettag $0x0;
	lr =	simm.s32 $0x1  }
0x2: {  	[smem:$0x3F98] =	sst lr;
	_ =	strace $0xD0000000  }
0x3: {  	_ = 	snop  }
0x4: {  	_ = 	snop  }
0x5: {  	_ = 	snop  }
0x6: {  	_ = 	snop  }
0x7: {  	_ = 	snop  }
__scs_overlays_trampoline_lowered:
0x8: {  	[smem:$0x3FA7] =	sst s0  }
0x9: {  	[smem:$0x3FA8] =	sst s1  }
0xa: {  	[smem:$0x3FA9] =	sst s2  }
0xb: {  	[smem:$0x3FAA] =	sst s3  }
0xc: {  	[smem:$0x3FAB] =	sst s4  }
0xd: {  	[smem:$0x3FAC] =	sst s5  }
0xe: {  	[smem:$0x3FAD] =	sst s6  }
0xf: {  	[smem:$0x3FAE] =	sst s7  }
0x10: {  	[smem:$0x3FAF] =	sst s8  }
0x11: {  	[smem:$0x3FB0] =	sst s9;
	s0 =	simm.s32 @!p0 $0x0  }
0x12: {  	s1 =	sld [smem:$0x3F96];
	s0 =	simm.s32 @p0 $0x1  }
0x13: {  	[smem:$0x3FB1] =	sst s0;
	s0 =	simm.s32 @!p1 $0x0  }
0x14: {  	s2 =	sld [smem:$0x3F95];
	s0 =	simm.s32 @p1 $0x1  }
0x15: {  	[smem:$0x3FB2] =	sst s0;
	s0 =	simm.s32 @!p2 $0x0  }
0x16: {  	s3 =	sld [smem:$0x3FDB];
	s0 =	simm.s32 @p2 $0x1  }
0x17: {  	s4 =	simm.s32 $0x1BF5;
	[smem:$0x3FB4] =	sst s0  }
0x18: {  	s0 =	sld [smem:$0x3F97];
	_ =	swait.ge [sflag:s4], $0x0  }
0x19: {  	s7 =	sld [smem:$0x3F98]  }
0x1a: {  	s8 =	sadd.s32 $0xFFFFE003, lr  }
0x1b: {  	s9 =	sadd.s32 $0xFFFFFEF7, lr;
	s5 =	simm.s32 $0xFFFFFFFF;
	p2 =	slt.u32 s8, $0xFFFFF086  }
0x1c: {  	p1 =	slt.u32 s9, $0xF7A;
	s5 =	simm.s32 @!p2 $0x0  }
0x1d: {  	s5 =	simm.s32 @p1 $0x1;
	p0 =	seq.s32 s7, s2  }
0x1e: {  	s7 =	smul.u32 @!p0 $0xF7A, s2;
	p2 =	seq.s32 @!p0 s5, $0x0  }
0x1f: {  	s9 =	smul.u32 $0xF7A, s1;
	s8 =	simm.s32 @!p0 $0x1BF5;
	p2 =	por !p2, p0  }
0x20: {  	[sflag:s8] =	ssyncset.s32 @!p0 $0xFFFFF086;
	s6 =	sadd.s32 @!p0 s3, s7;
	s7 =	simm.s32 @!p0 $0x108  }
0x21: {  	s3 =	sadd.s32 s3, s9;
	s6 =	sadd.s32 @!p0 $0x88, s6;
	s7 =	simm.s32 @p2 $0x1082  }
0x22: {  	[simem:s7], [sflag:s8] =	dma.local @!p0 [hbm:s6], $0xF7A  }
0x23: {  	s9 =	sor.u32 $0xD0000000, s2;
	s6 =	simm.s32 $0x108;
	_ =	swait.ge @!p0 [sflag:s8], $0x0  }
0x24: {  	s3 =	sadd.s32 $0x88, s3;
	s6 =	simm.s32 @!p1 $0x1082;
	[sflag:s4] =	ssyncset.s32 $0xFFFFF086  }
0x25: {  	[simem:s6], [sflag:s4] =	dma.local [hbm:s3], $0xF7A  }
0x26: {  	[smem:$0x3F98] =	sst s1;
	(tag) =	ssettag s2;
	_ =	strace s9  }
0x27: {  	s1 =	sld [smem:$0x3FA8]  }
0x28: {  	s2 =	sld [smem:$0x3FA9]  }
0x29: {  	s4 =	sld [smem:$0x3FAB]  }
0x2a: {  	p0 =	seq.s32 s5, $0x0;
	s5 =	sld [smem:$0x3FAC]  }
0x2b: {  	s6 =	sld [smem:$0x3FAD]  }
0x2c: {  	s7 =	sld [smem:$0x3FAE]  }
0x2d: {  	s3 =	simm.s32 $0x108;
	s8 =	sld [smem:$0x3FAF]  }
0x2e: {  	s3 =	simm.s32 @!p0 $0x1082;
	s9 =	sld [smem:$0x3FB0]  }
0x2f: {  	lr =	sadd.s32 s0, s3;
	s0 =	sld [smem:$0x3FA7]  }
0x30: {  	s3 =	sld [smem:$0x3FAA]  }
0x31: {  	[smem:$0x3FB3] =	sst s10  }
0x32: {  	s10 =	sld [smem:$0x3FB1];
	_ =	sdelay $0x3  }
0x33: {  	p0 =	seq.s32 s10, $0x1;
	s10 =	sld [smem:$0x3FB3];
	_ =	sdelay $0x3  }
0x34: {  	[smem:$0x3FB3] =	sst s10  }
0x35: {  	s10 =	sld [smem:$0x3FB2];
	_ =	sdelay $0x3  }
0x36: {  	p1 =	seq.s32 s10, $0x1;
	s10 =	sld [smem:$0x3FB3];
	_ =	sdelay $0x3  }
0x37: {  	[smem:$0x3FB3] =	sst s10  }
0x38: {  	s10 =	sld [smem:$0x3FB4]  }
0x39: {  	_ = 	snop;
	(pc) =	sbr.ind lr, $3  }
0x3a: {  	_ = 	snop  }
0x3b: {  	_ = 	snop  }
0x3c: {  	p2 =	seq.s32 s10, $0x1;
	s10 =	sld [smem:$0x3FB3]  }
0x3d: {  	_ =	shalt  }
0x3e: {  	_ =	shalt  }
0x3f: {  	_ =	shalt  }
0x40: {  	_ =	shalt  }
0x41: {  	_ =	shalt  }
0x42: {  	_ =	shalt  }
0x43: {  	_ =	shalt  }
0x44: {  	_ =	shalt  }
0x45: {  	_ =	shalt  }
0x46: {  	_ =	shalt  }
0x47: {  	_ =	shalt  }
0x48: {  	_ =	shalt  }
0x49: {  	_ =	shalt  }
0x4a: {  	_ =	shalt  }
0x4b: {  	_ =	shalt  }
0x4c: {  	_ =	shalt  }
0x4d: {  	_ =	shalt  }
0x4e: {  	_ =	shalt  }
0x4f: {  	_ =	shalt  }
0x50: {  	_ =	shalt  }
0x51: {  	_ =	shalt  }
0x52: {  	_ =	shalt  }
0x53: {  	_ =	shalt  }
0x54: {  	_ =	shalt  }
0x55: {  	_ =	shalt  }
0x56: {  	_ =	shalt  }
0x57: {  	_ =	shalt  }
0x58: {  	_ =	shalt  }
0x59: {  	_ =	shalt  }
0x5a: {  	_ =	shalt  }
0x5b: {  	_ =	shalt  }
0x5c: {  	_ =	shalt  }
0x5d: {  	_ =	shalt  }
0x5e: {  	_ =	shalt  }
0x5f: {  	_ =	shalt  }
0x60: {  	_ =	shalt  }
0x61: {  	_ =	shalt  }
0x62: {  	_ =	shalt  }
0x63: {  	_ =	shalt  }
0x64: {  	_ =	shalt  }
0x65: {  	_ =	shalt  }
0x66: {  	_ =	shalt  }
0x67: {  	_ =	shalt  }
0x68: {  	_ =	shalt  }
0x69: {  	_ =	shalt  }
0x6a: {  	_ =	shalt  }
0x6b: {  	_ =	shalt  }
0x6c: {  	_ =	shalt  }
0x6d: {  	_ =	shalt  }
0x6e: {  	_ =	shalt  }
0x6f: {  	_ =	shalt  }
0x70: {  	_ =	shalt  }
0x71: {  	_ =	shalt  }
0x72: {  	_ =	shalt  }
0x73: {  	_ =	shalt  }
0x74: {  	_ =	shalt  }
0x75: {  	_ =	shalt  }
0x76: {  	_ =	shalt  }
0x77: {  	_ =	shalt  }
0x78: {  	_ =	shalt  }
0x79: {  	_ =	shalt  }
0x7a: {  	_ =	shalt  }
0x7b: {  	_ =	shalt  }
0x7c: {  	_ =	shalt  }
0x7d: {  	_ =	shalt  }
0x7e: {  	_ =	shalt  }
0x7f: {  	_ =	shalt  }
0x80: {  	_ =	shalt  }
0x81: {  	_ =	shalt  }
0x82: {  	_ =	shalt  }
0x83: {  	_ =	shalt  }
0x84: {  	_ =	shalt  }
0x85: {  	_ =	shalt  }
0x86: {  	_ =	shalt  }
0x87: {  	_ =	shalt  }
.Lfunc_end0:
.L_simem_size_0:
called_computation_lowered:
.L_overlay_start_0:
0x88: {  	s2 =	sld [smem:$0x3FD9]  }
0x89: {  	s3 =	sld [smem:$0x3FFE];
	_ =	sdelay $0x1  }
0x8a: {  	s1 =	srdreg.scid  }
0x8b: {  	s0 =	sand.u32 $0x1, s1  }
0x8c: {  	s17 =	sshll.u32 s0, $0xA;
	s2 =	sadd.s32 s3, s2  }
0x8d: {  	s2 =	sadd.s32 s2, s17  }
0x8e: {  	[smem:$0x3FBF] =	sst s2  }
0x8f: {  	_ = 	snop  }
0x90: {  	s2 =	sld [smem:$0x3FC9]  }
0x91: {  	s18 =	sld [smem:$0x3FC5];
	(tm) =	ssettm $0x1  }
0x92: {  	s4 =	sld [smem:$0x3FFB];
	_ =	sdelay $0x3  }
0x93: {  	_ =	strace s4  }
0x94: {  	s4 =	sld [smem:$0x3FFC];
	_ =	sdelay $0x3  }
0x95: {  	_ =	strace s4  }
0x96: {  	s4 =	sld [smem:$0x3FFD];
	_ =	sdelay $0x3  }
0x97: {  	_ =	strace s4  }
0x98: {  	_ =	strace $0x8FFFFFFF  }
0x99: {  	s19 =	sld [smem:$0x3FDB];
	_ =	sdelay $0x1  }
0x9a: {  	s5 =	simm.s32 $_scs_section_size  }
0x9b: {  	s6 =	simm.s32 $_size__tile_overlayer_lowered;
	s7 =	simm.s32 $_tile_overlayer_lowered  }
0x9c: {  	s22 =	simm.s32 $0x1BFF;
	s21 =	sshll.u32 s7, $0x1;
	s4 =	sadd.s32 s5, s19  }
0x9d: {  	s8 =	simm.s32 $0x0;
	s20 =	sshll.u32 s6, $0x1;
	s6 =	sadd.s32 s21, s4  }
0x9e: {  	[timem:s8], [sflag:s22] =	dma.local [hbm:s6], s20  }
0x9f: {  	_ =	swait.ge [sflag:s22], s20  }
0xa0: {  	s5 =	ssub.s32 $0x0, s20;
	[sflag:s22] =	ssyncset.done $0x0  }
0xa1: {  	[sflag:s22] =	ssyncadd.s32 s5;
	_ =	sdelay $0x1  }
0xa2: {  	s23 =	simm.s32 $0x1B8B  }
0xa3: {  	_ =	swait.ge [sflag:s23], $0x1  }
0xa4: {  	[sflag:s23] =	ssyncset.done $0x0  }
0xa5: {  	s25 =	simm.s32 $0x1B8E;
	s24 =	sld [smem:$0x3FFE];
	[sflag:s23] =	ssyncadd.s32 $0xFFFFFFFF  }
0xa6: {  	s26 =	simm.s32 $execute0_lowered;
	[smem:$0x3FD2] =	sst s25  }
0xa7: {  	s6 =	sshll.u32 s26, $0x1;
	_ =	strace $0x80000046;
	[dreg:$0x1] =	wrdreg $0xFFFFFFFF  }
0xa8: {  	s28 =	simm.s32 $_size_execute0_lowered;
	s4 =	sadd.s32 s4, s6;
	[dreg:$0x0] =	wrdreg $0x0  }
0xa9: {  	s6 =	sshll.u32 s28, $0x1;
	[dreg:$0x2] =	wrdreg s4  }
0xaa: {  	[dreg:$0x3] =	wrdreg s6  }
0xab: {  	[dreg:$0x4] =	wrdreg $0xC0  }
0xac: {  	_ =	task [dreg:s8], $0x5FFFF  }
0xad: {  	[dreg:$0x1] =	wrdreg $0xFFFFFFFF  }
0xae: {  	[dreg:$0x0] =	wrdreg $0x60  }
0xaf: {  	[dreg:$0x2] =	wrdreg s2  }
0xb0: {  	[dreg:$0x3] =	wrdreg s18  }
0xb1: {  	[dreg:$0x4] =	wrdreg s24  }
0xb2: {  	[dreg:$0x5] =	wrdreg $0x0  }
0xb3: {  	[dreg:$0x6] =	wrdreg $0x9  }
0xb4: {  	_ =	task.clear_ibuf [dreg:s8], $0x7FFFF;
	_ =	strace $0x90000046  }
0xb5: {  	s29 =	simm.s32 $0x9;
	_ =	strace $0x80000048  }
0xb6: {  	_ =	swait.ge [sflag:s29], $0x1  }
0xb7: {  	[sflag:s29] =	ssyncadd.s32 $0xFFFFFFFF  }
0xb8: {  	_ =	strace $0x90000048  }
0xb9: {  	_ =	sfence  }
0xba: {  	s30 =	sld [smem:$0x0];
	_ =	sdelay $0x2  }
0xbb: {  	s31 =	sshll.u32 s1, $0xD;
	s1 =	sshrl.u32 s1, $0x2  }
0xbc: {  	s3 =	sand.u32 $0x4000, s31;
	s1 =	sadd.s32 s1, s30  }
0xbd: {  	s0 =	sor.u32 s3, s0;
	s1 =	sshll.u32 s1, $0x11  }
0xbe: {  	s0 =	sor.u32 s1, s0  }
0xbf: {  	s0 =	sadd.s32 $0x8F2B, s0  }
0xc0: {  	[sflag:s0] =	ssyncadd.remote.s32 $0x1  }
0xc1: {  	_ =	sfence.sel $0xFFFF  }
0xc2: {  	[dreg:$0x0] =	wrdreg $0xFFFFFFFF;
	(pc) =	sbr.abs _section_cstart, $3  }
0xc3: {  	[dreg:$0x1] =	wrdreg $0xFFFFFFFF  }
0xc4: {  	_ =	task.clear_ibuf [dreg:s8], $0x2FFFF;
	_ =	strace $0x9FFFFFFF  }
0xc5: {  	(tm) =	ssettm $0x7FFFFFFF  }
tec
execute0_lowered:
.L_overlay_start_1:
0x0: {  	(tag) =	ssettag $0x1  }
0x1: {  	s10 =	rddreg [dreg:$0x0]  }
0x2: {  	s11 =	rddreg [dreg:$0x1]  }
0x3: {  	s5 =	rddreg [dreg:$0x2]  }
0x4: {  	s1 =	rddreg [dreg:$0x3]  }
0x5: {  	s0 =	rddreg [dreg:$0x4];
	s3 =	simm.s32 $0x0  }
0x6: {  	s4 =	srdreg.scid;
	s2 =	stileid.u32;
	s19 =	simm.s32 $0x3940  }
0x7: {  	s20 =	simm.s32 $0x6140;
	s21 =	simm.s32 $0x0;
	[smem:$0x7FF] =	sst s3  }
0x8: {  	s9 =	sand.u32 $0x1, s4;
	s24 =	sshll.u32 s2, $0x9;
	s6 =	sshll.u32 s2, $0xC  }
0x9: {  	s26 =	sshll.u32 s2, $0x1;
	s15 =	smul.u32 $0x28, s2;
	s29 =	sshll.u32 s2, $0x6  }
0xa: {  	s18 =	smul.u32 $0x1400, s2;
	_ =	strace $0x80000047;
	s7 =	sshll.u32 s9, $0x10  }
0xb: {  	s8 =	sadd.s32 s24, s5;
	s4 =	sor.u32 s9, s26;
	s17 =	smul.u32 $0x14, s9  }
0xc: {  	s28 =	ssub.s32 $0x2, s9;
	s16 =	sadd.s32 s6, s1;
	s30 =	smul.u32 $0xA00, s9  }
0xd: {  	s25 =	sor.u32 s6, s7;
	s13 =	sshll.u32 s4, $0xA;
	s14 =	sshrl.u32 s28, $0x1  }
0xe: {  	s6 =	sor.u32 $0x1C01, s29;
	s11 =	sadd.s32 s15, s11;
	s31 =	sadd.s32 s18, s10  }
0xf: {  	s15 =	simm.s32 $0x1140;
	s18 =	simm.s32 $0x10F0;
	s12 =	sshrl.u32 s25, $0x3  }
.Ltmp0:
0x10: {  	s13 =	sadd.s32 s13, s5;
	s14 =	ssub.s32 s28, s14;
	(pc) =	sbr.rel .LBB2_1-.Ltmp0, $4  }
0x11: {  	s10 =	sadd.s32 s17, s11;
	s11 =	sadd.s32 s30, s31;
	s17 =	simm.s32 $0x10A0  }
0x12: {  	s12 =	sadd.s32 s12, s5;
	s5 =	sadd.s32 $0x2200, s8;
	s8 =	sadd.s32 $0x4200, s13  }
0x13: {  	s9 =	smax.u32 s14, $0x1;
	s13 =	simm.s32 $0x1;
	s14 =	simm.s32 $0x1000  }
0x14: {  	v0 =	vimm.f32 $0.0e+00;
	v1 =	vlaneseq.u32;
	v2 =	vimm.f32 $1.000000000e+00;
	s7 =	sadd.s32 $0xC200, s12;
	s12 =	sshrl.u32 s16, $0x3;
	s16 =	simm.s32 $0x50  }
.LBB2_7:
0x15: {  	[bflag:$0x0] =	sbarrier.arrive $0xFFFF  }
0x16: {  	[hbm:s7], [sflag:s6] =	dma.local [spmem:s12], $0x200  }
0x17: {  	s21 =	sadd.s32 $0x1, s21;
	_ =	swait.ge [sflag:s13], $0x200  }
0x18: {  	p0 =	sne.s32 s21, s9;
	[sflag:s13] =	ssyncset.done $0x0  }
.Ltmp1:
0x19: {  	[sflag:s13] =	ssyncadd.s32 $0xFFFFFE00;
	(pc) =	sbr.rel @!p0 .LBB2_8-.Ltmp1, $4  }
0x1a: {  	[hbm4b:s8+s3] =	stream.linear.scatter [tilespmem:s20], [sflag:$0x1], $0x2000, $0x38;
	[tilespmem:$0x8140] =	vst v63  }
0x1b: {  	_ =	swait.ge [sflag:s13], $0x2000  }
0x1c: {  	[sflag:s13] =	ssyncset.done $0x0  }
0x1d: {  	[sflag:s13] =	ssyncadd.s32 $0xFFFFE000  }
.LBB2_1:
0x1e: {  	[spmem:s12], [sflag:s6] =	dma.local [hbm:s5], $0x200  }
0x1f: {  	_ =	swait.ge [sflag:s13], $0x200  }
0x20: {  	[sflag:s13] =	ssyncset.done $0x0  }
0x21: {  	s22 =	simm.s32 $0x40;
	s23 =	simm.s32 $0x0;
	[sflag:s13] =	ssyncadd.s32 $0xFFFFFE00  }
.LBB2_2:
0x22: {  	p0 =	sne.s32 s22, $0x7FC0;
	[tilespmem:s23+$0x6140] =	vst v0;
	s23 =	smov.u32 s22;
	s22 =	sadd.s32 $0x40, s22  }
.Ltmp2:
0x23: {  	(pc) =	sbr.rel @p0 .LBB2_2-.Ltmp2, $2  }
0x24: {  	_ =	sdelay $0x2  }
0x25: {  	s23 =	sshra.s32 s23, $0x2  }
.Ltmp3:
0x26: {  	(pc) =	sbr.rel .LBB2_4-.Ltmp3, $4  }
0x27: {  	_ = 	snop  }
0x28: {  	[tilespmem:s23+$0x6140] =	vst v0  }
0x29: {  	[bflag:$0x0] =	sbarrier.arrive $0xFFFF  }
0x2a: {  	s22 =	simm.s32 $0x0;
	s23 =	smov.u32 s11;
	s24 =	smov.u32 s10  }
.LBB2_6:
0x2b: {  	s22 =	sadd.s32 $0x20, s22  }
0x2c: {  	p0 =	sne.s32 s22, $0x280  }
.Ltmp4:
0x2d: {  	_ = 	snop;
	(pc) =	sbr.rel @!p0 .LBB2_7-.Ltmp4, $2  }
0x2e: {  	_ =	sdelay $0x2  }
0x2f: {  	s24 =	sadd.s32 $0x280, s24;
	s23 =	sadd.s32 $0x14000, s23  }
.LBB2_4:
0x30: {  	s25 =	sadd.s32 s22, s4  }
0x31: {  	p0 =	sgt.u32 s25, $0x270  }
.Ltmp5:
0x32: {  	_ = 	snop;
	(pc) =	sbr.rel @p0 .LBB2_6-.Ltmp5, $1  }
0x33: {  	_ =	sdelay $0x3  }
0x34: {  	[tilespmem:s14], [sflag:$0x1] =	stream.linear.gather [hbm4b:s24+s3], $0xA0, $0x38;
	[tilespmem:$0x8140] =	vst v63  }
0x35: {  	_ =	swait.ge [sflag:s13], $0xA0  }
0x36: {  	[sflag:s13] =	ssyncset.done $0x0  }
0x37: {  	[sflag:s13] =	ssyncadd.s32 $0xFFFFFF60  }
0x38: {  	[tilespmem:s15], [sflag:$0x1] =	stream.linear.gather [hbm4b:s23+s3], $0x5000, $0x38;
	[tilespmem:$0x8140] =	vst v63  }
0x39: {  	_ =	swait.ge [sflag:s13], $0x5000  }
0x3a: {  	[sflag:s13] =	ssyncset.done $0x0  }
0x3b: {  	[sflag:s13] =	ssyncadd.s32 $0xFFFFB000  }
0x3c: {  	v3 =	vld [tilespmem:$0x1000]  }
0x3d: {  	v4 =	vld [tilespmem:$0x1010]  }
0x3e: {  	v5 =	vld [tilespmem:$0x1020]  }
0x3f: {  	v6 =	vld [tilespmem:$0x1030]  }
0x40: {  	v7 =	vld [tilespmem:$0x1040]  }
0x41: {  	v60 =	vld [tilespmem:$0x1060];
	[tilespmem:$0x10A0] =	vst v3  }
0x42: {  	v61 =	vld [tilespmem:$0x1070];
	[tilespmem:$0x10B0] =	vst v4  }
0x43: {  	v62 =	vld [tilespmem:$0x1080];
	[tilespmem:$0x10C0] =	vst v5  }
0x44: {  	v63 =	vld [tilespmem:$0x1090];
	[tilespmem:$0x10D0] =	vst v6  }
0x45: {  	v3 =	vld [tilespmem:$0x1050];
	[tilespmem:$0x10E0] =	vst v7  }
0x46: {  	[tilespmem:$0x1100] =	vst v60  }
0x47: {  	[tilespmem:$0x1110] =	vst v61  }
0x48: {  	[tilespmem:$0x1120] =	vst v62  }
0x49: {  	[tilespmem:$0x1130] =	vst v63  }
0x4a: {  	[tilespmem:$0x10F0] =	vst v3  }
0x4b: {  	[spmem:s1] =	stream.indirect.scatter.add.f32 [tilespmem:s15], [sflag:$0x1], $0x80, s17, s16, $0xb8;
	[tilespmem:$0x8140] =	vst v63  }
0x4c: {  	_ =	swait.ge [sflag:s13], $0x2800  }
0x4d: {  	[sflag:s13] =	ssyncset.done $0x0  }
0x4e: {  	[sflag:s13] =	ssyncadd.s32 $0xFFFFD800  }
0x4f: {  	[spmem:s1] =	stream.indirect.scatter.add.f32 [tilespmem:s19], [sflag:$0x1], $0x80, s18, s16, $0xb8;
	[tilespmem:$0x8140] =	vst v63  }
0x50: {  	_ =	swait.ge [sflag:s13], $0x2800  }
0x51: {  	[sflag:s13] =	ssyncset.done $0x0  }
0x52: {  	[sflag:s13] =	ssyncadd.s32 $0xFFFFD800  }
0x53: {  	v3 =	vld [tilespmem:$0x1000];
	_ =	sdelay $0x4  }
0x54: {  	v3 =	vshll.u32 v3, $0x4  }
0x55: {  	v3 =	vor.u32 v1, v3;
	_ =	sdelay $0x4  }
0x56: {  	[tilespmem:v3+s20+$0x0] =	vst.idx.add.f32.msk $0xffff, v2  }
0x57: {  	v3 =	vld [tilespmem:$0x1010];
	_ =	sdelay $0x4  }
0x58: {  	v3 =	vshll.u32 v3, $0x4  }
0x59: {  	v3 =	vor.u32 v1, v3;
	_ =	sdelay $0x4  }
0x5a: {  	[tilespmem:v3+s20+$0x0] =	vst.idx.add.f32.msk $0xffff, v2  }
0x5b: {  	v3 =	vld [tilespmem:$0x1020];
	_ =	sdelay $0x4  }
0x5c: {  	v3 =	vshll.u32 v3, $0x4  }
0x5d: {  	v3 =	vor.u32 v1, v3;
	_ =	sdelay $0x4  }
0x5e: {  	[tilespmem:v3+s20+$0x0] =	vst.idx.add.f32.msk $0xffff, v2  }
0x5f: {  	v3 =	vld [tilespmem:$0x1030];
	_ =	sdelay $0x4  }
0x60: {  	v3 =	vshll.u32 v3, $0x4  }
0x61: {  	v3 =	vor.u32 v1, v3;
	_ =	sdelay $0x4  }
0x62: {  	[tilespmem:v3+s20+$0x0] =	vst.idx.add.f32.msk $0xffff, v2  }
0x63: {  	v3 =	vld [tilespmem:$0x1040];
	_ =	sdelay $0x4  }
0x64: {  	v3 =	vshll.u32 v3, $0x4  }
0x65: {  	v3 =	vor.u32 v1, v3;
	_ =	sdelay $0x4  }
0x66: {  	[tilespmem:v3+s20+$0x0] =	vst.idx.add.f32.msk $0xffff, v2  }
0x67: {  	v3 =	vld [tilespmem:$0x1050];
	_ =	sdelay $0x4  }
0x68: {  	v3 =	vshll.u32 v3, $0x4  }
0x69: {  	v3 =	vor.u32 v1, v3;
	_ =	sdelay $0x4  }
0x6a: {  	[tilespmem:v3+s20+$0x0] =	vst.idx.add.f32.msk $0xffff, v2  }
0x6b: {  	v3 =	vld [tilespmem:$0x1060];
	_ =	sdelay $0x4  }
0x6c: {  	v3 =	vshll.u32 v3, $0x4  }
0x6d: {  	v3 =	vor.u32 v1, v3;
	_ =	sdelay $0x4  }
0x6e: {  	[tilespmem:v3+s20+$0x0] =	vst.idx.add.f32.msk $0xffff, v2  }
0x6f: {  	v3 =	vld [tilespmem:$0x1070];
	_ =	sdelay $0x4  }
0x70: {  	v3 =	vshll.u32 v3, $0x4  }
0x71: {  	v3 =	vor.u32 v1, v3;
	_ =	sdelay $0x4  }
0x72: {  	[tilespmem:v3+s20+$0x0] =	vst.idx.add.f32.msk $0xffff, v2  }
0x73: {  	v3 =	vld [tilespmem:$0x1080];
	_ =	sdelay $0x4  }
0x74: {  	v3 =	vshll.u32 v3, $0x4  }
0x75: {  	v3 =	vor.u32 v1, v3;
	_ =	sdelay $0x4  }
0x76: {  	[tilespmem:v3+s20+$0x0] =	vst.idx.add.f32.msk $0xffff, v2  }
0x77: {  	v3 =	vld [tilespmem:$0x1090];
	_ =	sdelay $0x4  }
0x78: {  	v3 =	vshll.u32 v3, $0x4  }
0x79: {  	v3 =	vor.u32 v1, v3  }
.Ltmp6:
0x7a: {  	_ = 	snop;
	(pc) =	sbr.rel .LBB2_6-.Ltmp6, $2  }
0x7b: {  	_ =	sdelay $0x2  }
0x7c: {  	[tilespmem:v3+s20+$0x0] =	vst.idx.add.f32.msk $0xffff, v2  }
.LBB2_8:
0x7d: {  	_ =	sfence.sel $0x180000  }
0x7e: {  	[bflag:$0x0] =	sbarrier.arrive $0xFFFF  }
0x7f: {  	p0 =	sne.s32 s2, $0x0;
	_ =	strace $0x90000047  }
0x80: {  	s0 =	sadd.s32 @!p0 $0x100000, s0;
	[bflag:$0x2] =	sbarrier.arrive $0xFFFF  }
0x81: {  	[sflag:s0] =	ssyncadd.tile.s32 @!p0 $0x1;
	_ =	shalt  }
.Lfunc_end2:
_tile_overlayer_lowered:
.L_overlay_start_2:
0x82: {  	(tag) =	ssettag $0x2  }
0x83: {  	s0 =	rddreg [dreg:$0x0];
	s2 =	stileid.u32  }
0x84: {  	s1 =	rddreg [dreg:$0x1];
	p0 =	sne.s32 s2, $0x0  }
0x85: {  	s3 =	rddreg [dreg:$0x2];
	[bflag:$0x3] =	sbarrier.arrive $0xFFFF;
	s2 =	simm.s32 @!p0 $0x1C01  }
0x86: {  	[timem:s3], [sflag:s2] =	dma.local @!p0 [hbm:s0], s1  }
0x87: {  	s0 =	simm.s32 @!p0 $0x1  }
0x88: {  	_ =	swait.ge @!p0 [sflag:s0], s1  }
0x89: {  	s1 =	ssub.s32 @!p0 $0x0, s1;
	[sflag:s0] =	ssyncset.done @!p0 $0x0  }
0x8a: {  	[sflag:s0] =	ssyncadd.s32 @!p0 s1  }
0x8b: {  	[bflag:$0x3] =	sbarrier.arrive $0xFFFF  }
0x8c: {  	_ =	shalt  }

// kernel: kernel.9.cloned.1.call-start
scs
__scs_entry_jumppad:
0x0: {  	(pc) =	sbr.rel $0x88, $3  }
0x1: {  	(tag) =	ssettag $0x0;
	lr =	simm.s32 $0x1  }
0x2: {  	[smem:$0x3F98] =	sst lr;
	_ =	strace $0xD0000000  }
0x3: {  	_ = 	snop  }
0x4: {  	_ = 	snop  }
0x5: {  	_ = 	snop  }
0x6: {  	_ = 	snop  }
0x7: {  	_ = 	snop  }
__scs_overlays_trampoline_lowered:
0x8: {  	[smem:$0x3FA7] =	sst s0  }
0x9: {  	[smem:$0x3FA8] =	sst s1  }
0xa: {  	[smem:$0x3FA9] =	sst s2  }
0xb: {  	[smem:$0x3FAA] =	sst s3  }
0xc: {  	[smem:$0x3FAB] =	sst s4  }
0xd: {  	[smem:$0x3FAC] =	sst s5  }
0xe: {  	[smem:$0x3FAD] =	sst s6  }
0xf: {  	[smem:$0x3FAE] =	sst s7  }
0x10: {  	[smem:$0x3FAF] =	sst s8  }
0x11: {  	[smem:$0x3FB0] =	sst s9;
	s0 =	simm.s32 @!p0 $0x0  }
0x12: {  	s1 =	sld [smem:$0x3F96];
	s0 =	simm.s32 @p0 $0x1  }
0x13: {  	[smem:$0x3FB1] =	sst s0;
	s0 =	simm.s32 @!p1 $0x0  }
0x14: {  	s2 =	sld [smem:$0x3F95];
	s0 =	simm.s32 @p1 $0x1  }
0x15: {  	[smem:$0x3FB2] =	sst s0;
	s0 =	simm.s32 @!p2 $0x0  }
0x16: {  	s3 =	sld [smem:$0x3FDB];
	s0 =	simm.s32 @p2 $0x1  }
0x17: {  	s4 =	simm.s32 $0x1BF5;
	[smem:$0x3FB4] =	sst s0  }
0x18: {  	s0 =	sld [smem:$0x3F97];
	_ =	swait.ge [sflag:s4], $0x0  }
0x19: {  	s7 =	sld [smem:$0x3F98]  }
0x1a: {  	s8 =	sadd.s32 $0xFFFFE003, lr  }
0x1b: {  	s9 =	sadd.s32 $0xFFFFFEF7, lr;
	s5 =	simm.s32 $0xFFFFFFFF;
	p2 =	slt.u32 s8, $0xFFFFF086  }
0x1c: {  	p1 =	slt.u32 s9, $0xF7A;
	s5 =	simm.s32 @!p2 $0x0  }
0x1d: {  	s5 =	simm.s32 @p1 $0x1;
	p0 =	seq.s32 s7, s2  }
0x1e: {  	s7 =	smul.u32 @!p0 $0xF7A, s2;
	p2 =	seq.s32 @!p0 s5, $0x0  }
0x1f: {  	s9 =	smul.u32 $0xF7A, s1;
	s8 =	simm.s32 @!p0 $0x1BF5;
	p2 =	por !p2, p0  }
0x20: {  	[sflag:s8] =	ssyncset.s32 @!p0 $0xFFFFF086;
	s6 =	sadd.s32 @!p0 s3, s7;
	s7 =	simm.s32 @!p0 $0x108  }
0x21: {  	s3 =	sadd.s32 s3, s9;
	s6 =	sadd.s32 @!p0 $0x88, s6;
	s7 =	simm.s32 @p2 $0x1082  }
0x22: {  	[simem:s7], [sflag:s8] =	dma.local @!p0 [hbm:s6], $0xF7A  }
0x23: {  	s9 =	sor.u32 $0xD0000000, s2;
	s6 =	simm.s32 $0x108;
	_ =	swait.ge @!p0 [sflag:s8], $0x0  }
0x24: {  	s3 =	sadd.s32 $0x88, s3;
	s6 =	simm.s32 @!p1 $0x1082;
	[sflag:s4] =	ssyncset.s32 $0xFFFFF086  }
0x25: {  	[simem:s6], [sflag:s4] =	dma.local [hbm:s3], $0xF7A  }
0x26: {  	[smem:$0x3F98] =	sst s1;
	(tag) =	ssettag s2;
	_ =	strace s9  }
0x27: {  	s1 =	sld [smem:$0x3FA8]  }
0x28: {  	s2 =	sld [smem:$0x3FA9]  }
0x29: {  	s4 =	sld [smem:$0x3FAB]  }
0x2a: {  	p0 =	seq.s32 s5, $0x0;
	s5 =	sld [smem:$0x3FAC]  }
0x2b: {  	s6 =	sld [smem:$0x3FAD]  }
0x2c: {  	s7 =	sld [smem:$0x3FAE]  }
0x2d: {  	s3 =	simm.s32 $0x108;
	s8 =	sld [smem:$0x3FAF]  }
0x2e: {  	s3 =	simm.s32 @!p0 $0x1082;
	s9 =	sld [smem:$0x3FB0]  }
0x2f: {  	lr =	sadd.s32 s0, s3;
	s0 =	sld [smem:$0x3FA7]  }
0x30: {  	s3 =	sld [smem:$0x3FAA]  }
0x31: {  	[smem:$0x3FB3] =	sst s10  }
0x32: {  	s10 =	sld [smem:$0x3FB1];
	_ =	sdelay $0x3  }
0x33: {  	p0 =	seq.s32 s10, $0x1;
	s10 =	sld [smem:$0x3FB3];
	_ =	sdelay $0x3  }
0x34: {  	[smem:$0x3FB3] =	sst s10  }
0x35: {  	s10 =	sld [smem:$0x3FB2];
	_ =	sdelay $0x3  }
0x36: {  	p1 =	seq.s32 s10, $0x1;
	s10 =	sld [smem:$0x3FB3];
	_ =	sdelay $0x3  }
0x37: {  	[smem:$0x3FB3] =	sst s10  }
0x38: {  	s10 =	sld [smem:$0x3FB4]  }
0x39: {  	_ = 	snop;
	(pc) =	sbr.ind lr, $3  }
0x3a: {  	_ = 	snop  }
0x3b: {  	_ = 	snop  }
0x3c: {  	p2 =	seq.s32 s10, $0x1;
	s10 =	sld [smem:$0x3FB3]  }
0x3d: {  	_ =	shalt  }
0x3e: {  	_ =	shalt  }
0x3f: {  	_ =	shalt  }
0x40: {  	_ =	shalt  }
0x41: {  	_ =	shalt  }
0x42: {  	_ =	shalt  }
0x43: {  	_ =	shalt  }
0x44: {  	_ =	shalt  }
0x45: {  	_ =	shalt  }
0x46: {  	_ =	shalt  }
0x47: {  	_ =	shalt  }
0x48: {  	_ =	shalt  }
0x49: {  	_ =	shalt  }
0x4a: {  	_ =	shalt  }
0x4b: {  	_ =	shalt  }
0x4c: {  	_ =	shalt  }
0x4d: {  	_ =	shalt  }
0x4e: {  	_ =	shalt  }
0x4f: {  	_ =	shalt  }
0x50: {  	_ =	shalt  }
0x51: {  	_ =	shalt  }
0x52: {  	_ =	shalt  }
0x53: {  	_ =	shalt  }
0x54: {  	_ =	shalt  }
0x55: {  	_ =	shalt  }
0x56: {  	_ =	shalt  }
0x57: {  	_ =	shalt  }
0x58: {  	_ =	shalt  }
0x59: {  	_ =	shalt  }
0x5a: {  	_ =	shalt  }
0x5b: {  	_ =	shalt  }
0x5c: {  	_ =	shalt  }
0x5d: {  	_ =	shalt  }
0x5e: {  	_ =	shalt  }
0x5f: {  	_ =	shalt  }
0x60: {  	_ =	shalt  }
0x61: {  	_ =	shalt  }
0x62: {  	_ =	shalt  }
0x63: {  	_ =	shalt  }
0x64: {  	_ =	shalt  }
0x65: {  	_ =	shalt  }
0x66: {  	_ =	shalt  }
0x67: {  	_ =	shalt  }
0x68: {  	_ =	shalt  }
0x69: {  	_ =	shalt  }
0x6a: {  	_ =	shalt  }
0x6b: {  	_ =	shalt  }
0x6c: {  	_ =	shalt  }
0x6d: {  	_ =	shalt  }
0x6e: {  	_ =	shalt  }
0x6f: {  	_ =	shalt  }
0x70: {  	_ =	shalt  }
0x71: {  	_ =	shalt  }
0x72: {  	_ =	shalt  }
0x73: {  	_ =	shalt  }
0x74: {  	_ =	shalt  }
0x75: {  	_ =	shalt  }
0x76: {  	_ =	shalt  }
0x77: {  	_ =	shalt  }
0x78: {  	_ =	shalt  }
0x79: {  	_ =	shalt  }
0x7a: {  	_ =	shalt  }
0x7b: {  	_ =	shalt  }
0x7c: {  	_ =	shalt  }
0x7d: {  	_ =	shalt  }
0x7e: {  	_ =	shalt  }
0x7f: {  	_ =	shalt  }
0x80: {  	_ =	shalt  }
0x81: {  	_ =	shalt  }
0x82: {  	_ =	shalt  }
0x83: {  	_ =	shalt  }
0x84: {  	_ =	shalt  }
0x85: {  	_ =	shalt  }
0x86: {  	_ =	shalt  }
0x87: {  	_ =	shalt  }
.Lfunc_end0:
.L_simem_size_0:
called_computation.1_lowered:
.L_overlay_start_0:
0x88: {  	s2 =	sld [smem:$0x3FD9]  }
0x89: {  	s3 =	sld [smem:$0x3FFE];
	_ =	sdelay $0x1  }
0x8a: {  	s1 =	srdreg.scid  }
0x8b: {  	s0 =	sand.u32 $0x1, s1  }
0x8c: {  	s17 =	sshll.u32 s0, $0xA;
	s2 =	sadd.s32 s3, s2  }
0x8d: {  	s2 =	sadd.s32 s2, s17  }
0x8e: {  	[smem:$0x3FBF] =	sst s2  }
0x8f: {  	_ = 	snop  }
0x90: {  	s2 =	sld [smem:$0x3FC5]  }
0x91: {  	s18 =	sld [smem:$0x3FD0];
	(tm) =	ssettm $0x1  }
0x92: {  	s4 =	sld [smem:$0x3FFB];
	_ =	sdelay $0x3  }
0x93: {  	_ =	strace s4  }
0x94: {  	s4 =	sld [smem:$0x3FFC];
	_ =	sdelay $0x3  }
0x95: {  	_ =	strace s4  }
0x96: {  	s4 =	sld [smem:$0x3FFD];
	_ =	sdelay $0x3  }
0x97: {  	_ =	strace s4  }
0x98: {  	_ =	strace $0x8FFFFFFF  }
0x99: {  	s19 =	sld [smem:$0x3FDB];
	_ =	sdelay $0x1  }
0x9a: {  	s5 =	simm.s32 $_scs_section_size  }
0x9b: {  	s6 =	simm.s32 $_size__tile_overlayer_lowered;
	s7 =	simm.s32 $_tile_overlayer_lowered  }
0x9c: {  	s22 =	simm.s32 $0x1BFF;
	s21 =	sshll.u32 s7, $0x1;
	s4 =	sadd.s32 s5, s19  }
0x9d: {  	s8 =	simm.s32 $0x0;
	s20 =	sshll.u32 s6, $0x1;
	s6 =	sadd.s32 s21, s4  }
0x9e: {  	[timem:s8], [sflag:s22] =	dma.local [hbm:s6], s20  }
0x9f: {  	_ =	swait.ge [sflag:s22], s20  }
0xa0: {  	s5 =	ssub.s32 $0x0, s20;
	[sflag:s22] =	ssyncset.done $0x0  }
0xa1: {  	[sflag:s22] =	ssyncadd.s32 s5;
	_ =	sdelay $0x1  }
0xa2: {  	s23 =	simm.s32 $0x1B8B  }
0xa3: {  	_ =	swait.ge [sflag:s23], $0x1  }
0xa4: {  	[sflag:s23] =	ssyncset.done $0x0  }
0xa5: {  	s25 =	simm.s32 $0x1B8E;
	s24 =	sld [smem:$0x3FFE];
	[sflag:s23] =	ssyncadd.s32 $0xFFFFFFFF  }
0xa6: {  	s26 =	simm.s32 $execute0_lowered;
	[smem:$0x3FD2] =	sst s25  }
0xa7: {  	s6 =	sshll.u32 s26, $0x1;
	_ =	strace $0x80000049;
	[dreg:$0x1] =	wrdreg $0xFFFFFFFF  }
0xa8: {  	s28 =	simm.s32 $_size_execute0_lowered;
	s4 =	sadd.s32 s4, s6;
	[dreg:$0x0] =	wrdreg $0x0  }
0xa9: {  	s6 =	sshll.u32 s28, $0x1;
	[dreg:$0x2] =	wrdreg s4  }
0xaa: {  	[dreg:$0x3] =	wrdreg s6  }
0xab: {  	[dreg:$0x4] =	wrdreg $0xC0  }
0xac: {  	_ =	task [dreg:s8], $0x5FFFF  }
0xad: {  	[dreg:$0x1] =	wrdreg $0xFFFFFFFF  }
0xae: {  	[dreg:$0x0] =	wrdreg $0x60  }
0xaf: {  	[dreg:$0x2] =	wrdreg s24  }
0xb0: {  	[dreg:$0x3] =	wrdreg s2  }
0xb1: {  	[dreg:$0x4] =	wrdreg s18  }
0xb2: {  	[dreg:$0x5] =	wrdreg $0x0  }
0xb3: {  	[dreg:$0x6] =	wrdreg $0x18700  }
0xb4: {  	[dreg:$0x7] =	wrdreg $0x9  }
0xb5: {  	_ =	task.clear_ibuf [dreg:s8], $0x8FFFF;
	_ =	strace $0x90000049  }
0xb6: {  	s29 =	simm.s32 $0x9;
	_ =	strace $0x8000004B  }
0xb7: {  	_ =	swait.ge [sflag:s29], $0x1  }
0xb8: {  	[sflag:s29] =	ssyncadd.s32 $0xFFFFFFFF  }
0xb9: {  	_ =	strace $0x9000004B  }
0xba: {  	_ =	sfence  }
0xbb: {  	s30 =	sld [smem:$0x0];
	_ =	sdelay $0x2  }
0xbc: {  	s31 =	sshll.u32 s1, $0xD;
	s1 =	sshrl.u32 s1, $0x2  }
0xbd: {  	s3 =	sand.u32 $0x4000, s31;
	s1 =	sadd.s32 s1, s30  }
0xbe: {  	s0 =	sor.u32 s3, s0;
	s1 =	sshll.u32 s1, $0x11  }
0xbf: {  	s0 =	sor.u32 s1, s0  }
0xc0: {  	s0 =	sadd.s32 $0x8F2B, s0  }
0xc1: {  	[sflag:s0] =	ssyncadd.remote.s32 $0x1  }
0xc2: {  	_ =	sfence.sel $0xFFFF  }
0xc3: {  	[dreg:$0x0] =	wrdreg $0xFFFFFFFF;
	(pc) =	sbr.abs _section_cstart, $3  }
0xc4: {  	[dreg:$0x1] =	wrdreg $0xFFFFFFFF  }
0xc5: {  	_ =	task.clear_ibuf [dreg:s8], $0x2FFFF;
	_ =	strace $0x9FFFFFFF  }
0xc6: {  	(tm) =	ssettm $0x7FFFFFFF  }
0xc7: {  	_ =	shalt  }
tec
execute0_lowered:
.L_overlay_start_1:
0x0: {  	(tag) =	ssettag $0x1  }
0x1: {  	s0 =	rddreg [dreg:$0x0]  }
0x2: {  	s1 =	rddreg [dreg:$0x2]  }
0x3: {  	s2 =	rddreg [dreg:$0x3]  }
0x4: {  	s3 =	rddreg [dreg:$0x4];
	s4 =	simm.s32 $0x0  }
0x5: {  	s24 =	stileid.u32;
	s6 =	srdreg.scid;
	s15 =	simm.s32 $0x3  }
0x6: {  	s16 =	simm.s32 $0x1A70;
	s17 =	simm.s32 $0x4;
	s18 =	simm.s32 $0x80  }
0x7: {  	s19 =	simm.s32 $0x26F0;
	s28 =	simm.s32 $0x1;
	s29 =	simm.s32 $0x107F0  }
0x8: {  	s30 =	simm.s32 $0x2;
	v0 =	vimm.s32 $0xAF1;
	vm0 =	vcmask $0x300;
	s20 =	simm.s32 $0x3EF0;
	s21 =	simm.s32 $0xF7F0  }
0x9: {  	vm14 =	vcmask $0x704;
	s22 =	simm.s32 $0x3F70;
	s23 =	simm.s32 $0xFFF0;
	[smem:$0x7FF] =	sst s4;
	v0 =	vsel vm0, $0x0, v0  }
0xa: {  	vm15 =	vcmask $0xB08;
	s5 =	sadd.s32 $0x31D600, s0;
	s8 =	sand.u32 $0x1, s6;
	s7 =	sshll.u32 s24, $0x1;
	v0 =	vsel vm14, $0x190, v0  }
0xb: {  	vm4 =	vcmask $0xF0C;
	s6 =	sadd.s32 $0x10200, s0;
	s9 =	sshll.u32 s24, $0x6;
	s14 =	sshll.u32 s24, $0x9;
	v0 =	vsel vm15, $0x320, v0  }
0xc: {  	vm5 =	vcmask $0x1310;
	p0 =	sne.s32 s24, $0x0;
	_ =	strace $0x8000004A;
	s7 =	sor.u32 s8, s7;
	v0 =	vsel vm4, $0x4B0, v0  }
0xd: {  	vm6 =	vcmask $0x1714;
	s10 =	sadd.s32 s9, s0;
	s12 =	ssub.s32 $0x2, s8;
	s8 =	sshll.u32 s8, $0xD;
	v0 =	vsel vm5, $0x640, v0  }
0xe: {  	vm7 =	vcmask $0x1B18;
	s26 =	sadd.s32 s14, s3;
	s11 =	sshll.u32 s7, $0xA;
	s13 =	sshrl.u32 s12, $0x1;
	v0 =	vsel vm6, $0x7D0, v0  }
0xf: {  	vm8 =	vcmask $0x1F1C;
	s8 =	sor.u32 s14, s8;
	s10 =	sadd.s32 $0x2200, s10;
	s24 =	sshrl.u32 s26, $0x3;
	v0 =	vsel vm7, $0x960, v0  }
0x10: {  	vm9 =	vcmask $0x2320;
	s26 =	simm.s32 $0x3FF0;
	s14 =	simm.s32 $0xEFF0;
	s0 =	sadd.s32 s11, s0;
	v0 =	vsel vm8, $0xAF0, v0  }
0x11: {  	vm10 =	vcmask $0x2724;
	s25 =	ssub.s32 s12, s13;
	[dreg:$0x6] =	wrdreg s10;
	s8 =	sshrl.u32 s8, $0x3;
	v0 =	vsel vm9, $0x1, v0  }
0x12: {  	vm11 =	vcmask $0x2B28;
	s10 =	simm.s32 $0xDFF0;
	[dreg:$0xc] =	wrdreg s24;
	s1 =	sadd.s32 s1, s8;
	v0 =	vsel vm10, $0x191, v0  }
.Ltmp0:
0x13: {  	vm12 =	vcmask $0x2F2C;
	s0 =	sadd.s32 $0x2600, s0;
	[dreg:$0x7] =	wrdreg s1;
	v0 =	vsel vm11, $0x321, v0;
	(pc) =	sbr.rel .LBB2_1-.Ltmp0, $4  }
0x14: {  	vm13 =	vcmask $0x3330;
	s11 =	simm.s32 $0x3DF0;
	s31 =	smax.u32 s25, $0x1;
	[dreg:$0x8] =	wrdreg s0;
	v0 =	vsel vm12, $0x4B1, v0  }
0x15: {  	vm14 =	vcmask $0x3734;
	s12 =	simm.s32 $0xE7F0;
	s8 =	sor.u32 $0x1C03, s9;
	[dreg:$0x9] =	wrdreg s31;
	v1 =	vsel vm13, $0x641, v0  }
0x16: {  	v2 =	vimm.f32 $1.000000000e+00;
	vm15 =	vcmask $0x3B38;
	s13 =	simm.s32 $0x3E70;
	s0 =	sshrl.u32 @!p0 s2, $0x3;
	[dreg:$0xb] =	wrdreg s8;
	v3 =	vsel vm14, $0x7D1, v1  }
0x17: {  	s9 =	simm.s32 $0x3D70;
	s1 =	simm.s32 $0x0;
	[dreg:$0xa] =	wrdreg s0;
	v0 =	vimm.f32 $0.0e+00;
	v1 =	vlaneseq.u32;
	v3 =	vsel vm15, $0x961, v3  }
.LBB2_9:
0x18: {  	[bflag:$0x0] =	sbarrier.arrive $0xFFFF  }
0x19: {  	s0 =	rddreg [dreg:$0x7]  }
0x1a: {  	s8 =	rddreg [dreg:$0xb]  }
0x1b: {  	s24 =	rddreg [dreg:$0xc]  }
0x1c: {  	[hbm:s0], [sflag:s8] =	dma.local [spmem:s24], $0x40  }
0x1d: {  	_ =	swait.ge [sflag:s15], $0x40  }
0x1e: {  	[sflag:s15] =	ssyncset.done $0x0  }
0x1f: {  	s4 =	simm.s32 $0x0;
	s1 =	rddreg [dreg:$0x8];
	[sflag:s15] =	ssyncadd.s32 $0xFFFFFFC0  }
0x20: {  	[hbm4b:s1+s4] =	stream.linear.scatter [tilespmem:s29], [sflag:$0x3], $0x2000, $0x38;
	[tilespmem:$0x127F0] =	vst v63  }
0x21: {  	_ =	swait.ge [sflag:s15], $0x2000  }
0x22: {  	s25 =	rddreg [dreg:$0xd]  }
0x23: {  	s31 =	rddreg [dreg:$0x9];
	s1 =	sadd.s32 $0x1, s25  }
0x24: {  	p1 =	sne.s32 s1, s31  }
.Ltmp1:
0x25: {  	_ = 	snop;
	(pc) =	sbr.rel @!p1 .LBB2_10-.Ltmp1, $3  }
0x26: {  	_ =	sdelay $0x1  }
0x27: {  	[sflag:s15] =	ssyncset.done $0x0  }
0x28: {  	[sflag:s15] =	ssyncadd.s32 $0xFFFFE000  }
.LBB2_1:
0x29: {  	[dreg:$0xd] =	wrdreg s1  }
0x2a: {  	s1 =	rddreg [dreg:$0x1]  }
0x2b: {  	s0 =	simm.s32 @!p0 $0x1C03;
	s4 =	rddreg [dreg:$0xa]  }
0x2c: {  	[spmem:s4], [sflag:s0] =	dma.local @!p0 [hbm:s1], $0x30D4  }
0x2d: {  	s0 =	simm.s32 @!p0 $0x3  }
0x2e: {  	_ =	swait.ge @!p0 [sflag:s0], $0x30D4  }
0x2f: {  	[sflag:s0] =	ssyncset.done @!p0 $0x0  }
0x30: {  	s31 =	rddreg [dreg:$0x6];
	[sflag:s0] =	ssyncadd.s32 @!p0 $0xFFFFCF2C  }
0x31: {  	[spmem:s24], [sflag:s8] =	dma.local [hbm:s31], $0x40  }
0x32: {  	_ =	swait.ge [sflag:s15], $0x40  }
0x33: {  	[sflag:s15] =	ssyncset.done $0x0  }
0x34: {  	s1 =	simm.s32 $0x0;
	s0 =	simm.s32 $0x40;
	[sflag:s15] =	ssyncadd.s32 $0xFFFFFFC0  }
.LBB2_2:
0x35: {  	p1 =	sne.s32 s0, $0x7FC0;
	[tilespmem:s1+$0x107F0] =	vst v0;
	s1 =	smov.u32 s0;
	s0 =	sadd.s32 $0x40, s0  }
.Ltmp2:
0x36: {  	(pc) =	sbr.rel @p1 .LBB2_2-.Ltmp2, $2  }
0x37: {  	_ =	sdelay $0x2  }
0x38: {  	s1 =	sshra.s32 s1, $0x2  }
.Ltmp3:
0x39: {  	(pc) =	sbr.rel .LBB2_4-.Ltmp3, $4  }
0x3a: {  	_ = 	snop  }
0x3b: {  	[tilespmem:s1+$0x107F0] =	vst v0  }
0x3c: {  	[bflag:$0x0] =	sbarrier.arrive $0xFFFF  }
0x3d: {  	s24 =	simm.s32 $0x0  }
.LBB2_8:
0x3e: {  	s24 =	sadd.s32 $0x1, s24  }
0x3f: {  	p1 =	sne.s32 s24, $0x10  }
.Ltmp4:
0x40: {  	_ = 	snop;
	(pc) =	sbr.rel @!p1 .LBB2_9-.Ltmp4, $1  }
0x41: {  	_ =	sdelay $0x3  }
.LBB2_4:
0x42: {  	s0 =	sshll.u32 s24, $0x5  }
0x43: {  	s0 =	sor.u32 s7, s0  }
0x44: {  	p1 =	sgt.u32 s0, $0x1F3  }
.Ltmp5:
0x45: {  	_ = 	snop;
	(pc) =	sbr.rel @p1 .LBB2_8-.Ltmp5, $1  }
0x46: {  	_ =	sdelay $0x3  }
0x47: {  	s1 =	smul.u32 $0x190, s0;
	_ =	sdelay $0x1  }
0x48: {  	s25 =	simm.s32 $0x0;
	s1 =	sadd.s32 s5, s1  }
0x49: {  	[tilespmem:s16], [sflag:$0x4] =	stream.linear.gather [hbm4b:s1+s25], $0xC80, $0x38;
	[tilespmem:$0x127F0] =	vst v63  }
0x4a: {  	_ =	swait.ge [sflag:s17], $0xC80  }
0x4b: {  	[sflag:s17] =	ssyncset.done $0x0  }
0x4c: {  	[sflag:s17] =	ssyncadd.s32 $0xFFFFF380  }
0x4d: {  	[tilespmem:s19], [sflag:$0x1] =	stream.indirect.gather [spmem:s2], $0x1, s16, s18, $0xb8;
	[tilespmem:$0x127F0] =	vst v63  }
0x4e: {  	s8 =	simm.s32 $0x1AF0;
	s4 =	simm.s32 $0x2770  }
0x4f: {  	[tilespmem:s4], [sflag:$0x1] =	stream.indirect.gather [spmem:s2], $0x1, s8, s18, $0xb8;
	[tilespmem:$0x127F0] =	vst v63  }
0x50: {  	s4 =	simm.s32 $0x1B70;
	s8 =	simm.s32 $0x27F0  }
0x51: {  	[tilespmem:s8], [sflag:$0x1] =	stream.indirect.gather [spmem:s2], $0x1, s4, s18, $0xb8;
	[tilespmem:$0x127F0] =	vst v63  }
0x52: {  	s4 =	simm.s32 $0x1BF0;
	s8 =	simm.s32 $0x2870  }
0x53: {  	[tilespmem:s8], [sflag:$0x1] =	stream.indirect.gather [spmem:s2], $0x1, s4, s18, $0xb8;
	[tilespmem:$0x127F0] =	vst v63  }
0x54: {  	s4 =	simm.s32 $0x1C70;
	s8 =	simm.s32 $0x28F0  }
0x55: {  	[tilespmem:s8], [sflag:$0x1] =	stream.indirect.gather [spmem:s2], $0x1, s4, s18, $0xb8;
	[tilespmem:$0x127F0] =	vst v63  }
0x56: {  	s4 =	simm.s32 $0x1CF0;
	s8 =	simm.s32 $0x2970  }
0x57: {  	[tilespmem:s8], [sflag:$0x1] =	stream.indirect.gather [spmem:s2], $0x1, s4, s18, $0xb8;
	[tilespmem:$0x127F0] =	vst v63  }
0x58: {  	s4 =	simm.s32 $0x1D70;
	s8 =	simm.s32 $0x29F0  }
0x59: {  	[tilespmem:s8], [sflag:$0x1] =	stream.indirect.gather [spmem:s2], $0x1, s4, s18, $0xb8;
	[tilespmem:$0x127F0] =	vst v63  }
0x5a: {  	s4 =	simm.s32 $0x1DF0;
	s8 =	simm.s32 $0x2A70  }
0x5b: {  	[tilespmem:s8], [sflag:$0x1] =	stream.indirect.gather [spmem:s2], $0x1, s4, s18, $0xb8;
	[tilespmem:$0x127F0] =	vst v63  }
0x5c: {  	s4 =	simm.s32 $0x1E70;
	s8 =	simm.s32 $0x2AF0  }
0x5d: {  	[tilespmem:s8], [sflag:$0x1] =	stream.indirect.gather [spmem:s2], $0x1, s4, s18, $0xb8;
	[tilespmem:$0x127F0] =	vst v63  }
0x5e: {  	s4 =	simm.s32 $0x1EF0;
	s8 =	simm.s32 $0x2B70  }
0x5f: {  	[tilespmem:s8], [sflag:$0x1] =	stream.indirect.gather [spmem:s2], $0x1, s4, s18, $0xb8;
	[tilespmem:$0x127F0] =	vst v63  }
0x60: {  	s4 =	simm.s32 $0x1F70;
	s8 =	simm.s32 $0x2BF0  }
0x61: {  	[tilespmem:s8], [sflag:$0x1] =	stream.indirect.gather [spmem:s2], $0x1, s4, s18, $0xb8;
	[tilespmem:$0x127F0] =	vst v63  }
0x62: {  	s4 =	simm.s32 $0x1FF0;
	s8 =	simm.s32 $0x2C70  }
0x63: {  	[tilespmem:s8], [sflag:$0x1] =	stream.indirect.gather [spmem:s2], $0x1, s4, s18, $0xb8;
	[tilespmem:$0x127F0] =	vst v63  }
0x64: {  	s4 =	simm.s32 $0x2070;
	s8 =	simm.s32 $0x2CF0  }
0x65: {  	[tilespmem:s8], [sflag:$0x1] =	stream.indirect.gather [spmem:s2], $0x1, s4, s18, $0xb8;
	[tilespmem:$0x127F0] =	vst v63  }
0x66: {  	s4 =	simm.s32 $0x20F0;
	s8 =	simm.s32 $0x2D70  }
0x67: {  	[tilespmem:s8], [sflag:$0x1] =	stream.indirect.gather [spmem:s2], $0x1, s4, s18, $0xb8;
	[tilespmem:$0x127F0] =	vst v63  }
0x68: {  	s4 =	simm.s32 $0x2170;
	s8 =	simm.s32 $0x2DF0  }
0x69: {  	[tilespmem:s8], [sflag:$0x1] =	stream.indirect.gather [spmem:s2], $0x1, s4, s18, $0xb8;
	[tilespmem:$0x127F0] =	vst v63  }
0x6a: {  	s4 =	simm.s32 $0x21F0;
	s8 =	simm.s32 $0x2E70  }
0x6b: {  	[tilespmem:s8], [sflag:$0x1] =	stream.indirect.gather [spmem:s2], $0x1, s4, s18, $0xb8;
	[tilespmem:$0x127F0] =	vst v63  }
0x6c: {  	s4 =	simm.s32 $0x2270;
	s8 =	simm.s32 $0x2EF0  }
0x6d: {  	[tilespmem:s8], [sflag:$0x1] =	stream.indirect.gather [spmem:s2], $0x1, s4, s18, $0xb8;
	[tilespmem:$0x127F0] =	vst v63  }
0x6e: {  	s4 =	simm.s32 $0x22F0;
	s8 =	simm.s32 $0x2F70  }
0x6f: {  	[tilespmem:s8], [sflag:$0x1] =	stream.indirect.gather [spmem:s2], $0x1, s4, s18, $0xb8;
	[tilespmem:$0x127F0] =	vst v63  }
0x70: {  	s4 =	simm.s32 $0x2370;
	s8 =	simm.s32 $0x2FF0  }
0x71: {  	[tilespmem:s8], [sflag:$0x1] =	stream.indirect.gather [spmem:s2], $0x1, s4, s18, $0xb8;
	[tilespmem:$0x127F0] =	vst v63  }
0x72: {  	s4 =	simm.s32 $0x23F0;
	s8 =	simm.s32 $0x3070  }
0x73: {  	[tilespmem:s8], [sflag:$0x1] =	stream.indirect.gather [spmem:s2], $0x1, s4, s18, $0xb8;
	[tilespmem:$0x127F0] =	vst v63  }
0x74: {  	s4 =	simm.s32 $0x2470;
	s8 =	simm.s32 $0x30F0  }
0x75: {  	[tilespmem:s8], [sflag:$0x1] =	stream.indirect.gather [spmem:s2], $0x1, s4, s18, $0xb8;
	[tilespmem:$0x127F0] =	vst v63  }
0x76: {  	s4 =	simm.s32 $0x24F0;
	s8 =	simm.s32 $0x3170  }
0x77: {  	[tilespmem:s8], [sflag:$0x1] =	stream.indirect.gather [spmem:s2], $0x1, s4, s18, $0xb8;
	[tilespmem:$0x127F0] =	vst v63  }
0x78: {  	s4 =	simm.s32 $0x2570;
	s8 =	simm.s32 $0x31F0  }
0x79: {  	[tilespmem:s8], [sflag:$0x1] =	stream.indirect.gather [spmem:s2], $0x1, s4, s18, $0xb8;
	[tilespmem:$0x127F0] =	vst v63  }
0x7a: {  	s4 =	simm.s32 $0x25F0;
	s8 =	simm.s32 $0x3270  }
0x7b: {  	[tilespmem:s8], [sflag:$0x1] =	stream.indirect.gather [spmem:s2], $0x1, s4, s18, $0xb8;
	[tilespmem:$0x127F0] =	vst v63  }
0x7c: {  	s0 =	smul.u32 $0x1900, s0;
	s4 =	simm.s32 $0x2670;
	s8 =	simm.s32 $0x32F0  }
0x7d: {  	[tilespmem:s8], [sflag:$0x1] =	stream.indirect.gather [spmem:s2], $0x1, s4, s18, $0xb8;
	[tilespmem:$0x127F0] =	vst v63  }
0x7e: {  	s0 =	sadd.s32 s6, s0  }
0x7f: {  	[tilespmem:s26], [sflag:$0x2] =	stream.linear.gather [hbm4b:s0+s25], $0xC800, $0x38;
	[tilespmem:$0x127F0] =	vst v63  }
0x80: {  	_ =	swait.ge [sflag:s28], $0x80  }
0x81: {  	[sflag:s28] =	ssyncset.done $0x0  }
0x82: {  	[sflag:s28] =	ssyncadd.s32 $0xFFFFFF80  }
0x83: {  	_ =	swait.ge [sflag:s28], $0x80  }
0x84: {  	[sflag:s28] =	ssyncset.done $0x0  }
0x85: {  	[sflag:s28] =	ssyncadd.s32 $0xFFFFFF80  }
0x86: {  	_ =	swait.ge [sflag:s28], $0x80  }
0x87: {  	[sflag:s28] =	ssyncset.done $0x0  }
0x88: {  	[sflag:s28] =	ssyncadd.s32 $0xFFFFFF80  }
0x89: {  	_ =	swait.ge [sflag:s28], $0x80  }
0x8a: {  	[sflag:s28] =	ssyncset.done $0x0  }
0x8b: {  	[sflag:s28] =	ssyncadd.s32 $0xFFFFFF80  }
0x8c: {  	_ =	swait.ge [sflag:s28], $0x80  }
0x8d: {  	[sflag:s28] =	ssyncset.done $0x0  }
0x8e: {  	[sflag:s28] =	ssyncadd.s32 $0xFFFFFF80  }
0x8f: {  	_ =	swait.ge [sflag:s28], $0x80  }
0x90: {  	[sflag:s28] =	ssyncset.done $0x0  }
0x91: {  	[sflag:s28] =	ssyncadd.s32 $0xFFFFFF80  }
0x92: {  	_ =	swait.ge [sflag:s28], $0x80  }
0x93: {  	[sflag:s28] =	ssyncset.done $0x0  }
0x94: {  	[sflag:s28] =	ssyncadd.s32 $0xFFFFFF80  }
0x95: {  	_ =	swait.ge [sflag:s28], $0x80  }
0x96: {  	[sflag:s28] =	ssyncset.done $0x0  }
0x97: {  	[sflag:s28] =	ssyncadd.s32 $0xFFFFFF80  }
0x98: {  	_ =	swait.ge [sflag:s28], $0x80  }
0x99: {  	[sflag:s28] =	ssyncset.done $0x0  }
0x9a: {  	[sflag:s28] =	ssyncadd.s32 $0xFFFFFF80  }
0x9b: {  	_ =	swait.ge [sflag:s28], $0x80  }
0x9c: {  	[sflag:s28] =	ssyncset.done $0x0  }
0x9d: {  	[sflag:s28] =	ssyncadd.s32 $0xFFFFFF80  }
0x9e: {  	_ =	swait.ge [sflag:s28], $0x80  }
0x9f: {  	[sflag:s28] =	ssyncset.done $0x0  }
0xa0: {  	[sflag:s28] =	ssyncadd.s32 $0xFFFFFF80  }
0xa1: {  	_ =	swait.ge [sflag:s28], $0x80  }
0xa2: {  	[sflag:s28] =	ssyncset.done $0x0  }
0xa3: {  	[sflag:s28] =	ssyncadd.s32 $0xFFFFFF80  }
0xa4: {  	_ =	swait.ge [sflag:s28], $0x80  }
0xa5: {  	[sflag:s28] =	ssyncset.done $0x0  }
0xa6: {  	[sflag:s28] =	ssyncadd.s32 $0xFFFFFF80  }
0xa7: {  	_ =	swait.ge [sflag:s28], $0x80  }
0xa8: {  	[sflag:s28] =	ssyncset.done $0x0  }
0xa9: {  	[sflag:s28] =	ssyncadd.s32 $0xFFFFFF80  }
0xaa: {  	_ =	swait.ge [sflag:s28], $0x80  }
0xab: {  	[sflag:s28] =	ssyncset.done $0x0  }
0xac: {  	[sflag:s28] =	ssyncadd.s32 $0xFFFFFF80  }
0xad: {  	_ =	swait.ge [sflag:s28], $0x80  }
0xae: {  	[sflag:s28] =	ssyncset.done $0x0  }
0xaf: {  	[sflag:s28] =	ssyncadd.s32 $0xFFFFFF80  }
0xb0: {  	_ =	swait.ge [sflag:s28], $0x80  }
0xb1: {  	[sflag:s28] =	ssyncset.done $0x0  }
0xb2: {  	[sflag:s28] =	ssyncadd.s32 $0xFFFFFF80  }
0xb3: {  	_ =	swait.ge [sflag:s28], $0x80  }
0xb4: {  	[sflag:s28] =	ssyncset.done $0x0  }
0xb5: {  	[sflag:s28] =	ssyncadd.s32 $0xFFFFFF80  }
0xb6: {  	_ =	swait.ge [sflag:s28], $0x80  }
0xb7: {  	[sflag:s28] =	ssyncset.done $0x0  }
0xb8: {  	[sflag:s28] =	ssyncadd.s32 $0xFFFFFF80  }
0xb9: {  	_ =	swait.ge [sflag:s28], $0x80  }
0xba: {  	[sflag:s28] =	ssyncset.done $0x0  }
0xbb: {  	[sflag:s28] =	ssyncadd.s32 $0xFFFFFF80  }
0xbc: {  	_ =	swait.ge [sflag:s28], $0x80  }
0xbd: {  	[sflag:s28] =	ssyncset.done $0x0  }
0xbe: {  	[sflag:s28] =	ssyncadd.s32 $0xFFFFFF80  }
0xbf: {  	_ =	swait.ge [sflag:s28], $0x80  }
0xc0: {  	[sflag:s28] =	ssyncset.done $0x0  }
0xc1: {  	[sflag:s28] =	ssyncadd.s32 $0xFFFFFF80  }
0xc2: {  	_ =	swait.ge [sflag:s28], $0x80  }
0xc3: {  	[sflag:s28] =	ssyncset.done $0x0  }
0xc4: {  	[sflag:s28] =	ssyncadd.s32 $0xFFFFFF80  }
0xc5: {  	_ =	swait.ge [sflag:s28], $0x80  }
0xc6: {  	[sflag:s28] =	ssyncset.done $0x0  }
0xc7: {  	[sflag:s28] =	ssyncadd.s32 $0xFFFFFF80  }
0xc8: {  	_ =	swait.ge [sflag:s28], $0x80  }
0xc9: {  	[sflag:s28] =	ssyncset.done $0x0  }
0xca: {  	s1 =	simm.s32 $0x0;
	[sflag:s28] =	ssyncadd.s32 $0xFFFFFF80  }
0xcb: {  	v4 =	vld [tilespmem:s1+$0x26F0];
	_ =	sdelay $0x4  }
0xcc: {  	v4 =	vshll.u32 v4, $0x4  }
0xcd: {  	v4 =	vor.u32 v1, v4  }
0xce: {  	v5 =	vadd.s32 s25, v3;
	_ =	sdelay $0x3  }
0xcf: {  	[tilespmem:v4+s29+$0x0] =	vst.idx.add.f32.msk $0xffff, v2  }
0xd0: {  	v4 =	vld.idx.msk [tilespmem:v5+s19+$0x0], $0xffff;
	_ =	sdelay $0x1  }
0xd1: {  	s4 =	sand.u32 $0x3E00, s25  }
0xd2: {  	s8 =	sand.u32 $0x70, s25;
	s0 =	sshrl.u32 s4, $0x2  }
0xd3: {  	s31 =	simm.s32 $0x10;
	s1 =	sor.u32 s8, s0  }
0xd4: {  	s4 =	simm.s32 $0x10;
	s0 =	simm.s32 $0x40;
	[tilespmem:s1+$0x3370] =	vst v4;
	s1 =	simm.s32 $0x20  }
.LBB2_6:
0xd5: {  	p1 =	sne.s32 s1, $0xC70;
	v4 =	vld [tilespmem:s4+$0x26F0];
	_ =	sdelay $0x4  }
0xd6: {  	v4 =	vshll.u32 v4, $0x4  }
0xd7: {  	s25 =	sadd.s32 $0x2, s25;
	v4 =	vor.u32 v1, v4  }
0xd8: {  	v5 =	vadd.s32 s25, v3;
	_ =	sdelay $0x3  }
0xd9: {  	[tilespmem:v4+s29+$0x0] =	vst.idx.add.f32.msk $0xffff, v2  }
0xda: {  	v4 =	vld.idx.msk [tilespmem:v5+s19+$0x0], $0xffff;
	_ =	sdelay $0x1  }
.Ltmp6:
0xdb: {  	(pc) =	sbr.rel @p1 .LBB2_6-.Ltmp6, $4  }
0xdc: {  	s4 =	sand.u32 $0x3E00, s0  }
0xdd: {  	s8 =	sand.u32 $0x70, s31;
	s31 =	smov.u32 s1;
	s4 =	sshrl.u32 s4, $0x2  }
0xde: {  	s0 =	sadd.s32 $0x40, s0;
	s8 =	sor.u32 s8, s4  }
0xdf: {  	s1 =	sadd.s32 $0x10, s1;
	s4 =	sshra.s32 s0, $0x2;
	[tilespmem:s8+$0x3370] =	vst v4  }
0xe0: {  	v4 =	vld [tilespmem:s4+$0x26F0];
	_ =	sdelay $0x4  }
0xe1: {  	v4 =	vshll.u32 v4, $0x4  }
0xe2: {  	s1 =	sadd.s32 $0x2, s25;
	v4 =	vor.u32 v1, v4  }
0xe3: {  	v5 =	vadd.s32 s1, v3;
	_ =	sdelay $0x3  }
0xe4: {  	[tilespmem:v4+s29+$0x0] =	vst.idx.add.f32.msk $0xffff, v2  }
0xe5: {  	v4 =	vld.idx.msk [tilespmem:v5+s19+$0x0], $0xffff;
	_ =	sdelay $0x1  }
0xe6: {  	s0 =	sand.u32 $0x3E00, s0  }
0xe7: {  	s4 =	sand.u32 $0x70, s31;
	s0 =	sshrl.u32 s0, $0x2  }
0xe8: {  	s0 =	sor.u32 s4, s0  }
0xe9: {  	[tilespmem:s0+$0x3370] =	vst v4  }
0xea: {  	_ =	swait.ge [sflag:s30], $0xC800  }
0xeb: {  	[sflag:s30] =	ssyncset.done $0x0  }
0xec: {  	s8 =	simm.s32 $0x3370;
	[sflag:s30] =	ssyncadd.s32 $0xFFFF3800  }
0xed: {  	[spmem:s3] =	stream.indirect.scatter.add.f32 [tilespmem:s26], [sflag:$0x4], $0x10, s8, s18, $0xb8;
	[tilespmem:$0x127F0] =	vst v63  }
0xee: {  	_ =	swait.ge [sflag:s17], $0x800  }
0xef: {  	[sflag:s17] =	ssyncset.done $0x0  }
0xf0: {  	s25 =	simm.s32 $0x33F0;
	s31 =	simm.s32 $0x47F0;
	[sflag:s17] =	ssyncadd.s32 $0xFFFFF800  }
0xf1: {  	[spmem:s3] =	stream.indirect.scatter.add.f32 [tilespmem:s31], [sflag:$0x4], $0x10, s25, s18, $0xb8;
	[tilespmem:$0x127F0] =	vst v63  }
0xf2: {  	_ =	swait.ge [sflag:s17], $0x800  }
0xf3: {  	[sflag:s17] =	ssyncset.done $0x0  }
0xf4: {  	s4 =	simm.s32 $0x3470;
	s8 =	simm.s32 $0x4FF0;
	[sflag:s17] =	ssyncadd.s32 $0xFFFFF800  }
0xf5: {  	[spmem:s3] =	stream.indirect.scatter.add.f32 [tilespmem:s8], [sflag:$0x4], $0x10, s4, s18, $0xb8;
	[tilespmem:$0x127F0] =	vst v63  }
0xf6: {  	_ =	swait.ge [sflag:s17], $0x800  }
0xf7: {  	[sflag:s17] =	ssyncset.done $0x0  }
0xf8: {  	s25 =	simm.s32 $0x34F0;
	s31 =	simm.s32 $0x57F0;
	[sflag:s17] =	ssyncadd.s32 $0xFFFFF800  }
0xf9: {  	[spmem:s3] =	stream.indirect.scatter.add.f32 [tilespmem:s31], [sflag:$0x4], $0x10, s25, s18, $0xb8;
	[tilespmem:$0x127F0] =	vst v63  }
0xfa: {  	_ =	swait.ge [sflag:s17], $0x800  }
0xfb: {  	[sflag:s17] =	ssyncset.done $0x0  }
0xfc: {  	s4 =	simm.s32 $0x3570;
	s8 =	simm.s32 $0x5FF0;
	[sflag:s17] =	ssyncadd.s32 $0xFFFFF800  }
0xfd: {  	[spmem:s3] =	stream.indirect.scatter.add.f32 [tilespmem:s8], [sflag:$0x4], $0x10, s4, s18, $0xb8;
	[tilespmem:$0x127F0] =	vst v63  }
0xfe: {  	_ =	swait.ge [sflag:s17], $0x800  }
0xff: {  	[sflag:s17] =	ssyncset.done $0x0  }
0x100: {  	s25 =	simm.s32 $0x35F0;
	s31 =	simm.s32 $0x67F0;
	[sflag:s17] =	ssyncadd.s32 $0xFFFFF800  }
0x101: {  	[spmem:s3] =	stream.indirect.scatter.add.f32 [tilespmem:s31], [sflag:$0x4], $0x10, s25, s18, $0xb8;
	[tilespmem:$0x127F0] =	vst v63  }
0x102: {  	_ =	swait.ge [sflag:s17], $0x800  }
0x103: {  	[sflag:s17] =	ssyncset.done $0x0  }
0x104: {  	s4 =	simm.s32 $0x3670;
	s8 =	simm.s32 $0x6FF0;
	[sflag:s17] =	ssyncadd.s32 $0xFFFFF800  }
0x105: {  	[spmem:s3] =	stream.indirect.scatter.add.f32 [tilespmem:s8], [sflag:$0x4], $0x10, s4, s18, $0xb8;
	[tilespmem:$0x127F0] =	vst v63  }
0x106: {  	_ =	swait.ge [sflag:s17], $0x800  }
0x107: {  	[sflag:s17] =	ssyncset.done $0x0  }
0x108: {  	s25 =	simm.s32 $0x36F0;
	s31 =	simm.s32 $0x77F0;
	[sflag:s17] =	ssyncadd.s32 $0xFFFFF800  }
0x109: {  	[spmem:s3] =	stream.indirect.scatter.add.f32 [tilespmem:s31], [sflag:$0x4], $0x10, s25, s18, $0xb8;
	[tilespmem:$0x127F0] =	vst v63  }
0x10a: {  	_ =	swait.ge [sflag:s17], $0x800  }
0x10b: {  	[sflag:s17] =	ssyncset.done $0x0  }
0x10c: {  	s4 =	simm.s32 $0x3770;
	s8 =	simm.s32 $0x7FF0;
	[sflag:s17] =	ssyncadd.s32 $0xFFFFF800  }
0x10d: {  	[spmem:s3] =	stream.indirect.scatter.add.f32 [tilespmem:s8], [sflag:$0x4], $0x10, s4, s18, $0xb8;
	[tilespmem:$0x127F0] =	vst v63  }
0x10e: {  	_ =	swait.ge [sflag:s17], $0x800  }
0x10f: {  	[sflag:s17] =	ssyncset.done $0x0  }
0x110: {  	s25 =	simm.s32 $0x37F0;
	s31 =	simm.s32 $0x87F0;
	[sflag:s17] =	ssyncadd.s32 $0xFFFFF800  }
0x111: {  	[spmem:s3] =	stream.indirect.scatter.add.f32 [tilespmem:s31], [sflag:$0x4], $0x10, s25, s18, $0xb8;
	[tilespmem:$0x127F0] =	vst v63  }
0x112: {  	_ =	swait.ge [sflag:s17], $0x800  }
0x113: {  	[sflag:s17] =	ssyncset.done $0x0  }
0x114: {  	s4 =	simm.s32 $0x3870;
	s8 =	simm.s32 $0x8FF0;
	[sflag:s17] =	ssyncadd.s32 $0xFFFFF800  }
0x115: {  	[spmem:s3] =	stream.indirect.scatter.add.f32 [tilespmem:s8], [sflag:$0x4], $0x10, s4, s18, $0xb8;
	[tilespmem:$0x127F0] =	vst v63  }
0x116: {  	_ =	swait.ge [sflag:s17], $0x800  }
0x117: {  	[sflag:s17] =	ssyncset.done $0x0  }
0x118: {  	s25 =	simm.s32 $0x38F0;
	s31 =	simm.s32 $0x97F0;
	[sflag:s17] =	ssyncadd.s32 $0xFFFFF800  }
0x119: {  	[spmem:s3] =	stream.indirect.scatter.add.f32 [tilespmem:s31], [sflag:$0x4], $0x10, s25, s18, $0xb8;
	[tilespmem:$0x127F0] =	vst v63  }
0x11a: {  	_ =	swait.ge [sflag:s17], $0x800  }
0x11b: {  	[sflag:s17] =	ssyncset.done $0x0  }
0x11c: {  	s4 =	simm.s32 $0x3970;
	s8 =	simm.s32 $0x9FF0;
	[sflag:s17] =	ssyncadd.s32 $0xFFFFF800  }
0x11d: {  	[spmem:s3] =	stream.indirect.scatter.add.f32 [tilespmem:s8], [sflag:$0x4], $0x10, s4, s18, $0xb8;
	[tilespmem:$0x127F0] =	vst v63  }
0x11e: {  	_ =	swait.ge [sflag:s17], $0x800  }
0x11f: {  	[sflag:s17] =	ssyncset.done $0x0  }
0x120: {  	s25 =	simm.s32 $0x39F0;
	s31 =	simm.s32 $0xA7F0;
	[sflag:s17] =	ssyncadd.s32 $0xFFFFF800  }
0x121: {  	[spmem:s3] =	stream.indirect.scatter.add.f32 [tilespmem:s31], [sflag:$0x4], $0x10, s25, s18, $0xb8;
	[tilespmem:$0x127F0] =	vst v63  }
0x122: {  	_ =	swait.ge [sflag:s17], $0x800  }
0x123: {  	[sflag:s17] =	ssyncset.done $0x0  }
0x124: {  	s4 =	simm.s32 $0x3A70;
	s8 =	simm.s32 $0xAFF0;
	[sflag:s17] =	ssyncadd.s32 $0xFFFFF800  }
0x125: {  	[spmem:s3] =	stream.indirect.scatter.add.f32 [tilespmem:s8], [sflag:$0x4], $0x10, s4, s18, $0xb8;
	[tilespmem:$0x127F0] =	vst v63  }
0x126: {  	_ =	swait.ge [sflag:s17], $0x800  }
0x127: {  	[sflag:s17] =	ssyncset.done $0x0  }
0x128: {  	s25 =	simm.s32 $0x3AF0;
	s31 =	simm.s32 $0xB7F0;
	[sflag:s17] =	ssyncadd.s32 $0xFFFFF800  }
0x129: {  	[spmem:s3] =	stream.indirect.scatter.add.f32 [tilespmem:s31], [sflag:$0x4], $0x10, s25, s18, $0xb8;
	[tilespmem:$0x127F0] =	vst v63  }
0x12a: {  	_ =	swait.ge [sflag:s17], $0x800  }
0x12b: {  	[sflag:s17] =	ssyncset.done $0x0  }
0x12c: {  	s4 =	simm.s32 $0x3B70;
	s8 =	simm.s32 $0xBFF0;
	[sflag:s17] =	ssyncadd.s32 $0xFFFFF800  }
0x12d: {  	[spmem:s3] =	stream.indirect.scatter.add.f32 [tilespmem:s8], [sflag:$0x4], $0x10, s4, s18, $0xb8;
	[tilespmem:$0x127F0] =	vst v63  }
0x12e: {  	_ =	swait.ge [sflag:s17], $0x800  }
0x12f: {  	[sflag:s17] =	ssyncset.done $0x0  }
0x130: {  	s25 =	simm.s32 $0x3BF0;
	s31 =	simm.s32 $0xC7F0;
	[sflag:s17] =	ssyncadd.s32 $0xFFFFF800  }
0x131: {  	[spmem:s3] =	stream.indirect.scatter.add.f32 [tilespmem:s31], [sflag:$0x4], $0x10, s25, s18, $0xb8;
	[tilespmem:$0x127F0] =	vst v63  }
0x132: {  	_ =	swait.ge [sflag:s17], $0x800  }
0x133: {  	[sflag:s17] =	ssyncset.done $0x0  }
0x134: {  	s4 =	simm.s32 $0x3C70;
	s8 =	simm.s32 $0xCFF0;
	[sflag:s17] =	ssyncadd.s32 $0xFFFFF800  }
0x135: {  	[spmem:s3] =	stream.indirect.scatter.add.f32 [tilespmem:s8], [sflag:$0x4], $0x10, s4, s18, $0xb8;
	[tilespmem:$0x127F0] =	vst v63  }
0x136: {  	_ =	swait.ge [sflag:s17], $0x800  }
0x137: {  	[sflag:s17] =	ssyncset.done $0x0  }
0x138: {  	s25 =	simm.s32 $0x3CF0;
	s31 =	simm.s32 $0xD7F0;
	[sflag:s17] =	ssyncadd.s32 $0xFFFFF800  }
0x139: {  	[spmem:s3] =	stream.indirect.scatter.add.f32 [tilespmem:s31], [sflag:$0x4], $0x10, s25, s18, $0xb8;
	[tilespmem:$0x127F0] =	vst v63  }
0x13a: {  	_ =	swait.ge [sflag:s17], $0x800  }
0x13b: {  	[sflag:s17] =	ssyncset.done $0x0  }
0x13c: {  	[sflag:s17] =	ssyncadd.s32 $0xFFFFF800  }
0x13d: {  	[spmem:s3] =	stream.indirect.scatter.add.f32 [tilespmem:s10], [sflag:$0x4], $0x10, s9, s18, $0xb8;
	[tilespmem:$0x127F0] =	vst v63  }
0x13e: {  	_ =	swait.ge [sflag:s17], $0x800  }
0x13f: {  	[sflag:s17] =	ssyncset.done $0x0  }
0x140: {  	[sflag:s17] =	ssyncadd.s32 $0xFFFFF800  }
0x141: {  	[spmem:s3] =	stream.indirect.scatter.add.f32 [tilespmem:s12], [sflag:$0x4], $0x10, s11, s18, $0xb8;
	[tilespmem:$0x127F0] =	vst v63  }
0x142: {  	_ =	swait.ge [sflag:s17], $0x800  }
0x143: {  	[sflag:s17] =	ssyncset.done $0x0  }
0x144: {  	[sflag:s17] =	ssyncadd.s32 $0xFFFFF800  }
0x145: {  	[spmem:s3] =	stream.indirect.scatter.add.f32 [tilespmem:s14], [sflag:$0x4], $0x10, s13, s18, $0xb8;
	[tilespmem:$0x127F0] =	vst v63  }
0x146: {  	_ =	swait.ge [sflag:s17], $0x800  }
0x147: {  	[sflag:s17] =	ssyncset.done $0x0  }
0x148: {  	[sflag:s17] =	ssyncadd.s32 $0xFFFFF800  }
0x149: {  	[spmem:s3] =	stream.indirect.scatter.add.f32 [tilespmem:s21], [sflag:$0x4], $0x10, s20, s18, $0xb8;
	[tilespmem:$0x127F0] =	vst v63  }
0x14a: {  	_ =	swait.ge [sflag:s17], $0x800  }
0x14b: {  	[sflag:s17] =	ssyncset.done $0x0  }
.Ltmp7:
0x14c: {  	[sflag:s17] =	ssyncadd.s32 $0xFFFFF800;
	(pc) =	sbr.rel .LBB2_8-.Ltmp7, $4  }
0x14d: {  	[spmem:s3] =	stream.indirect.scatter.add.f32 [tilespmem:s23], [sflag:$0x3], $0x10, s22, s18, $0xb8;
	[tilespmem:$0x127F0] =	vst v63  }
0x14e: {  	_ =	swait.ge [sflag:s15], $0x800  }
0x14f: {  	[sflag:s15] =	ssyncset.done $0x0  }
0x150: {  	[sflag:s15] =	ssyncadd.s32 $0xFFFFF800  }
.LBB2_10:
0x151: {  	_ =	sfence.sel $0x180000  }
0x152: {  	[bflag:$0x0] =	sbarrier.arrive $0xFFFF  }
0x153: {  	_ =	strace $0x9000004A  }
0x154: {  	[bflag:$0x2] =	sbarrier.arrive $0xFFFF  }
0x155: {  	s0 =	rddreg [dreg:$0x5]  }
0x156: {  	s0 =	sadd.s32 @!p0 $0x100000, s0  }
0x157: {  	[sflag:s0] =	ssyncadd.tile.s32 @!p0 $0x1;
	_ =	shalt  }
.Lfunc_end2:
_tile_overlayer_lowered:
.L_overlay_start_2:
0x158: {  	(tag) =	ssettag $0x2  }
0x159: {  	s0 =	rddreg [dreg:$0x0];
	s2 =	stileid.u32  }
0x15a: {  	s1 =	rddreg [dreg:$0x1];
	p0 =	sne.s32 s2, $0x0  }
0x15b: {  	s3 =	rddreg [dreg:$0x2];
	[bflag:$0x3] =	sbarrier.arrive $0xFFFF;
	s2 =	simm.s32 @!p0 $0x1C03  }
0x15c: {  	[timem:s3], [sflag:s2] =	dma.local @!p0 [hbm:s0], s1  }
0x15d: {  	s0 =	simm.s32 @!p0 $0x3  }
0x15e: {  	_ =	swait.ge @!p0 [sflag:s0], s1  }
0x15f: {  	s1 =	ssub.s32 @!p0 $0x0, s1;
	[sflag:s0] =	ssyncset.done @!p0 $0x0  }
0x160: {  	[sflag:s0] =	ssyncadd.s32 @!p0 s1  }
0x161: {  	[bflag:$0x3] =	sbarrier.arrive $0xFFFF  }
0x162: {  	_ =	shalt  }

</sc_bundles>
